<compile_context>
chip_gen: v7x
topology: tpu7x:2x2x1
jax: 0.10.2.dev20260603
libtpu: 0.0.44.dev20260713+nightly
codegen_flags: <defaults>
</compile_context>

<pallas_src>
import functools

import jax
import jax.numpy as jnp
from jax import lax
from jax.experimental import pallas as pl
from jax.experimental.pallas import tpu as pltpu
from jax.experimental.pallas import tpu_sc as plsc

_NC = 2
_NS = 16
_NW = _NC * _NS


def _gather_kernel(n_batch, table_rows, n_idx, d):
    per_t = n_batch // _NW
    half = n_idx // 2
    slab_w = table_rows * d
    half_w = half * d

    mesh = plsc.VectorSubcoreMesh(
        core_axis_name="c", subcore_axis_name="s",
        num_cores=_NC, num_subcores=_NS)

    @functools.partial(
        pl.kernel,
        out_type=jax.ShapeDtypeStruct((n_batch, n_idx * d), jnp.float32),
        mesh=mesh,
        compiler_params=pltpu.CompilerParams(needs_layout_passes=False),
        scratch_types=[
            pltpu.VMEM((slab_w,), jnp.float32),
            pltpu.VMEM((n_idx,), jnp.int32),
            pltpu.VMEM((n_idx,), jnp.int32),
            pltpu.VMEM((half_w,), jnp.float32),
            pltpu.VMEM((half_w,), jnp.float32),
            pltpu.SemaphoreType.DMA,
            pltpu.SemaphoreType.DMA,
            pltpu.SemaphoreType.DMA,
            pltpu.SemaphoreType.DMA,
        ],
    )
    def k(table_hbm, idx_hbm, out_hbm, slab_v, idx_v, off_v, rows0_v,
          rows1_v, isem, ssem, osem0, osem1):
        rows = (rows0_v, rows1_v)
        osem = (osem0, osem1)
        wid = lax.axis_index("s") * _NC + lax.axis_index("c")
        b0 = wid * per_t

        pltpu.async_copy(
            table_hbm.at[b0], slab_v, ssem)
        pltpu.async_copy(idx_hbm, idx_v, isem).wait()

        def dec(q, _):
            sl = pl.ds(q * 16, 16)
            off_v[sl] = lax.shift_left(idx_v[sl], d.bit_length() - 1)
            return 0
        lax.fori_loop(0, n_idx // 16, dec, 0)

        lanes = lax.iota(jnp.int32, 16)
        lanes_d = lanes * d
        diags = [jnp.bitwise_and(lanes + m, d - 1) for m in range(d)]

        def fire_slab(b):
            pltpu.async_copy(table_hbm.at[b0 + b], slab_v, ssem)

        def wait_slab(b):
            pltpu.make_async_copy(table_hbm.at[b0 + b], slab_v, ssem).wait()

        def gather_half(h):
            def grp(q2, _):
                for u in range(2):
                    q = q2 * 2 + u
                    v16 = off_v[pl.ds((h * half // 16 + q) * 16, 16)]
                    j16 = lanes_d + q * (16 * d)
                    vals = [plsc.load_gather(slab_v, [v16 + diags[m]])
                            for m in range(d)]
                    for m in range(d):
                        plsc.store_scatter(rows[h], [j16 + diags[m]], vals[m])
                return 0
            lax.fori_loop(0, half // 32, grp, 0)

        def fire_scat(h, b):
            pltpu.async_copy(
                rows[h], out_hbm.at[b0 + b, pl.ds(h * half_w, half_w)],
                osem[h])

        def wait_scat(h, b):
            pltpu.make_async_copy(
                rows[h], out_hbm.at[b0 + b, pl.ds(h * half_w, half_w)],
                osem[h]).wait()

        wait_slab(0)
        for h in range(2):
            gather_half(h)
            fire_scat(h, 0)
        fire_slab(1)

        def body(t, _):
            b = 1 + t
            wait_slab(b)
            for h in range(2):
                wait_scat(h, b - 1)
                gather_half(h)
                fire_scat(h, b)
            fire_slab(b + 1)
            return 0
        lax.fori_loop(0, per_t - 2, body, 0)

        b_last = per_t - 1
        wait_slab(b_last)
        for h in range(2):
            wait_scat(h, b_last - 1)
            gather_half(h)
            fire_scat(h, b_last)
        for h in range(2):
            wait_scat(h, b_last)

    return k


def kernel(params, idx):
    n_batch, table_rows, d = params.shape
    i = idx[0, :, 0].astype(jnp.int32)
    n_idx = i.shape[0]
    table_flat = params.reshape(n_batch, table_rows * d)
    out = _gather_kernel(n_batch, table_rows, n_idx, d)(table_flat, i)
    return out.reshape(n_batch, n_idx, d)

# --- scband reference (transcript-rebuilt; emitter-appended) ---
"""Pipeline reference for scband-outlier-reject-34110630265656 (READ-ONLY COPY).

The authoritative reference and input builder live on the scoring server;
editing this copy changes nothing except your own understanding.
"""

import jax, jax.numpy as jnp
import numpy as np


def setup_inputs(seed: int = 0) -> dict:
    key = jax.random.key(seed)
    k1, k2 = jax.random.split(key)
    params = jax.random.normal(k1, (1024, 4096, 16), dtype=jnp.float32)
    idx = jax.random.randint(k2, (1, 2048, 1), 0, 4096, dtype=jnp.int64)
    return {"params": params, "idx": idx}


def reference(params, idx):
    # Faithful translation of OutlierReject.call:
    #   idx = tf.cast(idx, 'int32'); x = tf.gather(params, idx[0, :, 0], axis=-2)
    i = idx[0, :, 0].astype(jnp.int32)
    x = jnp.take(params, i, axis=-2)
    return x

if __name__ == "__main__":
    import jax
    _d = setup_inputs()
    print(jax.jit(kernel)(*tuple(_d.values())))

</pallas_src>

<mosaic_0001>
#map = affine_map<(d0, d1) -> (0, 0)>
#map1 = affine_map<(d0, d1) -> (0)>
module attributes {stable_mosaic.version = 14 : i64} {
  func.func @k(%arg0: i32, %arg1: i32, %arg2: memref<1024x65536xf32, #tpu.memory_space<hbm>>, %arg3: memref<2048xi32, #tpu.memory_space<hbm>>, %arg4: memref<1024x32768xf32, #tpu.memory_space<hbm>>, %arg5: memref<65536xf32, #tpu.memory_space<vmem>>, %arg6: memref<2048xi32, #tpu.memory_space<vmem>>, %arg7: memref<2048xi32, #tpu.memory_space<vmem>>, %arg8: memref<16384xf32, #tpu.memory_space<vmem>>, %arg9: memref<16384xf32, #tpu.memory_space<vmem>>, %arg10: memref<!tpu.dma_semaphore, #tpu.memory_space<semaphore_mem>>, %arg11: memref<!tpu.dma_semaphore, #tpu.memory_space<semaphore_mem>>, %arg12: memref<!tpu.dma_semaphore, #tpu.memory_space<semaphore_mem>>, %arg13: memref<!tpu.dma_semaphore, #tpu.memory_space<semaphore_mem>>) attributes {dimension_semantics = [#tpu.dimension_semantics<core_parallel>, #tpu.dimension_semantics<subcore_parallel>], iteration_bounds = array<i64: 2, 16>, scalar_prefetch = 0 : i64, scratch_operands = 9 : i64, tpu.core_type = #tpu.core_type<sc_vector_subcore>, window_params = [{transform_indices = #map}, {transform_indices = #map1}, {transform_indices = #map}]} {
    %mul3A = arith.constant 2 : i32
    %mul3A_0 = arith.muli %arg1, %mul3A : i32
    %add3A = arith.addi %mul3A_0, %arg0 : i32
    %mul3A_1 = arith.constant 32 : i32
    %mul3A_2 = arith.muli %add3A, %mul3A_1 : i32
    %dma_start3A = arith.constant 0 : i32
    %dma_start3A_3 = tpu.memref_slice %arg2[%mul3A_2, %dma_start3A] : memref<1024x65536xf32, #tpu.memory_space<hbm>> -> memref<1x65536xf32, #tpu.memory_space<hbm>>
    %dma_start3A_4 = tpu.memref_squeeze %dma_start3A_3 : memref<1x65536xf32, #tpu.memory_space<hbm>> -> memref<65536xf32, #tpu.memory_space<hbm>>
    %dma_start3A_5 = arith.constant 0 : i32
    %dma_start3A_6 = tpu.memref_slice %arg2[%mul3A_2, %dma_start3A_5] : memref<1024x65536xf32, #tpu.memory_space<hbm>> -> memref<1x65536xf32, #tpu.memory_space<hbm>>
    %dma_start3A_7 = tpu.memref_squeeze %dma_start3A_6 : memref<1x65536xf32, #tpu.memory_space<hbm>> -> memref<65536xf32, #tpu.memory_space<hbm>>
    tpu.enqueue_dma source(%dma_start3A_7 : memref<65536xf32, #tpu.memory_space<hbm>>) target(%arg5 : memref<65536xf32, #tpu.memory_space<vmem>>) target_semaphore(%arg11 : memref<!tpu.dma_semaphore, #tpu.memory_space<semaphore_mem>>)
    tpu.enqueue_dma source(%arg3 : memref<2048xi32, #tpu.memory_space<hbm>>) target(%arg6 : memref<2048xi32, #tpu.memory_space<vmem>>) target_semaphore(%arg10 : memref<!tpu.dma_semaphore, #tpu.memory_space<semaphore_mem>>)
    tpu.wait_dma2 semaphore(%arg10 : memref<!tpu.dma_semaphore, #tpu.memory_space<semaphore_mem>>) src(%arg3 : memref<2048xi32, #tpu.memory_space<hbm>>) dst(%arg6 : memref<2048xi32, #tpu.memory_space<vmem>>)
    %scan3A = arith.constant 0 : i32
    %scan3A_8 = arith.constant 0 : i32
    %scan3A_9 = arith.constant 128 : i32
    %scan3A_10 = arith.addi %scan3A_8, %scan3A_9 : i32
    %scan3A_11 = arith.constant 1 : i32
    %scan3A_12 = scf.for %scan3A_234 = %scan3A_8 to %scan3A_10 step %scan3A_11 iter_args(%scan3A_235 = %scan3A) -> (i32)  : i32 {
      %mul3A_236 = arith.constant 16 : i32
      %mul3A_237 = arith.muli %scan3A_234, %mul3A_236 : i32
      %get3A = arith.index_cast %mul3A_237 : i32 to index
      %get3A_238 = tpu.vector_load %arg6[%get3A] {strides = array<i32>} : memref<2048xi32, #tpu.memory_space<vmem>>, vector<16xi32>,
      %shift_left3A = arith.constant 4 : i32
      %shift_left3A_239 = vector.broadcast %shift_left3A : i32 to vector<16xi32>
      %shift_left3A_240 = arith.shli %get3A_238, %shift_left3A_239 : vector<16xi32>
      %swap3A = arith.index_cast %mul3A_237 : i32 to index
      %swap3A_241 = tpu.vector_load %arg7[%swap3A] {strides = array<i32>} : memref<2048xi32, #tpu.memory_space<vmem>>, vector<16xi32>,
      tpu.vector_store %arg7[%swap3A], %shift_left3A_240 {strides = array<i32>} : memref<2048xi32, #tpu.memory_space<vmem>>, vector<16xi32>,
      %scan3A_242 = arith.constant 0 : i32
      scf.yield %scan3A_242 : i32
    }
    %scan3A_13 = arith.constant 128 : i32
    %iota3A = tpu.iota {dimensions = array<i32: 0>} : vector<16xi32>
    %mul3A_14 = arith.constant 16 : i32
    %mul3A_15 = vector.broadcast %mul3A_14 : i32 to vector<16xi32>
    %mul3A_16 = arith.muli %iota3A, %mul3A_15 : vector<16xi32>
    %add3A_17 = arith.constant 0 : i32
    %add3A_18 = vector.broadcast %add3A_17 : i32 to vector<16xi32>
    %add3A_19 = arith.addi %iota3A, %add3A_18 : vector<16xi32>
    %and3A = arith.constant 15 : i32
    %and3A_20 = vector.broadcast %and3A : i32 to vector<16xi32>
    %and3A_21 = arith.andi %add3A_19, %and3A_20 : vector<16xi32>
    %add3A_22 = arith.constant 1 : i32
    %add3A_23 = vector.broadcast %add3A_22 : i32 to vector<16xi32>
    %add3A_24 = arith.addi %iota3A, %add3A_23 : vector<16xi32>
    %and3A_25 = arith.constant 15 : i32
    %and3A_26 = vector.broadcast %and3A_25 : i32 to vector<16xi32>
    %and3A_27 = arith.andi %add3A_24, %and3A_26 : vector<16xi32>
    %add3A_28 = arith.constant 2 : i32
    %add3A_29 = vector.broadcast %add3A_28 : i32 to vector<16xi32>
    %add3A_30 = arith.addi %iota3A, %add3A_29 : vector<16xi32>
    %and3A_31 = arith.constant 15 : i32
    %and3A_32 = vector.broadcast %and3A_31 : i32 to vector<16xi32>
    %and3A_33 = arith.andi %add3A_30, %and3A_32 : vector<16xi32>
    %add3A_34 = arith.constant 3 : i32
    %add3A_35 = vector.broadcast %add3A_34 : i32 to vector<16xi32>
    %add3A_36 = arith.addi %iota3A, %add3A_35 : vector<16xi32>
    %and3A_37 = arith.constant 15 : i32
    %and3A_38 = vector.broadcast %and3A_37 : i32 to vector<16xi32>
    %and3A_39 = arith.andi %add3A_36, %and3A_38 : vector<16xi32>
    %add3A_40 = arith.constant 4 : i32
    %add3A_41 = vector.broadcast %add3A_40 : i32 to vector<16xi32>
    %add3A_42 = arith.addi %iota3A, %add3A_41 : vector<16xi32>
    %and3A_43 = arith.constant 15 : i32
    %and3A_44 = vector.broadcast %and3A_43 : i32 to vector<16xi32>
    %and3A_45 = arith.andi %add3A_42, %and3A_44 : vector<16xi32>
    %add3A_46 = arith.constant 5 : i32
    %add3A_47 = vector.broadcast %add3A_46 : i32 to vector<16xi32>
    %add3A_48 = arith.addi %iota3A, %add3A_47 : vector<16xi32>
    %and3A_49 = arith.constant 15 : i32
    %and3A_50 = vector.broadcast %and3A_49 : i32 to vector<16xi32>
    %and3A_51 = arith.andi %add3A_48, %and3A_50 : vector<16xi32>
    %add3A_52 = arith.constant 6 : i32
    %add3A_53 = vector.broadcast %add3A_52 : i32 to vector<16xi32>
    %add3A_54 = arith.addi %iota3A, %add3A_53 : vector<16xi32>
    %and3A_55 = arith.constant 15 : i32
    %and3A_56 = vector.broadcast %and3A_55 : i32 to vector<16xi32>
    %and3A_57 = arith.andi %add3A_54, %and3A_56 : vector<16xi32>
    %add3A_58 = arith.constant 7 : i32
    %add3A_59 = vector.broadcast %add3A_58 : i32 to vector<16xi32>
    %add3A_60 = arith.addi %iota3A, %add3A_59 : vector<16xi32>
    %and3A_61 = arith.constant 15 : i32
    %and3A_62 = vector.broadcast %and3A_61 : i32 to vector<16xi32>
    %and3A_63 = arith.andi %add3A_60, %and3A_62 : vector<16xi32>
    %add3A_64 = arith.constant 8 : i32
    %add3A_65 = vector.broadcast %add3A_64 : i32 to vector<16xi32>
    %add3A_66 = arith.addi %iota3A, %add3A_65 : vector<16xi32>
    %and3A_67 = arith.constant 15 : i32
    %and3A_68 = vector.broadcast %and3A_67 : i32 to vector<16xi32>
    %and3A_69 = arith.andi %add3A_66, %and3A_68 : vector<16xi32>
    %add3A_70 = arith.constant 9 : i32
    %add3A_71 = vector.broadcast %add3A_70 : i32 to vector<16xi32>
    %add3A_72 = arith.addi %iota3A, %add3A_71 : vector<16xi32>
    %and3A_73 = arith.constant 15 : i32
    %and3A_74 = vector.broadcast %and3A_73 : i32 to vector<16xi32>
    %and3A_75 = arith.andi %add3A_72, %and3A_74 : vector<16xi32>
    %add3A_76 = arith.constant 10 : i32
    %add3A_77 = vector.broadcast %add3A_76 : i32 to vector<16xi32>
    %add3A_78 = arith.addi %iota3A, %add3A_77 : vector<16xi32>
    %and3A_79 = arith.constant 15 : i32
    %and3A_80 = vector.broadcast %and3A_79 : i32 to vector<16xi32>
    %and3A_81 = arith.andi %add3A_78, %and3A_80 : vector<16xi32>
    %add3A_82 = arith.constant 11 : i32
    %add3A_83 = vector.broadcast %add3A_82 : i32 to vector<16xi32>
    %add3A_84 = arith.addi %iota3A, %add3A_83 : vector<16xi32>
    %and3A_85 = arith.constant 15 : i32
    %and3A_86 = vector.broadcast %and3A_85 : i32 to vector<16xi32>
    %and3A_87 = arith.andi %add3A_84, %and3A_86 : vector<16xi32>
    %add3A_88 = arith.constant 12 : i32
    %add3A_89 = vector.broadcast %add3A_88 : i32 to vector<16xi32>
    %add3A_90 = arith.addi %iota3A, %add3A_89 : vector<16xi32>
    %and3A_91 = arith.constant 15 : i32
    %and3A_92 = vector.broadcast %and3A_91 : i32 to vector<16xi32>
    %and3A_93 = arith.andi %add3A_90, %and3A_92 : vector<16xi32>
    %add3A_94 = arith.constant 13 : i32
    %add3A_95 = vector.broadcast %add3A_94 : i32 to vector<16xi32>
    %add3A_96 = arith.addi %iota3A, %add3A_95 : vector<16xi32>
    %and3A_97 = arith.constant 15 : i32
    %and3A_98 = vector.broadcast %and3A_97 : i32 to vector<16xi32>
    %and3A_99 = arith.andi %add3A_96, %and3A_98 : vector<16xi32>
    %add3A_100 = arith.constant 14 : i32
    %add3A_101 = vector.broadcast %add3A_100 : i32 to vector<16xi32>
    %add3A_102 = arith.addi %iota3A, %add3A_101 : vector<16xi32>
    %and3A_103 = arith.constant 15 : i32
    %and3A_104 = vector.broadcast %and3A_103 : i32 to vector<16xi32>
    %and3A_105 = arith.andi %add3A_102, %and3A_104 : vector<16xi32>
    %add3A_106 = arith.constant 15 : i32
    %add3A_107 = vector.broadcast %add3A_106 : i32 to vector<16xi32>
    %add3A_108 = arith.addi %iota3A, %add3A_107 : vector<16xi32>
    %and3A_109 = arith.constant 15 : i32
    %and3A_110 = vector.broadcast %and3A_109 : i32 to vector<16xi32>
    %and3A_111 = arith.andi %add3A_108, %and3A_110 : vector<16xi32>
    %add3A_112 = arith.constant 0 : i32
    %add3A_113 = arith.addi %mul3A_2, %add3A_112 : i32
    %dma_wait3A = arith.constant 0 : i32
    %dma_wait3A_114 = tpu.memref_slice %arg2[%add3A_113, %dma_wait3A] : memref<1024x65536xf32, #tpu.memory_space<hbm>> -> memref<1x65536xf32, #tpu.memory_space<hbm>>
    %dma_wait3A_115 = tpu.memref_squeeze %dma_wait3A_114 : memref<1x65536xf32, #tpu.memory_space<hbm>> -> memref<65536xf32, #tpu.memory_space<hbm>>
    %dma_wait3A_116 = arith.constant 0 : i32
    %dma_wait3A_117 = tpu.memref_slice %arg2[%add3A_113, %dma_wait3A_116] : memref<1024x65536xf32, #tpu.memory_space<hbm>> -> memref<1x65536xf32, #tpu.memory_space<hbm>>
    %dma_wait3A_118 = tpu.memref_squeeze %dma_wait3A_117 : memref<1x65536xf32, #tpu.memory_space<hbm>> -> memref<65536xf32, #tpu.memory_space<hbm>>
    tpu.wait_dma2 semaphore(%arg11 : memref<!tpu.dma_semaphore, #tpu.memory_space<semaphore_mem>>) src(%dma_wait3A_118 : memref<65536xf32, #tpu.memory_space<hbm>>) dst(%arg5 : memref<65536xf32, #tpu.memory_space<vmem>>)
    %scan3A_119 = arith.constant 0 : i32
    %scan3A_120 = arith.constant 0 : i32
    %scan3A_121 = arith.constant 32 : i32
    %scan3A_122 = arith.addi %scan3A_120, %scan3A_121 : i32
    %scan3A_123 = arith.constant 1 : i32
    %scan3A_124 = scf.for %scan3A_234 = %scan3A_120 to %scan3A_122 step %scan3A_123 iter_args(%scan3A_235 = %scan3A_119) -> (i32)  : i32 {
      %mul3A_236 = arith.constant 2 : i32
      %mul3A_237 = arith.muli %scan3A_234, %mul3A_236 : i32
      %add3A_238 = arith.constant 0 : i32
      %add3A_239 = arith.addi %mul3A_237, %add3A_238 : i32
      %add3A_240 = arith.constant 0 : i32
      %add3A_241 = arith.addi %add3A_240, %add3A_239 : i32
      %mul3A_242 = arith.constant 16 : i32
      %mul3A_243 = arith.muli %add3A_241, %mul3A_242 : i32
      %get3A = arith.index_cast %mul3A_243 : i32 to index
      %get3A_244 = tpu.vector_load %arg7[%get3A] {strides = array<i32>} : memref<2048xi32, #tpu.memory_space<vmem>>, vector<16xi32>,
      %mul3A_245 = arith.constant 256 : i32
      %mul3A_246 = arith.muli %add3A_239, %mul3A_245 : i32
      %add3A_247 = vector.broadcast %mul3A_246 : i32 to vector<16xi32>
      %add3A_248 = arith.addi %mul3A_16, %add3A_247 : vector<16xi32>
      %add3A_249 = arith.addi %get3A_244, %and3A_21 : vector<16xi32>
      %gather3A = tpu.vector_load_idx %arg5[%add3A_249] : memref<65536xf32, #tpu.memory_space<vmem>>[vector<16xi32>], vector<16xf32>,
      %add3A_250 = arith.addi %get3A_244, %and3A_27 : vector<16xi32>
      %gather3A_251 = tpu.vector_load_idx %arg5[%add3A_250] : memref<65536xf32, #tpu.memory_space<vmem>>[vector<16xi32>], vector<16xf32>,
      %add3A_252 = arith.addi %get3A_244, %and3A_33 : vector<16xi32>
      %gather3A_253 = tpu.vector_load_idx %arg5[%add3A_252] : memref<65536xf32, #tpu.memory_space<vmem>>[vector<16xi32>], vector<16xf32>,
      %add3A_254 = arith.addi %get3A_244, %and3A_39 : vector<16xi32>
      %gather3A_255 = tpu.vector_load_idx %arg5[%add3A_254] : memref<65536xf32, #tpu.memory_space<vmem>>[vector<16xi32>], vector<16xf32>,
      %add3A_256 = arith.addi %get3A_244, %and3A_45 : vector<16xi32>
      %gather3A_257 = tpu.vector_load_idx %arg5[%add3A_256] : memref<65536xf32, #tpu.memory_space<vmem>>[vector<16xi32>], vector<16xf32>,
      %add3A_258 = arith.addi %get3A_244, %and3A_51 : vector<16xi32>
      %gather3A_259 = tpu.vector_load_idx %arg5[%add3A_258] : memref<65536xf32, #tpu.memory_space<vmem>>[vector<16xi32>], vector<16xf32>,
      %add3A_260 = arith.addi %get3A_244, %and3A_57 : vector<16xi32>
      %gather3A_261 = tpu.vector_load_idx %arg5[%add3A_260] : memref<65536xf32, #tpu.memory_space<vmem>>[vector<16xi32>], vector<16xf32>,
      %add3A_262 = arith.addi %get3A_244, %and3A_63 : vector<16xi32>
      %gather3A_263 = tpu.vector_load_idx %arg5[%add3A_262] : memref<65536xf32, #tpu.memory_space<vmem>>[vector<16xi32>], vector<16xf32>,
      %add3A_264 = arith.addi %get3A_244, %and3A_69 : vector<16xi32>
      %gather3A_265 = tpu.vector_load_idx %arg5[%add3A_264] : memref<65536xf32, #tpu.memory_space<vmem>>[vector<16xi32>], vector<16xf32>,
      %add3A_266 = arith.addi %get3A_244, %and3A_75 : vector<16xi32>
      %gather3A_267 = tpu.vector_load_idx %arg5[%add3A_266] : memref<65536xf32, #tpu.memory_space<vmem>>[vector<16xi32>], vector<16xf32>,
      %add3A_268 = arith.addi %get3A_244, %and3A_81 : vector<16xi32>
      %gather3A_269 = tpu.vector_load_idx %arg5[%add3A_268] : memref<65536xf32, #tpu.memory_space<vmem>>[vector<16xi32>], vector<16xf32>,
      %add3A_270 = arith.addi %get3A_244, %and3A_87 : vector<16xi32>
      %gather3A_271 = tpu.vector_load_idx %arg5[%add3A_270] : memref<65536xf32, #tpu.memory_space<vmem>>[vector<16xi32>], vector<16xf32>,
      %add3A_272 = arith.addi %get3A_244, %and3A_93 : vector<16xi32>
      %gather3A_273 = tpu.vector_load_idx %arg5[%add3A_272] : memref<65536xf32, #tpu.memory_space<vmem>>[vector<16xi32>], vector<16xf32>,
      %add3A_274 = arith.addi %get3A_244, %and3A_99 : vector<16xi32>
      %gather3A_275 = tpu.vector_load_idx %arg5[%add3A_274] : memref<65536xf32, #tpu.memory_space<vmem>>[vector<16xi32>], vector<16xf32>,
      %add3A_276 = arith.addi %get3A_244, %and3A_105 : vector<16xi32>
      %gather3A_277 = tpu.vector_load_idx %arg5[%add3A_276] : memref<65536xf32, #tpu.memory_space<vmem>>[vector<16xi32>], vector<16xf32>,
      %add3A_278 = arith.addi %get3A_244, %and3A_111 : vector<16xi32>
      %gather3A_279 = tpu.vector_load_idx %arg5[%add3A_278] : memref<65536xf32, #tpu.memory_space<vmem>>[vector<16xi32>], vector<16xf32>,
      %add3A_280 = arith.addi %add3A_248, %and3A_21 : vector<16xi32>
      tpu.vector_store_idx %arg8[%add3A_280], %gather3A : memref<16384xf32, #tpu.memory_space<vmem>>[vector<16xi32>], vector<16xf32>,
      %add3A_281 = arith.addi %add3A_248, %and3A_27 : vector<16xi32>
      tpu.vector_store_idx %arg8[%add3A_281], %gather3A_251 : memref<16384xf32, #tpu.memory_space<vmem>>[vector<16xi32>], vector<16xf32>,
      %add3A_282 = arith.addi %add3A_248, %and3A_33 : vector<16xi32>
      tpu.vector_store_idx %arg8[%add3A_282], %gather3A_253 : memref<16384xf32, #tpu.memory_space<vmem>>[vector<16xi32>], vector<16xf32>,
      %add3A_283 = arith.addi %add3A_248, %and3A_39 : vector<16xi32>
      tpu.vector_store_idx %arg8[%add3A_283], %gather3A_255 : memref<16384xf32, #tpu.memory_space<vmem>>[vector<16xi32>], vector<16xf32>,
      %add3A_284 = arith.addi %add3A_248, %and3A_45 : vector<16xi32>
      tpu.vector_store_idx %arg8[%add3A_284], %gather3A_257 : memref<16384xf32, #tpu.memory_space<vmem>>[vector<16xi32>], vector<16xf32>,
      %add3A_285 = arith.addi %add3A_248, %and3A_51 : vector<16xi32>
      tpu.vector_store_idx %arg8[%add3A_285], %gather3A_259 : memref<16384xf32, #tpu.memory_space<vmem>>[vector<16xi32>], vector<16xf32>,
      %add3A_286 = arith.addi %add3A_248, %and3A_57 : vector<16xi32>
      tpu.vector_store_idx %arg8[%add3A_286], %gather3A_261 : memref<16384xf32, #tpu.memory_space<vmem>>[vector<16xi32>], vector<16xf32>,
      %add3A_287 = arith.addi %add3A_248, %and3A_63 : vector<16xi32>
      tpu.vector_store_idx %arg8[%add3A_287], %gather3A_263 : memref<16384xf32, #tpu.memory_space<vmem>>[vector<16xi32>], vector<16xf32>,
      %add3A_288 = arith.addi %add3A_248, %and3A_69 : vector<16xi32>
      tpu.vector_store_idx %arg8[%add3A_288], %gather3A_265 : memref<16384xf32, #tpu.memory_space<vmem>>[vector<16xi32>], vector<16xf32>,
      %add3A_289 = arith.addi %add3A_248, %and3A_75 : vector<16xi32>
      tpu.vector_store_idx %arg8[%add3A_289], %gather3A_267 : memref<16384xf32, #tpu.memory_space<vmem>>[vector<16xi32>], vector<16xf32>,
      %add3A_290 = arith.addi %add3A_248, %and3A_81 : vector<16xi32>
      tpu.vector_store_idx %arg8[%add3A_290], %gather3A_269 : memref<16384xf32, #tpu.memory_space<vmem>>[vector<16xi32>], vector<16xf32>,
      %add3A_291 = arith.addi %add3A_248, %and3A_87 : vector<16xi32>
      tpu.vector_store_idx %arg8[%add3A_291], %gather3A_271 : memref<16384xf32, #tpu.memory_space<vmem>>[vector<16xi32>], vector<16xf32>,
      %add3A_292 = arith.addi %add3A_248, %and3A_93 : vector<16xi32>
      tpu.vector_store_idx %arg8[%add3A_292], %gather3A_273 : memref<16384xf32, #tpu.memory_space<vmem>>[vector<16xi32>], vector<16xf32>,
      %add3A_293 = arith.addi %add3A_248, %and3A_99 : vector<16xi32>
      tpu.vector_store_idx %arg8[%add3A_293], %gather3A_275 : memref<16384xf32, #tpu.memory_space<vmem>>[vector<16xi32>], vector<16xf32>,
      %add3A_294 = arith.addi %add3A_248, %and3A_105 : vector<16xi32>
      tpu.vector_store_idx %arg8[%add3A_294], %gather3A_277 : memref<16384xf32, #tpu.memory_space<vmem>>[vector<16xi32>], vector<16xf32>,
      %add3A_295 = arith.addi %add3A_248, %and3A_111 : vector<16xi32>
      tpu.vector_store_idx %arg8[%add3A_295], %gather3A_279 : memref<16384xf32, #tpu.memory_space<vmem>>[vector<16xi32>], vector<16xf32>,
      %mul3A_296 = arith.constant 2 : i32
      %mul3A_297 = arith.muli %scan3A_234, %mul3A_296 : i32
      %add3A_298 = arith.constant 1 : i32
      %add3A_299 = arith.addi %mul3A_297, %add3A_298 : i32
      %add3A_300 = arith.constant 0 : i32
      %add3A_301 = arith.addi %add3A_300, %add3A_299 : i32
      %mul3A_302 = arith.constant 16 : i32
      %mul3A_303 = arith.muli %add3A_301, %mul3A_302 : i32
      %get3A_304 = arith.index_cast %mul3A_303 : i32 to index
      %get3A_305 = tpu.vector_load %arg7[%get3A_304] {strides = array<i32>} : memref<2048xi32, #tpu.memory_space<vmem>>, vector<16xi32>,
      %mul3A_306 = arith.constant 256 : i32
      %mul3A_307 = arith.muli %add3A_299, %mul3A_306 : i32
      %add3A_308 = vector.broadcast %mul3A_307 : i32 to vector<16xi32>
      %add3A_309 = arith.addi %mul3A_16, %add3A_308 : vector<16xi32>
      %add3A_310 = arith.addi %get3A_305, %and3A_21 : vector<16xi32>
      %gather3A_311 = tpu.vector_load_idx %arg5[%add3A_310] : memref<65536xf32, #tpu.memory_space<vmem>>[vector<16xi32>], vector<16xf32>,
      %add3A_312 = arith.addi %get3A_305, %and3A_27 : vector<16xi32>
      %gather3A_313 = tpu.vector_load_idx %arg5[%add3A_312] : memref<65536xf32, #tpu.memory_space<vmem>>[vector<16xi32>], vector<16xf32>,
      %add3A_314 = arith.addi %get3A_305, %and3A_33 : vector<16xi32>
      %gather3A_315 = tpu.vector_load_idx %arg5[%add3A_314] : memref<65536xf32, #tpu.memory_space<vmem>>[vector<16xi32>], vector<16xf32>,
      %add3A_316 = arith.addi %get3A_305, %and3A_39 : vector<16xi32>
      %gather3A_317 = tpu.vector_load_idx %arg5[%add3A_316] : memref<65536xf32, #tpu.memory_space<vmem>>[vector<16xi32>], vector<16xf32>,
      %add3A_318 = arith.addi %get3A_305, %and3A_45 : vector<16xi32>
      %gather3A_319 = tpu.vector_load_idx %arg5[%add3A_318] : memref<65536xf32, #tpu.memory_space<vmem>>[vector<16xi32>], vector<16xf32>,
      %add3A_320 = arith.addi %get3A_305, %and3A_51 : vector<16xi32>
      %gather3A_321 = tpu.vector_load_idx %arg5[%add3A_320] : memref<65536xf32, #tpu.memory_space<vmem>>[vector<16xi32>], vector<16xf32>,
      %add3A_322 = arith.addi %get3A_305, %and3A_57 : vector<16xi32>
      %gather3A_323 = tpu.vector_load_idx %arg5[%add3A_322] : memref<65536xf32, #tpu.memory_space<vmem>>[vector<16xi32>], vector<16xf32>,
      %add3A_324 = arith.addi %get3A_305, %and3A_63 : vector<16xi32>
      %gather3A_325 = tpu.vector_load_idx %arg5[%add3A_324] : memref<65536xf32, #tpu.memory_space<vmem>>[vector<16xi32>], vector<16xf32>,
      %add3A_326 = arith.addi %get3A_305, %and3A_69 : vector<16xi32>
      %gather3A_327 = tpu.vector_load_idx %arg5[%add3A_326] : memref<65536xf32, #tpu.memory_space<vmem>>[vector<16xi32>], vector<16xf32>,
      %add3A_328 = arith.addi %get3A_305, %and3A_75 : vector<16xi32>
      %gather3A_329 = tpu.vector_load_idx %arg5[%add3A_328] : memref<65536xf32, #tpu.memory_space<vmem>>[vector<16xi32>], vector<16xf32>,
      %add3A_330 = arith.addi %get3A_305, %and3A_81 : vector<16xi32>
      %gather3A_331 = tpu.vector_load_idx %arg5[%add3A_330] : memref<65536xf32, #tpu.memory_space<vmem>>[vector<16xi32>], vector<16xf32>,
      %add3A_332 = arith.addi %get3A_305, %and3A_87 : vector<16xi32>
      %gather3A_333 = tpu.vector_load_idx %arg5[%add3A_332] : memref<65536xf32, #tpu.memory_space<vmem>>[vector<16xi32>], vector<16xf32>,
      %add3A_334 = arith.addi %get3A_305, %and3A_93 : vector<16xi32>
      %gather3A_335 = tpu.vector_load_idx %arg5[%add3A_334] : memref<65536xf32, #tpu.memory_space<vmem>>[vector<16xi32>], vector<16xf32>,
      %add3A_336 = arith.addi %get3A_305, %and3A_99 : vector<16xi32>
      %gather3A_337 = tpu.vector_load_idx %arg5[%add3A_336] : memref<65536xf32, #tpu.memory_space<vmem>>[vector<16xi32>], vector<16xf32>,
      %add3A_338 = arith.addi %get3A_305, %and3A_105 : vector<16xi32>
      %gather3A_339 = tpu.vector_load_idx %arg5[%add3A_338] : memref<65536xf32, #tpu.memory_space<vmem>>[vector<16xi32>], vector<16xf32>,
      %add3A_340 = arith.addi %get3A_305, %and3A_111 : vector<16xi32>
      %gather3A_341 = tpu.vector_load_idx %arg5[%add3A_340] : memref<65536xf32, #tpu.memory_space<vmem>>[vector<16xi32>], vector<16xf32>,
      %add3A_342 = arith.addi %add3A_309, %and3A_21 : vector<16xi32>
      tpu.vector_store_idx %arg8[%add3A_342], %gather3A_311 : memref<16384xf32, #tpu.memory_space<vmem>>[vector<16xi32>], vector<16xf32>,
      %add3A_343 = arith.addi %add3A_309, %and3A_27 : vector<16xi32>
      tpu.vector_store_idx %arg8[%add3A_343], %gather3A_313 : memref<16384xf32, #tpu.memory_space<vmem>>[vector<16xi32>], vector<16xf32>,
      %add3A_344 = arith.addi %add3A_309, %and3A_33 : vector<16xi32>
      tpu.vector_store_idx %arg8[%add3A_344], %gather3A_315 : memref<16384xf32, #tpu.memory_space<vmem>>[vector<16xi32>], vector<16xf32>,
      %add3A_345 = arith.addi %add3A_309, %and3A_39 : vector<16xi32>
      tpu.vector_store_idx %arg8[%add3A_345], %gather3A_317 : memref<16384xf32, #tpu.memory_space<vmem>>[vector<16xi32>], vector<16xf32>,
      %add3A_346 = arith.addi %add3A_309, %and3A_45 : vector<16xi32>
      tpu.vector_store_idx %arg8[%add3A_346], %gather3A_319 : memref<16384xf32, #tpu.memory_space<vmem>>[vector<16xi32>], vector<16xf32>,
      %add3A_347 = arith.addi %add3A_309, %and3A_51 : vector<16xi32>
      tpu.vector_store_idx %arg8[%add3A_347], %gather3A_321 : memref<16384xf32, #tpu.memory_space<vmem>>[vector<16xi32>], vector<16xf32>,
      %add3A_348 = arith.addi %add3A_309, %and3A_57 : vector<16xi32>
      tpu.vector_store_idx %arg8[%add3A_348], %gather3A_323 : memref<16384xf32, #tpu.memory_space<vmem>>[vector<16xi32>], vector<16xf32>,
      %add3A_349 = arith.addi %add3A_309, %and3A_63 : vector<16xi32>
      tpu.vector_store_idx %arg8[%add3A_349], %gather3A_325 : memref<16384xf32, #tpu.memory_space<vmem>>[vector<16xi32>], vector<16xf32>,
      %add3A_350 = arith.addi %add3A_309, %and3A_69 : vector<16xi32>
      tpu.vector_store_idx %arg8[%add3A_350], %gather3A_327 : memref<16384xf32, #tpu.memory_space<vmem>>[vector<16xi32>], vector<16xf32>,
      %add3A_351 = arith.addi %add3A_309, %and3A_75 : vector<16xi32>
      tpu.vector_store_idx %arg8[%add3A_351], %gather3A_329 : memref<16384xf32, #tpu.memory_space<vmem>>[vector<16xi32>], vector<16xf32>,
      %add3A_352 = arith.addi %add3A_309, %and3A_81 : vector<16xi32>
      tpu.vector_store_idx %arg8[%add3A_352], %gather3A_331 : memref<16384xf32, #tpu.memory_space<vmem>>[vector<16xi32>], vector<16xf32>,
      %add3A_353 = arith.addi %add3A_309, %and3A_87 : vector<16xi32>
      tpu.vector_store_idx %arg8[%add3A_353], %gather3A_333 : memref<16384xf32, #tpu.memory_space<vmem>>[vector<16xi32>], vector<16xf32>,
      %add3A_354 = arith.addi %add3A_309, %and3A_93 : vector<16xi32>
      tpu.vector_store_idx %arg8[%add3A_354], %gather3A_335 : memref<16384xf32, #tpu.memory_space<vmem>>[vector<16xi32>], vector<16xf32>,
      %add3A_355 = arith.addi %add3A_309, %and3A_99 : vector<16xi32>
      tpu.vector_store_idx %arg8[%add3A_355], %gather3A_337 : memref<16384xf32, #tpu.memory_space<vmem>>[vector<16xi32>], vector<16xf32>,
      %add3A_356 = arith.addi %add3A_309, %and3A_105 : vector<16xi32>
      tpu.vector_store_idx %arg8[%add3A_356], %gather3A_339 : memref<16384xf32, #tpu.memory_space<vmem>>[vector<16xi32>], vector<16xf32>,
      %add3A_357 = arith.addi %add3A_309, %and3A_111 : vector<16xi32>
      tpu.vector_store_idx %arg8[%add3A_357], %gather3A_341 : memref<16384xf32, #tpu.memory_space<vmem>>[vector<16xi32>], vector<16xf32>,
      %scan3A_358 = arith.constant 0 : i32
      scf.yield %scan3A_358 : i32
    }
    %scan3A_125 = arith.constant 32 : i32
    %add3A_126 = arith.constant 0 : i32
    %add3A_127 = arith.addi %mul3A_2, %add3A_126 : i32
    %dma_start3A_128 = arith.constant 0 : i32
    %dma_start3A_129 = tpu.memref_slice %arg4[%add3A_127, %dma_start3A_128] : memref<1024x32768xf32, #tpu.memory_space<hbm>> -> memref<1x16384xf32, #tpu.memory_space<hbm>>
    %dma_start3A_130 = tpu.memref_squeeze %dma_start3A_129 : memref<1x16384xf32, #tpu.memory_space<hbm>> -> memref<16384xf32, #tpu.memory_space<hbm>>
    %dma_start3A_131 = arith.constant 0 : i32
    %dma_start3A_132 = tpu.memref_slice %arg4[%add3A_127, %dma_start3A_131] : memref<1024x32768xf32, #tpu.memory_space<hbm>> -> memref<1x16384xf32, #tpu.memory_space<hbm>>
    %dma_start3A_133 = tpu.memref_squeeze %dma_start3A_132 : memref<1x16384xf32, #tpu.memory_space<hbm>> -> memref<16384xf32, #tpu.memory_space<hbm>>
    tpu.enqueue_dma source(%arg8 : memref<16384xf32, #tpu.memory_space<vmem>>) target(%dma_start3A_133 : memref<16384xf32, #tpu.memory_space<hbm>>) target_semaphore(%arg12 : memref<!tpu.dma_semaphore, #tpu.memory_space<semaphore_mem>>)
    %scan3A_134 = arith.constant 0 : i32
    %scan3A_135 = arith.constant 0 : i32
    %scan3A_136 = arith.constant 32 : i32
    %scan3A_137 = arith.addi %scan3A_135, %scan3A_136 : i32
    %scan3A_138 = arith.constant 1 : i32
    %scan3A_139 = scf.for %scan3A_234 = %scan3A_135 to %scan3A_137 step %scan3A_138 iter_args(%scan3A_235 = %scan3A_134) -> (i32)  : i32 {
      %mul3A_236 = arith.constant 2 : i32
      %mul3A_237 = arith.muli %scan3A_234, %mul3A_236 : i32
      %add3A_238 = arith.constant 0 : i32
      %add3A_239 = arith.addi %mul3A_237, %add3A_238 : i32
      %add3A_240 = arith.constant 64 : i32
      %add3A_241 = arith.addi %add3A_240, %add3A_239 : i32
      %mul3A_242 = arith.constant 16 : i32
      %mul3A_243 = arith.muli %add3A_241, %mul3A_242 : i32
      %get3A = arith.index_cast %mul3A_243 : i32 to index
      %get3A_244 = tpu.vector_load %arg7[%get3A] {strides = array<i32>} : memref<2048xi32, #tpu.memory_space<vmem>>, vector<16xi32>,
      %mul3A_245 = arith.constant 256 : i32
      %mul3A_246 = arith.muli %add3A_239, %mul3A_245 : i32
      %add3A_247 = vector.broadcast %mul3A_246 : i32 to vector<16xi32>
      %add3A_248 = arith.addi %mul3A_16, %add3A_247 : vector<16xi32>
      %add3A_249 = arith.addi %get3A_244, %and3A_21 : vector<16xi32>
      %gather3A = tpu.vector_load_idx %arg5[%add3A_249] : memref<65536xf32, #tpu.memory_space<vmem>>[vector<16xi32>], vector<16xf32>,
      %add3A_250 = arith.addi %get3A_244, %and3A_27 : vector<16xi32>
      %gather3A_251 = tpu.vector_load_idx %arg5[%add3A_250] : memref<65536xf32, #tpu.memory_space<vmem>>[vector<16xi32>], vector<16xf32>,
      %add3A_252 = arith.addi %get3A_244, %and3A_33 : vector<16xi32>
      %gather3A_253 = tpu.vector_load_idx %arg5[%add3A_252] : memref<65536xf32, #tpu.memory_space<vmem>>[vector<16xi32>], vector<16xf32>,
      %add3A_254 = arith.addi %get3A_244, %and3A_39 : vector<16xi32>
      %gather3A_255 = tpu.vector_load_idx %arg5[%add3A_254] : memref<65536xf32, #tpu.memory_space<vmem>>[vector<16xi32>], vector<16xf32>,
      %add3A_256 = arith.addi %get3A_244, %and3A_45 : vector<16xi32>
      %gather3A_257 = tpu.vector_load_idx %arg5[%add3A_256] : memref<65536xf32, #tpu.memory_space<vmem>>[vector<16xi32>], vector<16xf32>,
      %add3A_258 = arith.addi %get3A_244, %and3A_51 : vector<16xi32>
      %gather3A_259 = tpu.vector_load_idx %arg5[%add3A_258] : memref<65536xf32, #tpu.memory_space<vmem>>[vector<16xi32>], vector<16xf32>,
      %add3A_260 = arith.addi %get3A_244, %and3A_57 : vector<16xi32>
      %gather3A_261 = tpu.vector_load_idx %arg5[%add3A_260] : memref<65536xf32, #tpu.memory_space<vmem>>[vector<16xi32>], vector<16xf32>,
      %add3A_262 = arith.addi %get3A_244, %and3A_63 : vector<16xi32>
      %gather3A_263 = tpu.vector_load_idx %arg5[%add3A_262] : memref<65536xf32, #tpu.memory_space<vmem>>[vector<16xi32>], vector<16xf32>,
      %add3A_264 = arith.addi %get3A_244, %and3A_69 : vector<16xi32>
      %gather3A_265 = tpu.vector_load_idx %arg5[%add3A_264] : memref<65536xf32, #tpu.memory_space<vmem>>[vector<16xi32>], vector<16xf32>,
      %add3A_266 = arith.addi %get3A_244, %and3A_75 : vector<16xi32>
      %gather3A_267 = tpu.vector_load_idx %arg5[%add3A_266] : memref<65536xf32, #tpu.memory_space<vmem>>[vector<16xi32>], vector<16xf32>,
      %add3A_268 = arith.addi %get3A_244, %and3A_81 : vector<16xi32>
      %gather3A_269 = tpu.vector_load_idx %arg5[%add3A_268] : memref<65536xf32, #tpu.memory_space<vmem>>[vector<16xi32>], vector<16xf32>,
      %add3A_270 = arith.addi %get3A_244, %and3A_87 : vector<16xi32>
      %gather3A_271 = tpu.vector_load_idx %arg5[%add3A_270] : memref<65536xf32, #tpu.memory_space<vmem>>[vector<16xi32>], vector<16xf32>,
      %add3A_272 = arith.addi %get3A_244, %and3A_93 : vector<16xi32>
      %gather3A_273 = tpu.vector_load_idx %arg5[%add3A_272] : memref<65536xf32, #tpu.memory_space<vmem>>[vector<16xi32>], vector<16xf32>,
      %add3A_274 = arith.addi %get3A_244, %and3A_99 : vector<16xi32>
      %gather3A_275 = tpu.vector_load_idx %arg5[%add3A_274] : memref<65536xf32, #tpu.memory_space<vmem>>[vector<16xi32>], vector<16xf32>,
      %add3A_276 = arith.addi %get3A_244, %and3A_105 : vector<16xi32>
      %gather3A_277 = tpu.vector_load_idx %arg5[%add3A_276] : memref<65536xf32, #tpu.memory_space<vmem>>[vector<16xi32>], vector<16xf32>,
      %add3A_278 = arith.addi %get3A_244, %and3A_111 : vector<16xi32>
      %gather3A_279 = tpu.vector_load_idx %arg5[%add3A_278] : memref<65536xf32, #tpu.memory_space<vmem>>[vector<16xi32>], vector<16xf32>,
      %add3A_280 = arith.addi %add3A_248, %and3A_21 : vector<16xi32>
      tpu.vector_store_idx %arg9[%add3A_280], %gather3A : memref<16384xf32, #tpu.memory_space<vmem>>[vector<16xi32>], vector<16xf32>,
      %add3A_281 = arith.addi %add3A_248, %and3A_27 : vector<16xi32>
      tpu.vector_store_idx %arg9[%add3A_281], %gather3A_251 : memref<16384xf32, #tpu.memory_space<vmem>>[vector<16xi32>], vector<16xf32>,
      %add3A_282 = arith.addi %add3A_248, %and3A_33 : vector<16xi32>
      tpu.vector_store_idx %arg9[%add3A_282], %gather3A_253 : memref<16384xf32, #tpu.memory_space<vmem>>[vector<16xi32>], vector<16xf32>,
      %add3A_283 = arith.addi %add3A_248, %and3A_39 : vector<16xi32>
      tpu.vector_store_idx %arg9[%add3A_283], %gather3A_255 : memref<16384xf32, #tpu.memory_space<vmem>>[vector<16xi32>], vector<16xf32>,
      %add3A_284 = arith.addi %add3A_248, %and3A_45 : vector<16xi32>
      tpu.vector_store_idx %arg9[%add3A_284], %gather3A_257 : memref<16384xf32, #tpu.memory_space<vmem>>[vector<16xi32>], vector<16xf32>,
      %add3A_285 = arith.addi %add3A_248, %and3A_51 : vector<16xi32>
      tpu.vector_store_idx %arg9[%add3A_285], %gather3A_259 : memref<16384xf32, #tpu.memory_space<vmem>>[vector<16xi32>], vector<16xf32>,
      %add3A_286 = arith.addi %add3A_248, %and3A_57 : vector<16xi32>
      tpu.vector_store_idx %arg9[%add3A_286], %gather3A_261 : memref<16384xf32, #tpu.memory_space<vmem>>[vector<16xi32>], vector<16xf32>,
      %add3A_287 = arith.addi %add3A_248, %and3A_63 : vector<16xi32>
      tpu.vector_store_idx %arg9[%add3A_287], %gather3A_263 : memref<16384xf32, #tpu.memory_space<vmem>>[vector<16xi32>], vector<16xf32>,
      %add3A_288 = arith.addi %add3A_248, %and3A_69 : vector<16xi32>
      tpu.vector_store_idx %arg9[%add3A_288], %gather3A_265 : memref<16384xf32, #tpu.memory_space<vmem>>[vector<16xi32>], vector<16xf32>,
      %add3A_289 = arith.addi %add3A_248, %and3A_75 : vector<16xi32>
      tpu.vector_store_idx %arg9[%add3A_289], %gather3A_267 : memref<16384xf32, #tpu.memory_space<vmem>>[vector<16xi32>], vector<16xf32>,
      %add3A_290 = arith.addi %add3A_248, %and3A_81 : vector<16xi32>
      tpu.vector_store_idx %arg9[%add3A_290], %gather3A_269 : memref<16384xf32, #tpu.memory_space<vmem>>[vector<16xi32>], vector<16xf32>,
      %add3A_291 = arith.addi %add3A_248, %and3A_87 : vector<16xi32>
      tpu.vector_store_idx %arg9[%add3A_291], %gather3A_271 : memref<16384xf32, #tpu.memory_space<vmem>>[vector<16xi32>], vector<16xf32>,
      %add3A_292 = arith.addi %add3A_248, %and3A_93 : vector<16xi32>
      tpu.vector_store_idx %arg9[%add3A_292], %gather3A_273 : memref<16384xf32, #tpu.memory_space<vmem>>[vector<16xi32>], vector<16xf32>,
      %add3A_293 = arith.addi %add3A_248, %and3A_99 : vector<16xi32>
      tpu.vector_store_idx %arg9[%add3A_293], %gather3A_275 : memref<16384xf32, #tpu.memory_space<vmem>>[vector<16xi32>], vector<16xf32>,
      %add3A_294 = arith.addi %add3A_248, %and3A_105 : vector<16xi32>
      tpu.vector_store_idx %arg9[%add3A_294], %gather3A_277 : memref<16384xf32, #tpu.memory_space<vmem>>[vector<16xi32>], vector<16xf32>,
      %add3A_295 = arith.addi %add3A_248, %and3A_111 : vector<16xi32>
      tpu.vector_store_idx %arg9[%add3A_295], %gather3A_279 : memref<16384xf32, #tpu.memory_space<vmem>>[vector<16xi32>], vector<16xf32>,
      %mul3A_296 = arith.constant 2 : i32
      %mul3A_297 = arith.muli %scan3A_234, %mul3A_296 : i32
      %add3A_298 = arith.constant 1 : i32
      %add3A_299 = arith.addi %mul3A_297, %add3A_298 : i32
      %add3A_300 = arith.constant 64 : i32
      %add3A_301 = arith.addi %add3A_300, %add3A_299 : i32
      %mul3A_302 = arith.constant 16 : i32
      %mul3A_303 = arith.muli %add3A_301, %mul3A_302 : i32
      %get3A_304 = arith.index_cast %mul3A_303 : i32 to index
      %get3A_305 = tpu.vector_load %arg7[%get3A_304] {strides = array<i32>} : memref<2048xi32, #tpu.memory_space<vmem>>, vector<16xi32>,
      %mul3A_306 = arith.constant 256 : i32
      %mul3A_307 = arith.muli %add3A_299, %mul3A_306 : i32
      %add3A_308 = vector.broadcast %mul3A_307 : i32 to vector<16xi32>
      %add3A_309 = arith.addi %mul3A_16, %add3A_308 : vector<16xi32>
      %add3A_310 = arith.addi %get3A_305, %and3A_21 : vector<16xi32>
      %gather3A_311 = tpu.vector_load_idx %arg5[%add3A_310] : memref<65536xf32, #tpu.memory_space<vmem>>[vector<16xi32>], vector<16xf32>,
      %add3A_312 = arith.addi %get3A_305, %and3A_27 : vector<16xi32>
      %gather3A_313 = tpu.vector_load_idx %arg5[%add3A_312] : memref<65536xf32, #tpu.memory_space<vmem>>[vector<16xi32>], vector<16xf32>,
      %add3A_314 = arith.addi %get3A_305, %and3A_33 : vector<16xi32>
      %gather3A_315 = tpu.vector_load_idx %arg5[%add3A_314] : memref<65536xf32, #tpu.memory_space<vmem>>[vector<16xi32>], vector<16xf32>,
      %add3A_316 = arith.addi %get3A_305, %and3A_39 : vector<16xi32>
      %gather3A_317 = tpu.vector_load_idx %arg5[%add3A_316] : memref<65536xf32, #tpu.memory_space<vmem>>[vector<16xi32>], vector<16xf32>,
      %add3A_318 = arith.addi %get3A_305, %and3A_45 : vector<16xi32>
      %gather3A_319 = tpu.vector_load_idx %arg5[%add3A_318] : memref<65536xf32, #tpu.memory_space<vmem>>[vector<16xi32>], vector<16xf32>,
      %add3A_320 = arith.addi %get3A_305, %and3A_51 : vector<16xi32>
      %gather3A_321 = tpu.vector_load_idx %arg5[%add3A_320] : memref<65536xf32, #tpu.memory_space<vmem>>[vector<16xi32>], vector<16xf32>,
      %add3A_322 = arith.addi %get3A_305, %and3A_57 : vector<16xi32>
      %gather3A_323 = tpu.vector_load_idx %arg5[%add3A_322] : memref<65536xf32, #tpu.memory_space<vmem>>[vector<16xi32>], vector<16xf32>,
      %add3A_324 = arith.addi %get3A_305, %and3A_63 : vector<16xi32>
      %gather3A_325 = tpu.vector_load_idx %arg5[%add3A_324] : memref<65536xf32, #tpu.memory_space<vmem>>[vector<16xi32>], vector<16xf32>,
      %add3A_326 = arith.addi %get3A_305, %and3A_69 : vector<16xi32>
      %gather3A_327 = tpu.vector_load_idx %arg5[%add3A_326] : memref<65536xf32, #tpu.memory_space<vmem>>[vector<16xi32>], vector<16xf32>,
      %add3A_328 = arith.addi %get3A_305, %and3A_75 : vector<16xi32>
      %gather3A_329 = tpu.vector_load_idx %arg5[%add3A_328] : memref<65536xf32, #tpu.memory_space<vmem>>[vector<16xi32>], vector<16xf32>,
      %add3A_330 = arith.addi %get3A_305, %and3A_81 : vector<16xi32>
      %gather3A_331 = tpu.vector_load_idx %arg5[%add3A_330] : memref<65536xf32, #tpu.memory_space<vmem>>[vector<16xi32>], vector<16xf32>,
      %add3A_332 = arith.addi %get3A_305, %and3A_87 : vector<16xi32>
      %gather3A_333 = tpu.vector_load_idx %arg5[%add3A_332] : memref<65536xf32, #tpu.memory_space<vmem>>[vector<16xi32>], vector<16xf32>,
      %add3A_334 = arith.addi %get3A_305, %and3A_93 : vector<16xi32>
      %gather3A_335 = tpu.vector_load_idx %arg5[%add3A_334] : memref<65536xf32, #tpu.memory_space<vmem>>[vector<16xi32>], vector<16xf32>,
      %add3A_336 = arith.addi %get3A_305, %and3A_99 : vector<16xi32>
      %gather3A_337 = tpu.vector_load_idx %arg5[%add3A_336] : memref<65536xf32, #tpu.memory_space<vmem>>[vector<16xi32>], vector<16xf32>,
      %add3A_338 = arith.addi %get3A_305, %and3A_105 : vector<16xi32>
      %gather3A_339 = tpu.vector_load_idx %arg5[%add3A_338] : memref<65536xf32, #tpu.memory_space<vmem>>[vector<16xi32>], vector<16xf32>,
      %add3A_340 = arith.addi %get3A_305, %and3A_111 : vector<16xi32>
      %gather3A_341 = tpu.vector_load_idx %arg5[%add3A_340] : memref<65536xf32, #tpu.memory_space<vmem>>[vector<16xi32>], vector<16xf32>,
      %add3A_342 = arith.addi %add3A_309, %and3A_21 : vector<16xi32>
      tpu.vector_store_idx %arg9[%add3A_342], %gather3A_311 : memref<16384xf32, #tpu.memory_space<vmem>>[vector<16xi32>], vector<16xf32>,
      %add3A_343 = arith.addi %add3A_309, %and3A_27 : vector<16xi32>
      tpu.vector_store_idx %arg9[%add3A_343], %gather3A_313 : memref<16384xf32, #tpu.memory_space<vmem>>[vector<16xi32>], vector<16xf32>,
      %add3A_344 = arith.addi %add3A_309, %and3A_33 : vector<16xi32>
      tpu.vector_store_idx %arg9[%add3A_344], %gather3A_315 : memref<16384xf32, #tpu.memory_space<vmem>>[vector<16xi32>], vector<16xf32>,
      %add3A_345 = arith.addi %add3A_309, %and3A_39 : vector<16xi32>
      tpu.vector_store_idx %arg9[%add3A_345], %gather3A_317 : memref<16384xf32, #tpu.memory_space<vmem>>[vector<16xi32>], vector<16xf32>,
      %add3A_346 = arith.addi %add3A_309, %and3A_45 : vector<16xi32>
      tpu.vector_store_idx %arg9[%add3A_346], %gather3A_319 : memref<16384xf32, #tpu.memory_space<vmem>>[vector<16xi32>], vector<16xf32>,
      %add3A_347 = arith.addi %add3A_309, %and3A_51 : vector<16xi32>
      tpu.vector_store_idx %arg9[%add3A_347], %gather3A_321 : memref<16384xf32, #tpu.memory_space<vmem>>[vector<16xi32>], vector<16xf32>,
      %add3A_348 = arith.addi %add3A_309, %and3A_57 : vector<16xi32>
      tpu.vector_store_idx %arg9[%add3A_348], %gather3A_323 : memref<16384xf32, #tpu.memory_space<vmem>>[vector<16xi32>], vector<16xf32>,
      %add3A_349 = arith.addi %add3A_309, %and3A_63 : vector<16xi32>
      tpu.vector_store_idx %arg9[%add3A_349], %gather3A_325 : memref<16384xf32, #tpu.memory_space<vmem>>[vector<16xi32>], vector<16xf32>,
      %add3A_350 = arith.addi %add3A_309, %and3A_69 : vector<16xi32>
      tpu.vector_store_idx %arg9[%add3A_350], %gather3A_327 : memref<16384xf32, #tpu.memory_space<vmem>>[vector<16xi32>], vector<16xf32>,
      %add3A_351 = arith.addi %add3A_309, %and3A_75 : vector<16xi32>
      tpu.vector_store_idx %arg9[%add3A_351], %gather3A_329 : memref<16384xf32, #tpu.memory_space<vmem>>[vector<16xi32>], vector<16xf32>,
      %add3A_352 = arith.addi %add3A_309, %and3A_81 : vector<16xi32>
      tpu.vector_store_idx %arg9[%add3A_352], %gather3A_331 : memref<16384xf32, #tpu.memory_space<vmem>>[vector<16xi32>], vector<16xf32>,
      %add3A_353 = arith.addi %add3A_309, %and3A_87 : vector<16xi32>
      tpu.vector_store_idx %arg9[%add3A_353], %gather3A_333 : memref<16384xf32, #tpu.memory_space<vmem>>[vector<16xi32>], vector<16xf32>,
      %add3A_354 = arith.addi %add3A_309, %and3A_93 : vector<16xi32>
      tpu.vector_store_idx %arg9[%add3A_354], %gather3A_335 : memref<16384xf32, #tpu.memory_space<vmem>>[vector<16xi32>], vector<16xf32>,
      %add3A_355 = arith.addi %add3A_309, %and3A_99 : vector<16xi32>
      tpu.vector_store_idx %arg9[%add3A_355], %gather3A_337 : memref<16384xf32, #tpu.memory_space<vmem>>[vector<16xi32>], vector<16xf32>,
      %add3A_356 = arith.addi %add3A_309, %and3A_105 : vector<16xi32>
      tpu.vector_store_idx %arg9[%add3A_356], %gather3A_339 : memref<16384xf32, #tpu.memory_space<vmem>>[vector<16xi32>], vector<16xf32>,
      %add3A_357 = arith.addi %add3A_309, %and3A_111 : vector<16xi32>
      tpu.vector_store_idx %arg9[%add3A_357], %gather3A_341 : memref<16384xf32, #tpu.memory_space<vmem>>[vector<16xi32>], vector<16xf32>,
      %scan3A_358 = arith.constant 0 : i32
      scf.yield %scan3A_358 : i32
    }
    %scan3A_140 = arith.constant 32 : i32
    %add3A_141 = arith.constant 0 : i32
    %add3A_142 = arith.addi %mul3A_2, %add3A_141 : i32
    %dma_start3A_143 = arith.constant 16384 : i32
    %dma_start3A_144 = tpu.memref_slice %arg4[%add3A_142, %dma_start3A_143] : memref<1024x32768xf32, #tpu.memory_space<hbm>> -> memref<1x16384xf32, #tpu.memory_space<hbm>>
    %dma_start3A_145 = tpu.memref_squeeze %dma_start3A_144 : memref<1x16384xf32, #tpu.memory_space<hbm>> -> memref<16384xf32, #tpu.memory_space<hbm>>
    %dma_start3A_146 = arith.constant 16384 : i32
    %dma_start3A_147 = tpu.memref_slice %arg4[%add3A_142, %dma_start3A_146] : memref<1024x32768xf32, #tpu.memory_space<hbm>> -> memref<1x16384xf32, #tpu.memory_space<hbm>>
    %dma_start3A_148 = tpu.memref_squeeze %dma_start3A_147 : memref<1x16384xf32, #tpu.memory_space<hbm>> -> memref<16384xf32, #tpu.memory_space<hbm>>
    tpu.enqueue_dma source(%arg9 : memref<16384xf32, #tpu.memory_space<vmem>>) target(%dma_start3A_148 : memref<16384xf32, #tpu.memory_space<hbm>>) target_semaphore(%arg13 : memref<!tpu.dma_semaphore, #tpu.memory_space<semaphore_mem>>)
    %add3A_149 = arith.constant 1 : i32
    %add3A_150 = arith.addi %mul3A_2, %add3A_149 : i32
    %dma_start3A_151 = arith.constant 0 : i32
    %dma_start3A_152 = tpu.memref_slice %arg2[%add3A_150, %dma_start3A_151] : memref<1024x65536xf32, #tpu.memory_space<hbm>> -> memref<1x65536xf32, #tpu.memory_space<hbm>>
    %dma_start3A_153 = tpu.memref_squeeze %dma_start3A_152 : memref<1x65536xf32, #tpu.memory_space<hbm>> -> memref<65536xf32, #tpu.memory_space<hbm>>
    %dma_start3A_154 = arith.constant 0 : i32
    %dma_start3A_155 = tpu.memref_slice %arg2[%add3A_150, %dma_start3A_154] : memref<1024x65536xf32, #tpu.memory_space<hbm>> -> memref<1x65536xf32, #tpu.memory_space<hbm>>
    %dma_start3A_156 = tpu.memref_squeeze %dma_start3A_155 : memref<1x65536xf32, #tpu.memory_space<hbm>> -> memref<65536xf32, #tpu.memory_space<hbm>>
    tpu.enqueue_dma source(%dma_start3A_156 : memref<65536xf32, #tpu.memory_space<hbm>>) target(%arg5 : memref<65536xf32, #tpu.memory_space<vmem>>) target_semaphore(%arg11 : memref<!tpu.dma_semaphore, #tpu.memory_space<semaphore_mem>>)
    %scan3A_157 = arith.constant 0 : i32
    %scan3A_158 = arith.constant 0 : i32
    %scan3A_159 = arith.constant 30 : i32
    %scan3A_160 = arith.addi %scan3A_158, %scan3A_159 : i32
    %scan3A_161 = arith.constant 1 : i32
    %scan3A_162 = scf.for %scan3A_234 = %scan3A_158 to %scan3A_160 step %scan3A_161 iter_args(%scan3A_235 = %scan3A_157) -> (i32)  : i32 {
      %add3A_236 = arith.constant 1 : i32
      %add3A_237 = arith.addi %add3A_236, %scan3A_234 : i32
      %add3A_238 = arith.addi %mul3A_2, %add3A_237 : i32
      %dma_wait3A_239 = arith.constant 0 : i32
      %dma_wait3A_240 = tpu.memref_slice %arg2[%add3A_238, %dma_wait3A_239] : memref<1024x65536xf32, #tpu.memory_space<hbm>> -> memref<1x65536xf32, #tpu.memory_space<hbm>>
      %dma_wait3A_241 = tpu.memref_squeeze %dma_wait3A_240 : memref<1x65536xf32, #tpu.memory_space<hbm>> -> memref<65536xf32, #tpu.memory_space<hbm>>
      %dma_wait3A_242 = arith.constant 0 : i32
      %dma_wait3A_243 = tpu.memref_slice %arg2[%add3A_238, %dma_wait3A_242] : memref<1024x65536xf32, #tpu.memory_space<hbm>> -> memref<1x65536xf32, #tpu.memory_space<hbm>>
      %dma_wait3A_244 = tpu.memref_squeeze %dma_wait3A_243 : memref<1x65536xf32, #tpu.memory_space<hbm>> -> memref<65536xf32, #tpu.memory_space<hbm>>
      tpu.wait_dma2 semaphore(%arg11 : memref<!tpu.dma_semaphore, #tpu.memory_space<semaphore_mem>>) src(%dma_wait3A_244 : memref<65536xf32, #tpu.memory_space<hbm>>) dst(%arg5 : memref<65536xf32, #tpu.memory_space<vmem>>)
      %sub3A = arith.constant 1 : i32
      %sub3A_245 = arith.subi %add3A_237, %sub3A : i32
      %add3A_246 = arith.addi %mul3A_2, %sub3A_245 : i32
      %dma_wait3A_247 = arith.constant 0 : i32
      %dma_wait3A_248 = tpu.memref_slice %arg4[%add3A_246, %dma_wait3A_247] : memref<1024x32768xf32, #tpu.memory_space<hbm>> -> memref<1x16384xf32, #tpu.memory_space<hbm>>
      %dma_wait3A_249 = tpu.memref_squeeze %dma_wait3A_248 : memref<1x16384xf32, #tpu.memory_space<hbm>> -> memref<16384xf32, #tpu.memory_space<hbm>>
      %dma_wait3A_250 = arith.constant 0 : i32
      %dma_wait3A_251 = tpu.memref_slice %arg4[%add3A_246, %dma_wait3A_250] : memref<1024x32768xf32, #tpu.memory_space<hbm>> -> memref<1x16384xf32, #tpu.memory_space<hbm>>
      %dma_wait3A_252 = tpu.memref_squeeze %dma_wait3A_251 : memref<1x16384xf32, #tpu.memory_space<hbm>> -> memref<16384xf32, #tpu.memory_space<hbm>>
      tpu.wait_dma2 semaphore(%arg12 : memref<!tpu.dma_semaphore, #tpu.memory_space<semaphore_mem>>) src(%arg8 : memref<16384xf32, #tpu.memory_space<vmem>>) dst(%dma_wait3A_252 : memref<16384xf32, #tpu.memory_space<hbm>>)
      %scan3A_253 = arith.constant 0 : i32
      %scan3A_254 = arith.constant 0 : i32
      %scan3A_255 = arith.constant 32 : i32
      %scan3A_256 = arith.addi %scan3A_254, %scan3A_255 : i32
      %scan3A_257 = arith.constant 1 : i32
      %scan3A_258 = scf.for %scan3A_300 = %scan3A_254 to %scan3A_256 step %scan3A_257 iter_args(%scan3A_301 = %scan3A_253) -> (i32)  : i32 {
        %mul3A_302 = arith.constant 2 : i32
        %mul3A_303 = arith.muli %scan3A_300, %mul3A_302 : i32
        %add3A_304 = arith.constant 0 : i32
        %add3A_305 = arith.addi %mul3A_303, %add3A_304 : i32
        %add3A_306 = arith.constant 0 : i32
        %add3A_307 = arith.addi %add3A_306, %add3A_305 : i32
        %mul3A_308 = arith.constant 16 : i32
        %mul3A_309 = arith.muli %add3A_307, %mul3A_308 : i32
        %get3A = arith.index_cast %mul3A_309 : i32 to index
        %get3A_310 = tpu.vector_load %arg7[%get3A] {strides = array<i32>} : memref<2048xi32, #tpu.memory_space<vmem>>, vector<16xi32>,
        %mul3A_311 = arith.constant 256 : i32
        %mul3A_312 = arith.muli %add3A_305, %mul3A_311 : i32
        %add3A_313 = vector.broadcast %mul3A_312 : i32 to vector<16xi32>
        %add3A_314 = arith.addi %mul3A_16, %add3A_313 : vector<16xi32>
        %add3A_315 = arith.addi %get3A_310, %and3A_21 : vector<16xi32>
        %gather3A = tpu.vector_load_idx %arg5[%add3A_315] : memref<65536xf32, #tpu.memory_space<vmem>>[vector<16xi32>], vector<16xf32>,
        %add3A_316 = arith.addi %get3A_310, %and3A_27 : vector<16xi32>
        %gather3A_317 = tpu.vector_load_idx %arg5[%add3A_316] : memref<65536xf32, #tpu.memory_space<vmem>>[vector<16xi32>], vector<16xf32>,
        %add3A_318 = arith.addi %get3A_310, %and3A_33 : vector<16xi32>
        %gather3A_319 = tpu.vector_load_idx %arg5[%add3A_318] : memref<65536xf32, #tpu.memory_space<vmem>>[vector<16xi32>], vector<16xf32>,
        %add3A_320 = arith.addi %get3A_310, %and3A_39 : vector<16xi32>
        %gather3A_321 = tpu.vector_load_idx %arg5[%add3A_320] : memref<65536xf32, #tpu.memory_space<vmem>>[vector<16xi32>], vector<16xf32>,
        %add3A_322 = arith.addi %get3A_310, %and3A_45 : vector<16xi32>
        %gather3A_323 = tpu.vector_load_idx %arg5[%add3A_322] : memref<65536xf32, #tpu.memory_space<vmem>>[vector<16xi32>], vector<16xf32>,
        %add3A_324 = arith.addi %get3A_310, %and3A_51 : vector<16xi32>
        %gather3A_325 = tpu.vector_load_idx %arg5[%add3A_324] : memref<65536xf32, #tpu.memory_space<vmem>>[vector<16xi32>], vector<16xf32>,
        %add3A_326 = arith.addi %get3A_310, %and3A_57 : vector<16xi32>
        %gather3A_327 = tpu.vector_load_idx %arg5[%add3A_326] : memref<65536xf32, #tpu.memory_space<vmem>>[vector<16xi32>], vector<16xf32>,
        %add3A_328 = arith.addi %get3A_310, %and3A_63 : vector<16xi32>
        %gather3A_329 = tpu.vector_load_idx %arg5[%add3A_328] : memref<65536xf32, #tpu.memory_space<vmem>>[vector<16xi32>], vector<16xf32>,
        %add3A_330 = arith.addi %get3A_310, %and3A_69 : vector<16xi32>
        %gather3A_331 = tpu.vector_load_idx %arg5[%add3A_330] : memref<65536xf32, #tpu.memory_space<vmem>>[vector<16xi32>], vector<16xf32>,
        %add3A_332 = arith.addi %get3A_310, %and3A_75 : vector<16xi32>
        %gather3A_333 = tpu.vector_load_idx %arg5[%add3A_332] : memref<65536xf32, #tpu.memory_space<vmem>>[vector<16xi32>], vector<16xf32>,
        %add3A_334 = arith.addi %get3A_310, %and3A_81 : vector<16xi32>
        %gather3A_335 = tpu.vector_load_idx %arg5[%add3A_334] : memref<65536xf32, #tpu.memory_space<vmem>>[vector<16xi32>], vector<16xf32>,
        %add3A_336 = arith.addi %get3A_310, %and3A_87 : vector<16xi32>
        %gather3A_337 = tpu.vector_load_idx %arg5[%add3A_336] : memref<65536xf32, #tpu.memory_space<vmem>>[vector<16xi32>], vector<16xf32>,
        %add3A_338 = arith.addi %get3A_310, %and3A_93 : vector<16xi32>
        %gather3A_339 = tpu.vector_load_idx %arg5[%add3A_338] : memref<65536xf32, #tpu.memory_space<vmem>>[vector<16xi32>], vector<16xf32>,
        %add3A_340 = arith.addi %get3A_310, %and3A_99 : vector<16xi32>
        %gather3A_341 = tpu.vector_load_idx %arg5[%add3A_340] : memref<65536xf32, #tpu.memory_space<vmem>>[vector<16xi32>], vector<16xf32>,
        %add3A_342 = arith.addi %get3A_310, %and3A_105 : vector<16xi32>
        %gather3A_343 = tpu.vector_load_idx %arg5[%add3A_342] : memref<65536xf32, #tpu.memory_space<vmem>>[vector<16xi32>], vector<16xf32>,
        %add3A_344 = arith.addi %get3A_310, %and3A_111 : vector<16xi32>
        %gather3A_345 = tpu.vector_load_idx %arg5[%add3A_344] : memref<65536xf32, #tpu.memory_space<vmem>>[vector<16xi32>], vector<16xf32>,
        %add3A_346 = arith.addi %add3A_314, %and3A_21 : vector<16xi32>
        tpu.vector_store_idx %arg8[%add3A_346], %gather3A : memref<16384xf32, #tpu.memory_space<vmem>>[vector<16xi32>], vector<16xf32>,
        %add3A_347 = arith.addi %add3A_314, %and3A_27 : vector<16xi32>
        tpu.vector_store_idx %arg8[%add3A_347], %gather3A_317 : memref<16384xf32, #tpu.memory_space<vmem>>[vector<16xi32>], vector<16xf32>,
        %add3A_348 = arith.addi %add3A_314, %and3A_33 : vector<16xi32>
        tpu.vector_store_idx %arg8[%add3A_348], %gather3A_319 : memref<16384xf32, #tpu.memory_space<vmem>>[vector<16xi32>], vector<16xf32>,
        %add3A_349 = arith.addi %add3A_314, %and3A_39 : vector<16xi32>
        tpu.vector_store_idx %arg8[%add3A_349], %gather3A_321 : memref<16384xf32, #tpu.memory_space<vmem>>[vector<16xi32>], vector<16xf32>,
        %add3A_350 = arith.addi %add3A_314, %and3A_45 : vector<16xi32>
        tpu.vector_store_idx %arg8[%add3A_350], %gather3A_323 : memref<16384xf32, #tpu.memory_space<vmem>>[vector<16xi32>], vector<16xf32>,
        %add3A_351 = arith.addi %add3A_314, %and3A_51 : vector<16xi32>
        tpu.vector_store_idx %arg8[%add3A_351], %gather3A_325 : memref<16384xf32, #tpu.memory_space<vmem>>[vector<16xi32>], vector<16xf32>,
        %add3A_352 = arith.addi %add3A_314, %and3A_57 : vector<16xi32>
        tpu.vector_store_idx %arg8[%add3A_352], %gather3A_327 : memref<16384xf32, #tpu.memory_space<vmem>>[vector<16xi32>], vector<16xf32>,
        %add3A_353 = arith.addi %add3A_314, %and3A_63 : vector<16xi32>
        tpu.vector_store_idx %arg8[%add3A_353], %gather3A_329 : memref<16384xf32, #tpu.memory_space<vmem>>[vector<16xi32>], vector<16xf32>,
        %add3A_354 = arith.addi %add3A_314, %and3A_69 : vector<16xi32>
        tpu.vector_store_idx %arg8[%add3A_354], %gather3A_331 : memref<16384xf32, #tpu.memory_space<vmem>>[vector<16xi32>], vector<16xf32>,
        %add3A_355 = arith.addi %add3A_314, %and3A_75 : vector<16xi32>
        tpu.vector_store_idx %arg8[%add3A_355], %gather3A_333 : memref<16384xf32, #tpu.memory_space<vmem>>[vector<16xi32>], vector<16xf32>,
        %add3A_356 = arith.addi %add3A_314, %and3A_81 : vector<16xi32>
        tpu.vector_store_idx %arg8[%add3A_356], %gather3A_335 : memref<16384xf32, #tpu.memory_space<vmem>>[vector<16xi32>], vector<16xf32>,
        %add3A_357 = arith.addi %add3A_314, %and3A_87 : vector<16xi32>
        tpu.vector_store_idx %arg8[%add3A_357], %gather3A_337 : memref<16384xf32, #tpu.memory_space<vmem>>[vector<16xi32>], vector<16xf32>,
        %add3A_358 = arith.addi %add3A_314, %and3A_93 : vector<16xi32>
        tpu.vector_store_idx %arg8[%add3A_358], %gather3A_339 : memref<16384xf32, #tpu.memory_space<vmem>>[vector<16xi32>], vector<16xf32>,
        %add3A_359 = arith.addi %add3A_314, %and3A_99 : vector<16xi32>
        tpu.vector_store_idx %arg8[%add3A_359], %gather3A_341 : memref<16384xf32, #tpu.memory_space<vmem>>[vector<16xi32>], vector<16xf32>,
        %add3A_360 = arith.addi %add3A_314, %and3A_105 : vector<16xi32>
        tpu.vector_store_idx %arg8[%add3A_360], %gather3A_343 : memref<16384xf32, #tpu.memory_space<vmem>>[vector<16xi32>], vector<16xf32>,
        %add3A_361 = arith.addi %add3A_314, %and3A_111 : vector<16xi32>
        tpu.vector_store_idx %arg8[%add3A_361], %gather3A_345 : memref<16384xf32, #tpu.memory_space<vmem>>[vector<16xi32>], vector<16xf32>,
        %mul3A_362 = arith.constant 2 : i32
        %mul3A_363 = arith.muli %scan3A_300, %mul3A_362 : i32
        %add3A_364 = arith.constant 1 : i32
        %add3A_365 = arith.addi %mul3A_363, %add3A_364 : i32
        %add3A_366 = arith.constant 0 : i32
        %add3A_367 = arith.addi %add3A_366, %add3A_365 : i32
        %mul3A_368 = arith.constant 16 : i32
        %mul3A_369 = arith.muli %add3A_367, %mul3A_368 : i32
        %get3A_370 = arith.index_cast %mul3A_369 : i32 to index
        %get3A_371 = tpu.vector_load %arg7[%get3A_370] {strides = array<i32>} : memref<2048xi32, #tpu.memory_space<vmem>>, vector<16xi32>,
        %mul3A_372 = arith.constant 256 : i32
        %mul3A_373 = arith.muli %add3A_365, %mul3A_372 : i32
        %add3A_374 = vector.broadcast %mul3A_373 : i32 to vector<16xi32>
        %add3A_375 = arith.addi %mul3A_16, %add3A_374 : vector<16xi32>
        %add3A_376 = arith.addi %get3A_371, %and3A_21 : vector<16xi32>
        %gather3A_377 = tpu.vector_load_idx %arg5[%add3A_376] : memref<65536xf32, #tpu.memory_space<vmem>>[vector<16xi32>], vector<16xf32>,
        %add3A_378 = arith.addi %get3A_371, %and3A_27 : vector<16xi32>
        %gather3A_379 = tpu.vector_load_idx %arg5[%add3A_378] : memref<65536xf32, #tpu.memory_space<vmem>>[vector<16xi32>], vector<16xf32>,
        %add3A_380 = arith.addi %get3A_371, %and3A_33 : vector<16xi32>
        %gather3A_381 = tpu.vector_load_idx %arg5[%add3A_380] : memref<65536xf32, #tpu.memory_space<vmem>>[vector<16xi32>], vector<16xf32>,
        %add3A_382 = arith.addi %get3A_371, %and3A_39 : vector<16xi32>
        %gather3A_383 = tpu.vector_load_idx %arg5[%add3A_382] : memref<65536xf32, #tpu.memory_space<vmem>>[vector<16xi32>], vector<16xf32>,
        %add3A_384 = arith.addi %get3A_371, %and3A_45 : vector<16xi32>
        %gather3A_385 = tpu.vector_load_idx %arg5[%add3A_384] : memref<65536xf32, #tpu.memory_space<vmem>>[vector<16xi32>], vector<16xf32>,
        %add3A_386 = arith.addi %get3A_371, %and3A_51 : vector<16xi32>
        %gather3A_387 = tpu.vector_load_idx %arg5[%add3A_386] : memref<65536xf32, #tpu.memory_space<vmem>>[vector<16xi32>], vector<16xf32>,
        %add3A_388 = arith.addi %get3A_371, %and3A_57 : vector<16xi32>
        %gather3A_389 = tpu.vector_load_idx %arg5[%add3A_388] : memref<65536xf32, #tpu.memory_space<vmem>>[vector<16xi32>], vector<16xf32>,
        %add3A_390 = arith.addi %get3A_371, %and3A_63 : vector<16xi32>
        %gather3A_391 = tpu.vector_load_idx %arg5[%add3A_390] : memref<65536xf32, #tpu.memory_space<vmem>>[vector<16xi32>], vector<16xf32>,
        %add3A_392 = arith.addi %get3A_371, %and3A_69 : vector<16xi32>
        %gather3A_393 = tpu.vector_load_idx %arg5[%add3A_392] : memref<65536xf32, #tpu.memory_space<vmem>>[vector<16xi32>], vector<16xf32>,
        %add3A_394 = arith.addi %get3A_371, %and3A_75 : vector<16xi32>
        %gather3A_395 = tpu.vector_load_idx %arg5[%add3A_394] : memref<65536xf32, #tpu.memory_space<vmem>>[vector<16xi32>], vector<16xf32>,
        %add3A_396 = arith.addi %get3A_371, %and3A_81 : vector<16xi32>
        %gather3A_397 = tpu.vector_load_idx %arg5[%add3A_396] : memref<65536xf32, #tpu.memory_space<vmem>>[vector<16xi32>], vector<16xf32>,
        %add3A_398 = arith.addi %get3A_371, %and3A_87 : vector<16xi32>
        %gather3A_399 = tpu.vector_load_idx %arg5[%add3A_398] : memref<65536xf32, #tpu.memory_space<vmem>>[vector<16xi32>], vector<16xf32>,
        %add3A_400 = arith.addi %get3A_371, %and3A_93 : vector<16xi32>
        %gather3A_401 = tpu.vector_load_idx %arg5[%add3A_400] : memref<65536xf32, #tpu.memory_space<vmem>>[vector<16xi32>], vector<16xf32>,
        %add3A_402 = arith.addi %get3A_371, %and3A_99 : vector<16xi32>
        %gather3A_403 = tpu.vector_load_idx %arg5[%add3A_402] : memref<65536xf32, #tpu.memory_space<vmem>>[vector<16xi32>], vector<16xf32>,
        %add3A_404 = arith.addi %get3A_371, %and3A_105 : vector<16xi32>
        %gather3A_405 = tpu.vector_load_idx %arg5[%add3A_404] : memref<65536xf32, #tpu.memory_space<vmem>>[vector<16xi32>], vector<16xf32>,
        %add3A_406 = arith.addi %get3A_371, %and3A_111 : vector<16xi32>
        %gather3A_407 = tpu.vector_load_idx %arg5[%add3A_406] : memref<65536xf32, #tpu.memory_space<vmem>>[vector<16xi32>], vector<16xf32>,
        %add3A_408 = arith.addi %add3A_375, %and3A_21 : vector<16xi32>
        tpu.vector_store_idx %arg8[%add3A_408], %gather3A_377 : memref<16384xf32, #tpu.memory_space<vmem>>[vector<16xi32>], vector<16xf32>,
        %add3A_409 = arith.addi %add3A_375, %and3A_27 : vector<16xi32>
        tpu.vector_store_idx %arg8[%add3A_409], %gather3A_379 : memref<16384xf32, #tpu.memory_space<vmem>>[vector<16xi32>], vector<16xf32>,
        %add3A_410 = arith.addi %add3A_375, %and3A_33 : vector<16xi32>
        tpu.vector_store_idx %arg8[%add3A_410], %gather3A_381 : memref<16384xf32, #tpu.memory_space<vmem>>[vector<16xi32>], vector<16xf32>,
        %add3A_411 = arith.addi %add3A_375, %and3A_39 : vector<16xi32>
        tpu.vector_store_idx %arg8[%add3A_411], %gather3A_383 : memref<16384xf32, #tpu.memory_space<vmem>>[vector<16xi32>], vector<16xf32>,
        %add3A_412 = arith.addi %add3A_375, %and3A_45 : vector<16xi32>
        tpu.vector_store_idx %arg8[%add3A_412], %gather3A_385 : memref<16384xf32, #tpu.memory_space<vmem>>[vector<16xi32>], vector<16xf32>,
        %add3A_413 = arith.addi %add3A_375, %and3A_51 : vector<16xi32>
        tpu.vector_store_idx %arg8[%add3A_413], %gather3A_387 : memref<16384xf32, #tpu.memory_space<vmem>>[vector<16xi32>], vector<16xf32>,
        %add3A_414 = arith.addi %add3A_375, %and3A_57 : vector<16xi32>
        tpu.vector_store_idx %arg8[%add3A_414], %gather3A_389 : memref<16384xf32, #tpu.memory_space<vmem>>[vector<16xi32>], vector<16xf32>,
        %add3A_415 = arith.addi %add3A_375, %and3A_63 : vector<16xi32>
        tpu.vector_store_idx %arg8[%add3A_415], %gather3A_391 : memref<16384xf32, #tpu.memory_space<vmem>>[vector<16xi32>], vector<16xf32>,
        %add3A_416 = arith.addi %add3A_375, %and3A_69 : vector<16xi32>
        tpu.vector_store_idx %arg8[%add3A_416], %gather3A_393 : memref<16384xf32, #tpu.memory_space<vmem>>[vector<16xi32>], vector<16xf32>,
        %add3A_417 = arith.addi %add3A_375, %and3A_75 : vector<16xi32>
        tpu.vector_store_idx %arg8[%add3A_417], %gather3A_395 : memref<16384xf32, #tpu.memory_space<vmem>>[vector<16xi32>], vector<16xf32>,
        %add3A_418 = arith.addi %add3A_375, %and3A_81 : vector<16xi32>
        tpu.vector_store_idx %arg8[%add3A_418], %gather3A_397 : memref<16384xf32, #tpu.memory_space<vmem>>[vector<16xi32>], vector<16xf32>,
        %add3A_419 = arith.addi %add3A_375, %and3A_87 : vector<16xi32>
        tpu.vector_store_idx %arg8[%add3A_419], %gather3A_399 : memref<16384xf32, #tpu.memory_space<vmem>>[vector<16xi32>], vector<16xf32>,
        %add3A_420 = arith.addi %add3A_375, %and3A_93 : vector<16xi32>
        tpu.vector_store_idx %arg8[%add3A_420], %gather3A_401 : memref<16384xf32, #tpu.memory_space<vmem>>[vector<16xi32>], vector<16xf32>,
        %add3A_421 = arith.addi %add3A_375, %and3A_99 : vector<16xi32>
        tpu.vector_store_idx %arg8[%add3A_421], %gather3A_403 : memref<16384xf32, #tpu.memory_space<vmem>>[vector<16xi32>], vector<16xf32>,
        %add3A_422 = arith.addi %add3A_375, %and3A_105 : vector<16xi32>
        tpu.vector_store_idx %arg8[%add3A_422], %gather3A_405 : memref<16384xf32, #tpu.memory_space<vmem>>[vector<16xi32>], vector<16xf32>,
        %add3A_423 = arith.addi %add3A_375, %and3A_111 : vector<16xi32>
        tpu.vector_store_idx %arg8[%add3A_423], %gather3A_407 : memref<16384xf32, #tpu.memory_space<vmem>>[vector<16xi32>], vector<16xf32>,
        %scan3A_424 = arith.constant 0 : i32
        scf.yield %scan3A_424 : i32
      }
      %scan3A_259 = arith.constant 32 : i32
      %add3A_260 = arith.addi %mul3A_2, %add3A_237 : i32
      %dma_start3A_261 = arith.constant 0 : i32
      %dma_start3A_262 = tpu.memref_slice %arg4[%add3A_260, %dma_start3A_261] : memref<1024x32768xf32, #tpu.memory_space<hbm>> -> memref<1x16384xf32, #tpu.memory_space<hbm>>
      %dma_start3A_263 = tpu.memref_squeeze %dma_start3A_262 : memref<1x16384xf32, #tpu.memory_space<hbm>> -> memref<16384xf32, #tpu.memory_space<hbm>>
      %dma_start3A_264 = arith.constant 0 : i32
      %dma_start3A_265 = tpu.memref_slice %arg4[%add3A_260, %dma_start3A_264] : memref<1024x32768xf32, #tpu.memory_space<hbm>> -> memref<1x16384xf32, #tpu.memory_space<hbm>>
      %dma_start3A_266 = tpu.memref_squeeze %dma_start3A_265 : memref<1x16384xf32, #tpu.memory_space<hbm>> -> memref<16384xf32, #tpu.memory_space<hbm>>
      tpu.enqueue_dma source(%arg8 : memref<16384xf32, #tpu.memory_space<vmem>>) target(%dma_start3A_266 : memref<16384xf32, #tpu.memory_space<hbm>>) target_semaphore(%arg12 : memref<!tpu.dma_semaphore, #tpu.memory_space<semaphore_mem>>)
      %sub3A_267 = arith.constant 1 : i32
      %sub3A_268 = arith.subi %add3A_237, %sub3A_267 : i32
      %add3A_269 = arith.addi %mul3A_2, %sub3A_268 : i32
      %dma_wait3A_270 = arith.constant 16384 : i32
      %dma_wait3A_271 = tpu.memref_slice %arg4[%add3A_269, %dma_wait3A_270] : memref<1024x32768xf32, #tpu.memory_space<hbm>> -> memref<1x16384xf32, #tpu.memory_space<hbm>>
      %dma_wait3A_272 = tpu.memref_squeeze %dma_wait3A_271 : memref<1x16384xf32, #tpu.memory_space<hbm>> -> memref<16384xf32, #tpu.memory_space<hbm>>
      %dma_wait3A_273 = arith.constant 16384 : i32
      %dma_wait3A_274 = tpu.memref_slice %arg4[%add3A_269, %dma_wait3A_273] : memref<1024x32768xf32, #tpu.memory_space<hbm>> -> memref<1x16384xf32, #tpu.memory_space<hbm>>
      %dma_wait3A_275 = tpu.memref_squeeze %dma_wait3A_274 : memref<1x16384xf32, #tpu.memory_space<hbm>> -> memref<16384xf32, #tpu.memory_space<hbm>>
      tpu.wait_dma2 semaphore(%arg13 : memref<!tpu.dma_semaphore, #tpu.memory_space<semaphore_mem>>) src(%arg9 : memref<16384xf32, #tpu.memory_space<vmem>>) dst(%dma_wait3A_275 : memref<16384xf32, #tpu.memory_space<hbm>>)
      %scan3A_276 = arith.constant 0 : i32
      %scan3A_277 = arith.constant 0 : i32
      %scan3A_278 = arith.constant 32 : i32
      %scan3A_279 = arith.addi %scan3A_277, %scan3A_278 : i32
      %scan3A_280 = arith.constant 1 : i32
      %scan3A_281 = scf.for %scan3A_300 = %scan3A_277 to %scan3A_279 step %scan3A_280 iter_args(%scan3A_301 = %scan3A_276) -> (i32)  : i32 {
        %mul3A_302 = arith.constant 2 : i32
        %mul3A_303 = arith.muli %scan3A_300, %mul3A_302 : i32
        %add3A_304 = arith.constant 0 : i32
        %add3A_305 = arith.addi %mul3A_303, %add3A_304 : i32
        %add3A_306 = arith.constant 64 : i32
        %add3A_307 = arith.addi %add3A_306, %add3A_305 : i32
        %mul3A_308 = arith.constant 16 : i32
        %mul3A_309 = arith.muli %add3A_307, %mul3A_308 : i32
        %get3A = arith.index_cast %mul3A_309 : i32 to index
        %get3A_310 = tpu.vector_load %arg7[%get3A] {strides = array<i32>} : memref<2048xi32, #tpu.memory_space<vmem>>, vector<16xi32>,
        %mul3A_311 = arith.constant 256 : i32
        %mul3A_312 = arith.muli %add3A_305, %mul3A_311 : i32
        %add3A_313 = vector.broadcast %mul3A_312 : i32 to vector<16xi32>
        %add3A_314 = arith.addi %mul3A_16, %add3A_313 : vector<16xi32>
        %add3A_315 = arith.addi %get3A_310, %and3A_21 : vector<16xi32>
        %gather3A = tpu.vector_load_idx %arg5[%add3A_315] : memref<65536xf32, #tpu.memory_space<vmem>>[vector<16xi32>], vector<16xf32>,
        %add3A_316 = arith.addi %get3A_310, %and3A_27 : vector<16xi32>
        %gather3A_317 = tpu.vector_load_idx %arg5[%add3A_316] : memref<65536xf32, #tpu.memory_space<vmem>>[vector<16xi32>], vector<16xf32>,
        %add3A_318 = arith.addi %get3A_310, %and3A_33 : vector<16xi32>
        %gather3A_319 = tpu.vector_load_idx %arg5[%add3A_318] : memref<65536xf32, #tpu.memory_space<vmem>>[vector<16xi32>], vector<16xf32>,
        %add3A_320 = arith.addi %get3A_310, %and3A_39 : vector<16xi32>
        %gather3A_321 = tpu.vector_load_idx %arg5[%add3A_320] : memref<65536xf32, #tpu.memory_space<vmem>>[vector<16xi32>], vector<16xf32>,
        %add3A_322 = arith.addi %get3A_310, %and3A_45 : vector<16xi32>
        %gather3A_323 = tpu.vector_load_idx %arg5[%add3A_322] : memref<65536xf32, #tpu.memory_space<vmem>>[vector<16xi32>], vector<16xf32>,
        %add3A_324 = arith.addi %get3A_310, %and3A_51 : vector<16xi32>
        %gather3A_325 = tpu.vector_load_idx %arg5[%add3A_324] : memref<65536xf32, #tpu.memory_space<vmem>>[vector<16xi32>], vector<16xf32>,
        %add3A_326 = arith.addi %get3A_310, %and3A_57 : vector<16xi32>
        %gather3A_327 = tpu.vector_load_idx %arg5[%add3A_326] : memref<65536xf32, #tpu.memory_space<vmem>>[vector<16xi32>], vector<16xf32>,
        %add3A_328 = arith.addi %get3A_310, %and3A_63 : vector<16xi32>
        %gather3A_329 = tpu.vector_load_idx %arg5[%add3A_328] : memref<65536xf32, #tpu.memory_space<vmem>>[vector<16xi32>], vector<16xf32>,
        %add3A_330 = arith.addi %get3A_310, %and3A_69 : vector<16xi32>
        %gather3A_331 = tpu.vector_load_idx %arg5[%add3A_330] : memref<65536xf32, #tpu.memory_space<vmem>>[vector<16xi32>], vector<16xf32>,
        %add3A_332 = arith.addi %get3A_310, %and3A_75 : vector<16xi32>
        %gather3A_333 = tpu.vector_load_idx %arg5[%add3A_332] : memref<65536xf32, #tpu.memory_space<vmem>>[vector<16xi32>], vector<16xf32>,
        %add3A_334 = arith.addi %get3A_310, %and3A_81 : vector<16xi32>
        %gather3A_335 = tpu.vector_load_idx %arg5[%add3A_334] : memref<65536xf32, #tpu.memory_space<vmem>>[vector<16xi32>], vector<16xf32>,
        %add3A_336 = arith.addi %get3A_310, %and3A_87 : vector<16xi32>
        %gather3A_337 = tpu.vector_load_idx %arg5[%add3A_336] : memref<65536xf32, #tpu.memory_space<vmem>>[vector<16xi32>], vector<16xf32>,
        %add3A_338 = arith.addi %get3A_310, %and3A_93 : vector<16xi32>
        %gather3A_339 = tpu.vector_load_idx %arg5[%add3A_338] : memref<65536xf32, #tpu.memory_space<vmem>>[vector<16xi32>], vector<16xf32>,
        %add3A_340 = arith.addi %get3A_310, %and3A_99 : vector<16xi32>
        %gather3A_341 = tpu.vector_load_idx %arg5[%add3A_340] : memref<65536xf32, #tpu.memory_space<vmem>>[vector<16xi32>], vector<16xf32>,
        %add3A_342 = arith.addi %get3A_310, %and3A_105 : vector<16xi32>
        %gather3A_343 = tpu.vector_load_idx %arg5[%add3A_342] : memref<65536xf32, #tpu.memory_space<vmem>>[vector<16xi32>], vector<16xf32>,
        %add3A_344 = arith.addi %get3A_310, %and3A_111 : vector<16xi32>
        %gather3A_345 = tpu.vector_load_idx %arg5[%add3A_344] : memref<65536xf32, #tpu.memory_space<vmem>>[vector<16xi32>], vector<16xf32>,
        %add3A_346 = arith.addi %add3A_314, %and3A_21 : vector<16xi32>
        tpu.vector_store_idx %arg9[%add3A_346], %gather3A : memref<16384xf32, #tpu.memory_space<vmem>>[vector<16xi32>], vector<16xf32>,
        %add3A_347 = arith.addi %add3A_314, %and3A_27 : vector<16xi32>
        tpu.vector_store_idx %arg9[%add3A_347], %gather3A_317 : memref<16384xf32, #tpu.memory_space<vmem>>[vector<16xi32>], vector<16xf32>,
        %add3A_348 = arith.addi %add3A_314, %and3A_33 : vector<16xi32>
        tpu.vector_store_idx %arg9[%add3A_348], %gather3A_319 : memref<16384xf32, #tpu.memory_space<vmem>>[vector<16xi32>], vector<16xf32>,
        %add3A_349 = arith.addi %add3A_314, %and3A_39 : vector<16xi32>
        tpu.vector_store_idx %arg9[%add3A_349], %gather3A_321 : memref<16384xf32, #tpu.memory_space<vmem>>[vector<16xi32>], vector<16xf32>,
        %add3A_350 = arith.addi %add3A_314, %and3A_45 : vector<16xi32>
        tpu.vector_store_idx %arg9[%add3A_350], %gather3A_323 : memref<16384xf32, #tpu.memory_space<vmem>>[vector<16xi32>], vector<16xf32>,
        %add3A_351 = arith.addi %add3A_314, %and3A_51 : vector<16xi32>
        tpu.vector_store_idx %arg9[%add3A_351], %gather3A_325 : memref<16384xf32, #tpu.memory_space<vmem>>[vector<16xi32>], vector<16xf32>,
        %add3A_352 = arith.addi %add3A_314, %and3A_57 : vector<16xi32>
        tpu.vector_store_idx %arg9[%add3A_352], %gather3A_327 : memref<16384xf32, #tpu.memory_space<vmem>>[vector<16xi32>], vector<16xf32>,
        %add3A_353 = arith.addi %add3A_314, %and3A_63 : vector<16xi32>
        tpu.vector_store_idx %arg9[%add3A_353], %gather3A_329 : memref<16384xf32, #tpu.memory_space<vmem>>[vector<16xi32>], vector<16xf32>,
        %add3A_354 = arith.addi %add3A_314, %and3A_69 : vector<16xi32>
        tpu.vector_store_idx %arg9[%add3A_354], %gather3A_331 : memref<16384xf32, #tpu.memory_space<vmem>>[vector<16xi32>], vector<16xf32>,
        %add3A_355 = arith.addi %add3A_314, %and3A_75 : vector<16xi32>
        tpu.vector_store_idx %arg9[%add3A_355], %gather3A_333 : memref<16384xf32, #tpu.memory_space<vmem>>[vector<16xi32>], vector<16xf32>,
        %add3A_356 = arith.addi %add3A_314, %and3A_81 : vector<16xi32>
        tpu.vector_store_idx %arg9[%add3A_356], %gather3A_335 : memref<16384xf32, #tpu.memory_space<vmem>>[vector<16xi32>], vector<16xf32>,
        %add3A_357 = arith.addi %add3A_314, %and3A_87 : vector<16xi32>
        tpu.vector_store_idx %arg9[%add3A_357], %gather3A_337 : memref<16384xf32, #tpu.memory_space<vmem>>[vector<16xi32>], vector<16xf32>,
        %add3A_358 = arith.addi %add3A_314, %and3A_93 : vector<16xi32>
        tpu.vector_store_idx %arg9[%add3A_358], %gather3A_339 : memref<16384xf32, #tpu.memory_space<vmem>>[vector<16xi32>], vector<16xf32>,
        %add3A_359 = arith.addi %add3A_314, %and3A_99 : vector<16xi32>
        tpu.vector_store_idx %arg9[%add3A_359], %gather3A_341 : memref<16384xf32, #tpu.memory_space<vmem>>[vector<16xi32>], vector<16xf32>,
        %add3A_360 = arith.addi %add3A_314, %and3A_105 : vector<16xi32>
        tpu.vector_store_idx %arg9[%add3A_360], %gather3A_343 : memref<16384xf32, #tpu.memory_space<vmem>>[vector<16xi32>], vector<16xf32>,
        %add3A_361 = arith.addi %add3A_314, %and3A_111 : vector<16xi32>
        tpu.vector_store_idx %arg9[%add3A_361], %gather3A_345 : memref<16384xf32, #tpu.memory_space<vmem>>[vector<16xi32>], vector<16xf32>,
        %mul3A_362 = arith.constant 2 : i32
        %mul3A_363 = arith.muli %scan3A_300, %mul3A_362 : i32
        %add3A_364 = arith.constant 1 : i32
        %add3A_365 = arith.addi %mul3A_363, %add3A_364 : i32
        %add3A_366 = arith.constant 64 : i32
        %add3A_367 = arith.addi %add3A_366, %add3A_365 : i32
        %mul3A_368 = arith.constant 16 : i32
        %mul3A_369 = arith.muli %add3A_367, %mul3A_368 : i32
        %get3A_370 = arith.index_cast %mul3A_369 : i32 to index
        %get3A_371 = tpu.vector_load %arg7[%get3A_370] {strides = array<i32>} : memref<2048xi32, #tpu.memory_space<vmem>>, vector<16xi32>,
        %mul3A_372 = arith.constant 256 : i32
        %mul3A_373 = arith.muli %add3A_365, %mul3A_372 : i32
        %add3A_374 = vector.broadcast %mul3A_373 : i32 to vector<16xi32>
        %add3A_375 = arith.addi %mul3A_16, %add3A_374 : vector<16xi32>
        %add3A_376 = arith.addi %get3A_371, %and3A_21 : vector<16xi32>
        %gather3A_377 = tpu.vector_load_idx %arg5[%add3A_376] : memref<65536xf32, #tpu.memory_space<vmem>>[vector<16xi32>], vector<16xf32>,
        %add3A_378 = arith.addi %get3A_371, %and3A_27 : vector<16xi32>
        %gather3A_379 = tpu.vector_load_idx %arg5[%add3A_378] : memref<65536xf32, #tpu.memory_space<vmem>>[vector<16xi32>], vector<16xf32>,
        %add3A_380 = arith.addi %get3A_371, %and3A_33 : vector<16xi32>
        %gather3A_381 = tpu.vector_load_idx %arg5[%add3A_380] : memref<65536xf32, #tpu.memory_space<vmem>>[vector<16xi32>], vector<16xf32>,
        %add3A_382 = arith.addi %get3A_371, %and3A_39 : vector<16xi32>
        %gather3A_383 = tpu.vector_load_idx %arg5[%add3A_382] : memref<65536xf32, #tpu.memory_space<vmem>>[vector<16xi32>], vector<16xf32>,
        %add3A_384 = arith.addi %get3A_371, %and3A_45 : vector<16xi32>
        %gather3A_385 = tpu.vector_load_idx %arg5[%add3A_384] : memref<65536xf32, #tpu.memory_space<vmem>>[vector<16xi32>], vector<16xf32>,
        %add3A_386 = arith.addi %get3A_371, %and3A_51 : vector<16xi32>
        %gather3A_387 = tpu.vector_load_idx %arg5[%add3A_386] : memref<65536xf32, #tpu.memory_space<vmem>>[vector<16xi32>], vector<16xf32>,
        %add3A_388 = arith.addi %get3A_371, %and3A_57 : vector<16xi32>
        %gather3A_389 = tpu.vector_load_idx %arg5[%add3A_388] : memref<65536xf32, #tpu.memory_space<vmem>>[vector<16xi32>], vector<16xf32>,
        %add3A_390 = arith.addi %get3A_371, %and3A_63 : vector<16xi32>
        %gather3A_391 = tpu.vector_load_idx %arg5[%add3A_390] : memref<65536xf32, #tpu.memory_space<vmem>>[vector<16xi32>], vector<16xf32>,
        %add3A_392 = arith.addi %get3A_371, %and3A_69 : vector<16xi32>
        %gather3A_393 = tpu.vector_load_idx %arg5[%add3A_392] : memref<65536xf32, #tpu.memory_space<vmem>>[vector<16xi32>], vector<16xf32>,
        %add3A_394 = arith.addi %get3A_371, %and3A_75 : vector<16xi32>
        %gather3A_395 = tpu.vector_load_idx %arg5[%add3A_394] : memref<65536xf32, #tpu.memory_space<vmem>>[vector<16xi32>], vector<16xf32>,
        %add3A_396 = arith.addi %get3A_371, %and3A_81 : vector<16xi32>
        %gather3A_397 = tpu.vector_load_idx %arg5[%add3A_396] : memref<65536xf32, #tpu.memory_space<vmem>>[vector<16xi32>], vector<16xf32>,
        %add3A_398 = arith.addi %get3A_371, %and3A_87 : vector<16xi32>
        %gather3A_399 = tpu.vector_load_idx %arg5[%add3A_398] : memref<65536xf32, #tpu.memory_space<vmem>>[vector<16xi32>], vector<16xf32>,
        %add3A_400 = arith.addi %get3A_371, %and3A_93 : vector<16xi32>
        %gather3A_401 = tpu.vector_load_idx %arg5[%add3A_400] : memref<65536xf32, #tpu.memory_space<vmem>>[vector<16xi32>], vector<16xf32>,
        %add3A_402 = arith.addi %get3A_371, %and3A_99 : vector<16xi32>
        %gather3A_403 = tpu.vector_load_idx %arg5[%add3A_402] : memref<65536xf32, #tpu.memory_space<vmem>>[vector<16xi32>], vector<16xf32>,
        %add3A_404 = arith.addi %get3A_371, %and3A_105 : vector<16xi32>
        %gather3A_405 = tpu.vector_load_idx %arg5[%add3A_404] : memref<65536xf32, #tpu.memory_space<vmem>>[vector<16xi32>], vector<16xf32>,
        %add3A_406 = arith.addi %get3A_371, %and3A_111 : vector<16xi32>
        %gather3A_407 = tpu.vector_load_idx %arg5[%add3A_406] : memref<65536xf32, #tpu.memory_space<vmem>>[vector<16xi32>], vector<16xf32>,
        %add3A_408 = arith.addi %add3A_375, %and3A_21 : vector<16xi32>
        tpu.vector_store_idx %arg9[%add3A_408], %gather3A_377 : memref<16384xf32, #tpu.memory_space<vmem>>[vector<16xi32>], vector<16xf32>,
        %add3A_409 = arith.addi %add3A_375, %and3A_27 : vector<16xi32>
        tpu.vector_store_idx %arg9[%add3A_409], %gather3A_379 : memref<16384xf32, #tpu.memory_space<vmem>>[vector<16xi32>], vector<16xf32>,
        %add3A_410 = arith.addi %add3A_375, %and3A_33 : vector<16xi32>
        tpu.vector_store_idx %arg9[%add3A_410], %gather3A_381 : memref<16384xf32, #tpu.memory_space<vmem>>[vector<16xi32>], vector<16xf32>,
        %add3A_411 = arith.addi %add3A_375, %and3A_39 : vector<16xi32>
        tpu.vector_store_idx %arg9[%add3A_411], %gather3A_383 : memref<16384xf32, #tpu.memory_space<vmem>>[vector<16xi32>], vector<16xf32>,
        %add3A_412 = arith.addi %add3A_375, %and3A_45 : vector<16xi32>
        tpu.vector_store_idx %arg9[%add3A_412], %gather3A_385 : memref<16384xf32, #tpu.memory_space<vmem>>[vector<16xi32>], vector<16xf32>,
        %add3A_413 = arith.addi %add3A_375, %and3A_51 : vector<16xi32>
        tpu.vector_store_idx %arg9[%add3A_413], %gather3A_387 : memref<16384xf32, #tpu.memory_space<vmem>>[vector<16xi32>], vector<16xf32>,
        %add3A_414 = arith.addi %add3A_375, %and3A_57 : vector<16xi32>
        tpu.vector_store_idx %arg9[%add3A_414], %gather3A_389 : memref<16384xf32, #tpu.memory_space<vmem>>[vector<16xi32>], vector<16xf32>,
        %add3A_415 = arith.addi %add3A_375, %and3A_63 : vector<16xi32>
        tpu.vector_store_idx %arg9[%add3A_415], %gather3A_391 : memref<16384xf32, #tpu.memory_space<vmem>>[vector<16xi32>], vector<16xf32>,
        %add3A_416 = arith.addi %add3A_375, %and3A_69 : vector<16xi32>
        tpu.vector_store_idx %arg9[%add3A_416], %gather3A_393 : memref<16384xf32, #tpu.memory_space<vmem>>[vector<16xi32>], vector<16xf32>,
        %add3A_417 = arith.addi %add3A_375, %and3A_75 : vector<16xi32>
        tpu.vector_store_idx %arg9[%add3A_417], %gather3A_395 : memref<16384xf32, #tpu.memory_space<vmem>>[vector<16xi32>], vector<16xf32>,
        %add3A_418 = arith.addi %add3A_375, %and3A_81 : vector<16xi32>
        tpu.vector_store_idx %arg9[%add3A_418], %gather3A_397 : memref<16384xf32, #tpu.memory_space<vmem>>[vector<16xi32>], vector<16xf32>,
        %add3A_419 = arith.addi %add3A_375, %and3A_87 : vector<16xi32>
        tpu.vector_store_idx %arg9[%add3A_419], %gather3A_399 : memref<16384xf32, #tpu.memory_space<vmem>>[vector<16xi32>], vector<16xf32>,
        %add3A_420 = arith.addi %add3A_375, %and3A_93 : vector<16xi32>
        tpu.vector_store_idx %arg9[%add3A_420], %gather3A_401 : memref<16384xf32, #tpu.memory_space<vmem>>[vector<16xi32>], vector<16xf32>,
        %add3A_421 = arith.addi %add3A_375, %and3A_99 : vector<16xi32>
        tpu.vector_store_idx %arg9[%add3A_421], %gather3A_403 : memref<16384xf32, #tpu.memory_space<vmem>>[vector<16xi32>], vector<16xf32>,
        %add3A_422 = arith.addi %add3A_375, %and3A_105 : vector<16xi32>
        tpu.vector_store_idx %arg9[%add3A_422], %gather3A_405 : memref<16384xf32, #tpu.memory_space<vmem>>[vector<16xi32>], vector<16xf32>,
        %add3A_423 = arith.addi %add3A_375, %and3A_111 : vector<16xi32>
        tpu.vector_store_idx %arg9[%add3A_423], %gather3A_407 : memref<16384xf32, #tpu.memory_space<vmem>>[vector<16xi32>], vector<16xf32>,
        %scan3A_424 = arith.constant 0 : i32
        scf.yield %scan3A_424 : i32
      }
      %scan3A_282 = arith.constant 32 : i32
      %add3A_283 = arith.addi %mul3A_2, %add3A_237 : i32
      %dma_start3A_284 = arith.constant 16384 : i32
      %dma_start3A_285 = tpu.memref_slice %arg4[%add3A_283, %dma_start3A_284] : memref<1024x32768xf32, #tpu.memory_space<hbm>> -> memref<1x16384xf32, #tpu.memory_space<hbm>>
      %dma_start3A_286 = tpu.memref_squeeze %dma_start3A_285 : memref<1x16384xf32, #tpu.memory_space<hbm>> -> memref<16384xf32, #tpu.memory_space<hbm>>
      %dma_start3A_287 = arith.constant 16384 : i32
      %dma_start3A_288 = tpu.memref_slice %arg4[%add3A_283, %dma_start3A_287] : memref<1024x32768xf32, #tpu.memory_space<hbm>> -> memref<1x16384xf32, #tpu.memory_space<hbm>>
      %dma_start3A_289 = tpu.memref_squeeze %dma_start3A_288 : memref<1x16384xf32, #tpu.memory_space<hbm>> -> memref<16384xf32, #tpu.memory_space<hbm>>
      tpu.enqueue_dma source(%arg9 : memref<16384xf32, #tpu.memory_space<vmem>>) target(%dma_start3A_289 : memref<16384xf32, #tpu.memory_space<hbm>>) target_semaphore(%arg13 : memref<!tpu.dma_semaphore, #tpu.memory_space<semaphore_mem>>)
      %add3A_290 = arith.constant 1 : i32
      %add3A_291 = arith.addi %add3A_237, %add3A_290 : i32
      %add3A_292 = arith.addi %mul3A_2, %add3A_291 : i32
      %dma_start3A_293 = arith.constant 0 : i32
      %dma_start3A_294 = tpu.memref_slice %arg2[%add3A_292, %dma_start3A_293] : memref<1024x65536xf32, #tpu.memory_space<hbm>> -> memref<1x65536xf32, #tpu.memory_space<hbm>>
      %dma_start3A_295 = tpu.memref_squeeze %dma_start3A_294 : memref<1x65536xf32, #tpu.memory_space<hbm>> -> memref<65536xf32, #tpu.memory_space<hbm>>
      %dma_start3A_296 = arith.constant 0 : i32
      %dma_start3A_297 = tpu.memref_slice %arg2[%add3A_292, %dma_start3A_296] : memref<1024x65536xf32, #tpu.memory_space<hbm>> -> memref<1x65536xf32, #tpu.memory_space<hbm>>
      %dma_start3A_298 = tpu.memref_squeeze %dma_start3A_297 : memref<1x65536xf32, #tpu.memory_space<hbm>> -> memref<65536xf32, #tpu.memory_space<hbm>>
      tpu.enqueue_dma source(%dma_start3A_298 : memref<65536xf32, #tpu.memory_space<hbm>>) target(%arg5 : memref<65536xf32, #tpu.memory_space<vmem>>) target_semaphore(%arg11 : memref<!tpu.dma_semaphore, #tpu.memory_space<semaphore_mem>>)
      %scan3A_299 = arith.constant 0 : i32
      scf.yield %scan3A_299 : i32
    }
    %scan3A_163 = arith.constant 30 : i32
    %add3A_164 = arith.constant 31 : i32
    %add3A_165 = arith.addi %mul3A_2, %add3A_164 : i32
    %dma_wait3A_166 = arith.constant 0 : i32
    %dma_wait3A_167 = tpu.memref_slice %arg2[%add3A_165, %dma_wait3A_166] : memref<1024x65536xf32, #tpu.memory_space<hbm>> -> memref<1x65536xf32, #tpu.memory_space<hbm>>
    %dma_wait3A_168 = tpu.memref_squeeze %dma_wait3A_167 : memref<1x65536xf32, #tpu.memory_space<hbm>> -> memref<65536xf32, #tpu.memory_space<hbm>>
    %dma_wait3A_169 = arith.constant 0 : i32
    %dma_wait3A_170 = tpu.memref_slice %arg2[%add3A_165, %dma_wait3A_169] : memref<1024x65536xf32, #tpu.memory_space<hbm>> -> memref<1x65536xf32, #tpu.memory_space<hbm>>
    %dma_wait3A_171 = tpu.memref_squeeze %dma_wait3A_170 : memref<1x65536xf32, #tpu.memory_space<hbm>> -> memref<65536xf32, #tpu.memory_space<hbm>>
    tpu.wait_dma2 semaphore(%arg11 : memref<!tpu.dma_semaphore, #tpu.memory_space<semaphore_mem>>) src(%dma_wait3A_171 : memref<65536xf32, #tpu.memory_space<hbm>>) dst(%arg5 : memref<65536xf32, #tpu.memory_space<vmem>>)
    %add3A_172 = arith.constant 30 : i32
    %add3A_173 = arith.addi %mul3A_2, %add3A_172 : i32
    %dma_wait3A_174 = arith.constant 0 : i32
    %dma_wait3A_175 = tpu.memref_slice %arg4[%add3A_173, %dma_wait3A_174] : memref<1024x32768xf32, #tpu.memory_space<hbm>> -> memref<1x16384xf32, #tpu.memory_space<hbm>>
    %dma_wait3A_176 = tpu.memref_squeeze %dma_wait3A_175 : memref<1x16384xf32, #tpu.memory_space<hbm>> -> memref<16384xf32, #tpu.memory_space<hbm>>
    %dma_wait3A_177 = arith.constant 0 : i32
    %dma_wait3A_178 = tpu.memref_slice %arg4[%add3A_173, %dma_wait3A_177] : memref<1024x32768xf32, #tpu.memory_space<hbm>> -> memref<1x16384xf32, #tpu.memory_space<hbm>>
    %dma_wait3A_179 = tpu.memref_squeeze %dma_wait3A_178 : memref<1x16384xf32, #tpu.memory_space<hbm>> -> memref<16384xf32, #tpu.memory_space<hbm>>
    tpu.wait_dma2 semaphore(%arg12 : memref<!tpu.dma_semaphore, #tpu.memory_space<semaphore_mem>>) src(%arg8 : memref<16384xf32, #tpu.memory_space<vmem>>) dst(%dma_wait3A_179 : memref<16384xf32, #tpu.memory_space<hbm>>)
    %scan3A_180 = arith.constant 0 : i32
    %scan3A_181 = arith.constant 0 : i32
    %scan3A_182 = arith.constant 32 : i32
    %scan3A_183 = arith.addi %scan3A_181, %scan3A_182 : i32
    %scan3A_184 = arith.constant 1 : i32
    %scan3A_185 = scf.for %scan3A_234 = %scan3A_181 to %scan3A_183 step %scan3A_184 iter_args(%scan3A_235 = %scan3A_180) -> (i32)  : i32 {
      %mul3A_236 = arith.constant 2 : i32
      %mul3A_237 = arith.muli %scan3A_234, %mul3A_236 : i32
      %add3A_238 = arith.constant 0 : i32
      %add3A_239 = arith.addi %mul3A_237, %add3A_238 : i32
      %add3A_240 = arith.constant 0 : i32
      %add3A_241 = arith.addi %add3A_240, %add3A_239 : i32
      %mul3A_242 = arith.constant 16 : i32
      %mul3A_243 = arith.muli %add3A_241, %mul3A_242 : i32
      %get3A = arith.index_cast %mul3A_243 : i32 to index
      %get3A_244 = tpu.vector_load %arg7[%get3A] {strides = array<i32>} : memref<2048xi32, #tpu.memory_space<vmem>>, vector<16xi32>,
      %mul3A_245 = arith.constant 256 : i32
      %mul3A_246 = arith.muli %add3A_239, %mul3A_245 : i32
      %add3A_247 = vector.broadcast %mul3A_246 : i32 to vector<16xi32>
      %add3A_248 = arith.addi %mul3A_16, %add3A_247 : vector<16xi32>
      %add3A_249 = arith.addi %get3A_244, %and3A_21 : vector<16xi32>
      %gather3A = tpu.vector_load_idx %arg5[%add3A_249] : memref<65536xf32, #tpu.memory_space<vmem>>[vector<16xi32>], vector<16xf32>,
      %add3A_250 = arith.addi %get3A_244, %and3A_27 : vector<16xi32>
      %gather3A_251 = tpu.vector_load_idx %arg5[%add3A_250] : memref<65536xf32, #tpu.memory_space<vmem>>[vector<16xi32>], vector<16xf32>,
      %add3A_252 = arith.addi %get3A_244, %and3A_33 : vector<16xi32>
      %gather3A_253 = tpu.vector_load_idx %arg5[%add3A_252] : memref<65536xf32, #tpu.memory_space<vmem>>[vector<16xi32>], vector<16xf32>,
      %add3A_254 = arith.addi %get3A_244, %and3A_39 : vector<16xi32>
      %gather3A_255 = tpu.vector_load_idx %arg5[%add3A_254] : memref<65536xf32, #tpu.memory_space<vmem>>[vector<16xi32>], vector<16xf32>,
      %add3A_256 = arith.addi %get3A_244, %and3A_45 : vector<16xi32>
      %gather3A_257 = tpu.vector_load_idx %arg5[%add3A_256] : memref<65536xf32, #tpu.memory_space<vmem>>[vector<16xi32>], vector<16xf32>,
      %add3A_258 = arith.addi %get3A_244, %and3A_51 : vector<16xi32>
      %gather3A_259 = tpu.vector_load_idx %arg5[%add3A_258] : memref<65536xf32, #tpu.memory_space<vmem>>[vector<16xi32>], vector<16xf32>,
      %add3A_260 = arith.addi %get3A_244, %and3A_57 : vector<16xi32>
      %gather3A_261 = tpu.vector_load_idx %arg5[%add3A_260] : memref<65536xf32, #tpu.memory_space<vmem>>[vector<16xi32>], vector<16xf32>,
      %add3A_262 = arith.addi %get3A_244, %and3A_63 : vector<16xi32>
      %gather3A_263 = tpu.vector_load_idx %arg5[%add3A_262] : memref<65536xf32, #tpu.memory_space<vmem>>[vector<16xi32>], vector<16xf32>,
      %add3A_264 = arith.addi %get3A_244, %and3A_69 : vector<16xi32>
      %gather3A_265 = tpu.vector_load_idx %arg5[%add3A_264] : memref<65536xf32, #tpu.memory_space<vmem>>[vector<16xi32>], vector<16xf32>,
      %add3A_266 = arith.addi %get3A_244, %and3A_75 : vector<16xi32>
      %gather3A_267 = tpu.vector_load_idx %arg5[%add3A_266] : memref<65536xf32, #tpu.memory_space<vmem>>[vector<16xi32>], vector<16xf32>,
      %add3A_268 = arith.addi %get3A_244, %and3A_81 : vector<16xi32>
      %gather3A_269 = tpu.vector_load_idx %arg5[%add3A_268] : memref<65536xf32, #tpu.memory_space<vmem>>[vector<16xi32>], vector<16xf32>,
      %add3A_270 = arith.addi %get3A_244, %and3A_87 : vector<16xi32>
      %gather3A_271 = tpu.vector_load_idx %arg5[%add3A_270] : memref<65536xf32, #tpu.memory_space<vmem>>[vector<16xi32>], vector<16xf32>,
      %add3A_272 = arith.addi %get3A_244, %and3A_93 : vector<16xi32>
      %gather3A_273 = tpu.vector_load_idx %arg5[%add3A_272] : memref<65536xf32, #tpu.memory_space<vmem>>[vector<16xi32>], vector<16xf32>,
      %add3A_274 = arith.addi %get3A_244, %and3A_99 : vector<16xi32>
      %gather3A_275 = tpu.vector_load_idx %arg5[%add3A_274] : memref<65536xf32, #tpu.memory_space<vmem>>[vector<16xi32>], vector<16xf32>,
      %add3A_276 = arith.addi %get3A_244, %and3A_105 : vector<16xi32>
      %gather3A_277 = tpu.vector_load_idx %arg5[%add3A_276] : memref<65536xf32, #tpu.memory_space<vmem>>[vector<16xi32>], vector<16xf32>,
      %add3A_278 = arith.addi %get3A_244, %and3A_111 : vector<16xi32>
      %gather3A_279 = tpu.vector_load_idx %arg5[%add3A_278] : memref<65536xf32, #tpu.memory_space<vmem>>[vector<16xi32>], vector<16xf32>,
      %add3A_280 = arith.addi %add3A_248, %and3A_21 : vector<16xi32>
      tpu.vector_store_idx %arg8[%add3A_280], %gather3A : memref<16384xf32, #tpu.memory_space<vmem>>[vector<16xi32>], vector<16xf32>,
      %add3A_281 = arith.addi %add3A_248, %and3A_27 : vector<16xi32>
      tpu.vector_store_idx %arg8[%add3A_281], %gather3A_251 : memref<16384xf32, #tpu.memory_space<vmem>>[vector<16xi32>], vector<16xf32>,
      %add3A_282 = arith.addi %add3A_248, %and3A_33 : vector<16xi32>
      tpu.vector_store_idx %arg8[%add3A_282], %gather3A_253 : memref<16384xf32, #tpu.memory_space<vmem>>[vector<16xi32>], vector<16xf32>,
      %add3A_283 = arith.addi %add3A_248, %and3A_39 : vector<16xi32>
      tpu.vector_store_idx %arg8[%add3A_283], %gather3A_255 : memref<16384xf32, #tpu.memory_space<vmem>>[vector<16xi32>], vector<16xf32>,
      %add3A_284 = arith.addi %add3A_248, %and3A_45 : vector<16xi32>
      tpu.vector_store_idx %arg8[%add3A_284], %gather3A_257 : memref<16384xf32, #tpu.memory_space<vmem>>[vector<16xi32>], vector<16xf32>,
      %add3A_285 = arith.addi %add3A_248, %and3A_51 : vector<16xi32>
      tpu.vector_store_idx %arg8[%add3A_285], %gather3A_259 : memref<16384xf32, #tpu.memory_space<vmem>>[vector<16xi32>], vector<16xf32>,
      %add3A_286 = arith.addi %add3A_248, %and3A_57 : vector<16xi32>
      tpu.vector_store_idx %arg8[%add3A_286], %gather3A_261 : memref<16384xf32, #tpu.memory_space<vmem>>[vector<16xi32>], vector<16xf32>,
      %add3A_287 = arith.addi %add3A_248, %and3A_63 : vector<16xi32>
      tpu.vector_store_idx %arg8[%add3A_287], %gather3A_263 : memref<16384xf32, #tpu.memory_space<vmem>>[vector<16xi32>], vector<16xf32>,
      %add3A_288 = arith.addi %add3A_248, %and3A_69 : vector<16xi32>
      tpu.vector_store_idx %arg8[%add3A_288], %gather3A_265 : memref<16384xf32, #tpu.memory_space<vmem>>[vector<16xi32>], vector<16xf32>,
      %add3A_289 = arith.addi %add3A_248, %and3A_75 : vector<16xi32>
      tpu.vector_store_idx %arg8[%add3A_289], %gather3A_267 : memref<16384xf32, #tpu.memory_space<vmem>>[vector<16xi32>], vector<16xf32>,
      %add3A_290 = arith.addi %add3A_248, %and3A_81 : vector<16xi32>
      tpu.vector_store_idx %arg8[%add3A_290], %gather3A_269 : memref<16384xf32, #tpu.memory_space<vmem>>[vector<16xi32>], vector<16xf32>,
      %add3A_291 = arith.addi %add3A_248, %and3A_87 : vector<16xi32>
      tpu.vector_store_idx %arg8[%add3A_291], %gather3A_271 : memref<16384xf32, #tpu.memory_space<vmem>>[vector<16xi32>], vector<16xf32>,
      %add3A_292 = arith.addi %add3A_248, %and3A_93 : vector<16xi32>
      tpu.vector_store_idx %arg8[%add3A_292], %gather3A_273 : memref<16384xf32, #tpu.memory_space<vmem>>[vector<16xi32>], vector<16xf32>,
      %add3A_293 = arith.addi %add3A_248, %and3A_99 : vector<16xi32>
      tpu.vector_store_idx %arg8[%add3A_293], %gather3A_275 : memref<16384xf32, #tpu.memory_space<vmem>>[vector<16xi32>], vector<16xf32>,
      %add3A_294 = arith.addi %add3A_248, %and3A_105 : vector<16xi32>
      tpu.vector_store_idx %arg8[%add3A_294], %gather3A_277 : memref<16384xf32, #tpu.memory_space<vmem>>[vector<16xi32>], vector<16xf32>,
      %add3A_295 = arith.addi %add3A_248, %and3A_111 : vector<16xi32>
      tpu.vector_store_idx %arg8[%add3A_295], %gather3A_279 : memref<16384xf32, #tpu.memory_space<vmem>>[vector<16xi32>], vector<16xf32>,
      %mul3A_296 = arith.constant 2 : i32
      %mul3A_297 = arith.muli %scan3A_234, %mul3A_296 : i32
      %add3A_298 = arith.constant 1 : i32
      %add3A_299 = arith.addi %mul3A_297, %add3A_298 : i32
      %add3A_300 = arith.constant 0 : i32
      %add3A_301 = arith.addi %add3A_300, %add3A_299 : i32
      %mul3A_302 = arith.constant 16 : i32
      %mul3A_303 = arith.muli %add3A_301, %mul3A_302 : i32
      %get3A_304 = arith.index_cast %mul3A_303 : i32 to index
      %get3A_305 = tpu.vector_load %arg7[%get3A_304] {strides = array<i32>} : memref<2048xi32, #tpu.memory_space<vmem>>, vector<16xi32>,
      %mul3A_306 = arith.constant 256 : i32
      %mul3A_307 = arith.muli %add3A_299, %mul3A_306 : i32
      %add3A_308 = vector.broadcast %mul3A_307 : i32 to vector<16xi32>
      %add3A_309 = arith.addi %mul3A_16, %add3A_308 : vector<16xi32>
      %add3A_310 = arith.addi %get3A_305, %and3A_21 : vector<16xi32>
      %gather3A_311 = tpu.vector_load_idx %arg5[%add3A_310] : memref<65536xf32, #tpu.memory_space<vmem>>[vector<16xi32>], vector<16xf32>,
      %add3A_312 = arith.addi %get3A_305, %and3A_27 : vector<16xi32>
      %gather3A_313 = tpu.vector_load_idx %arg5[%add3A_312] : memref<65536xf32, #tpu.memory_space<vmem>>[vector<16xi32>], vector<16xf32>,
      %add3A_314 = arith.addi %get3A_305, %and3A_33 : vector<16xi32>
      %gather3A_315 = tpu.vector_load_idx %arg5[%add3A_314] : memref<65536xf32, #tpu.memory_space<vmem>>[vector<16xi32>], vector<16xf32>,
      %add3A_316 = arith.addi %get3A_305, %and3A_39 : vector<16xi32>
      %gather3A_317 = tpu.vector_load_idx %arg5[%add3A_316] : memref<65536xf32, #tpu.memory_space<vmem>>[vector<16xi32>], vector<16xf32>,
      %add3A_318 = arith.addi %get3A_305, %and3A_45 : vector<16xi32>
      %gather3A_319 = tpu.vector_load_idx %arg5[%add3A_318] : memref<65536xf32, #tpu.memory_space<vmem>>[vector<16xi32>], vector<16xf32>,
      %add3A_320 = arith.addi %get3A_305, %and3A_51 : vector<16xi32>
      %gather3A_321 = tpu.vector_load_idx %arg5[%add3A_320] : memref<65536xf32, #tpu.memory_space<vmem>>[vector<16xi32>], vector<16xf32>,
      %add3A_322 = arith.addi %get3A_305, %and3A_57 : vector<16xi32>
      %gather3A_323 = tpu.vector_load_idx %arg5[%add3A_322] : memref<65536xf32, #tpu.memory_space<vmem>>[vector<16xi32>], vector<16xf32>,
      %add3A_324 = arith.addi %get3A_305, %and3A_63 : vector<16xi32>
      %gather3A_325 = tpu.vector_load_idx %arg5[%add3A_324] : memref<65536xf32, #tpu.memory_space<vmem>>[vector<16xi32>], vector<16xf32>,
      %add3A_326 = arith.addi %get3A_305, %and3A_69 : vector<16xi32>
      %gather3A_327 = tpu.vector_load_idx %arg5[%add3A_326] : memref<65536xf32, #tpu.memory_space<vmem>>[vector<16xi32>], vector<16xf32>,
      %add3A_328 = arith.addi %get3A_305, %and3A_75 : vector<16xi32>
      %gather3A_329 = tpu.vector_load_idx %arg5[%add3A_328] : memref<65536xf32, #tpu.memory_space<vmem>>[vector<16xi32>], vector<16xf32>,
      %add3A_330 = arith.addi %get3A_305, %and3A_81 : vector<16xi32>
      %gather3A_331 = tpu.vector_load_idx %arg5[%add3A_330] : memref<65536xf32, #tpu.memory_space<vmem>>[vector<16xi32>], vector<16xf32>,
      %add3A_332 = arith.addi %get3A_305, %and3A_87 : vector<16xi32>
      %gather3A_333 = tpu.vector_load_idx %arg5[%add3A_332] : memref<65536xf32, #tpu.memory_space<vmem>>[vector<16xi32>], vector<16xf32>,
      %add3A_334 = arith.addi %get3A_305, %and3A_93 : vector<16xi32>
      %gather3A_335 = tpu.vector_load_idx %arg5[%add3A_334] : memref<65536xf32, #tpu.memory_space<vmem>>[vector<16xi32>], vector<16xf32>,
      %add3A_336 = arith.addi %get3A_305, %and3A_99 : vector<16xi32>
      %gather3A_337 = tpu.vector_load_idx %arg5[%add3A_336] : memref<65536xf32, #tpu.memory_space<vmem>>[vector<16xi32>], vector<16xf32>,
      %add3A_338 = arith.addi %get3A_305, %and3A_105 : vector<16xi32>
      %gather3A_339 = tpu.vector_load_idx %arg5[%add3A_338] : memref<65536xf32, #tpu.memory_space<vmem>>[vector<16xi32>], vector<16xf32>,
      %add3A_340 = arith.addi %get3A_305, %and3A_111 : vector<16xi32>
      %gather3A_341 = tpu.vector_load_idx %arg5[%add3A_340] : memref<65536xf32, #tpu.memory_space<vmem>>[vector<16xi32>], vector<16xf32>,
      %add3A_342 = arith.addi %add3A_309, %and3A_21 : vector<16xi32>
      tpu.vector_store_idx %arg8[%add3A_342], %gather3A_311 : memref<16384xf32, #tpu.memory_space<vmem>>[vector<16xi32>], vector<16xf32>,
      %add3A_343 = arith.addi %add3A_309, %and3A_27 : vector<16xi32>
      tpu.vector_store_idx %arg8[%add3A_343], %gather3A_313 : memref<16384xf32, #tpu.memory_space<vmem>>[vector<16xi32>], vector<16xf32>,
      %add3A_344 = arith.addi %add3A_309, %and3A_33 : vector<16xi32>
      tpu.vector_store_idx %arg8[%add3A_344], %gather3A_315 : memref<16384xf32, #tpu.memory_space<vmem>>[vector<16xi32>], vector<16xf32>,
      %add3A_345 = arith.addi %add3A_309, %and3A_39 : vector<16xi32>
      tpu.vector_store_idx %arg8[%add3A_345], %gather3A_317 : memref<16384xf32, #tpu.memory_space<vmem>>[vector<16xi32>], vector<16xf32>,
      %add3A_346 = arith.addi %add3A_309, %and3A_45 : vector<16xi32>
      tpu.vector_store_idx %arg8[%add3A_346], %gather3A_319 : memref<16384xf32, #tpu.memory_space<vmem>>[vector<16xi32>], vector<16xf32>,
      %add3A_347 = arith.addi %add3A_309, %and3A_51 : vector<16xi32>
      tpu.vector_store_idx %arg8[%add3A_347], %gather3A_321 : memref<16384xf32, #tpu.memory_space<vmem>>[vector<16xi32>], vector<16xf32>,
      %add3A_348 = arith.addi %add3A_309, %and3A_57 : vector<16xi32>
      tpu.vector_store_idx %arg8[%add3A_348], %gather3A_323 : memref<16384xf32, #tpu.memory_space<vmem>>[vector<16xi32>], vector<16xf32>,
      %add3A_349 = arith.addi %add3A_309, %and3A_63 : vector<16xi32>
      tpu.vector_store_idx %arg8[%add3A_349], %gather3A_325 : memref<16384xf32, #tpu.memory_space<vmem>>[vector<16xi32>], vector<16xf32>,
      %add3A_350 = arith.addi %add3A_309, %and3A_69 : vector<16xi32>
      tpu.vector_store_idx %arg8[%add3A_350], %gather3A_327 : memref<16384xf32, #tpu.memory_space<vmem>>[vector<16xi32>], vector<16xf32>,
      %add3A_351 = arith.addi %add3A_309, %and3A_75 : vector<16xi32>
      tpu.vector_store_idx %arg8[%add3A_351], %gather3A_329 : memref<16384xf32, #tpu.memory_space<vmem>>[vector<16xi32>], vector<16xf32>,
      %add3A_352 = arith.addi %add3A_309, %and3A_81 : vector<16xi32>
      tpu.vector_store_idx %arg8[%add3A_352], %gather3A_331 : memref<16384xf32, #tpu.memory_space<vmem>>[vector<16xi32>], vector<16xf32>,
      %add3A_353 = arith.addi %add3A_309, %and3A_87 : vector<16xi32>
      tpu.vector_store_idx %arg8[%add3A_353], %gather3A_333 : memref<16384xf32, #tpu.memory_space<vmem>>[vector<16xi32>], vector<16xf32>,
      %add3A_354 = arith.addi %add3A_309, %and3A_93 : vector<16xi32>
      tpu.vector_store_idx %arg8[%add3A_354], %gather3A_335 : memref<16384xf32, #tpu.memory_space<vmem>>[vector<16xi32>], vector<16xf32>,
      %add3A_355 = arith.addi %add3A_309, %and3A_99 : vector<16xi32>
      tpu.vector_store_idx %arg8[%add3A_355], %gather3A_337 : memref<16384xf32, #tpu.memory_space<vmem>>[vector<16xi32>], vector<16xf32>,
      %add3A_356 = arith.addi %add3A_309, %and3A_105 : vector<16xi32>
      tpu.vector_store_idx %arg8[%add3A_356], %gather3A_339 : memref<16384xf32, #tpu.memory_space<vmem>>[vector<16xi32>], vector<16xf32>,
      %add3A_357 = arith.addi %add3A_309, %and3A_111 : vector<16xi32>
      tpu.vector_store_idx %arg8[%add3A_357], %gather3A_341 : memref<16384xf32, #tpu.memory_space<vmem>>[vector<16xi32>], vector<16xf32>,
      %scan3A_358 = arith.constant 0 : i32
      scf.yield %scan3A_358 : i32
    }
    %scan3A_186 = arith.constant 32 : i32
    %add3A_187 = arith.constant 31 : i32
    %add3A_188 = arith.addi %mul3A_2, %add3A_187 : i32
    %dma_start3A_189 = arith.constant 0 : i32
    %dma_start3A_190 = tpu.memref_slice %arg4[%add3A_188, %dma_start3A_189] : memref<1024x32768xf32, #tpu.memory_space<hbm>> -> memref<1x16384xf32, #tpu.memory_space<hbm>>
    %dma_start3A_191 = tpu.memref_squeeze %dma_start3A_190 : memref<1x16384xf32, #tpu.memory_space<hbm>> -> memref<16384xf32, #tpu.memory_space<hbm>>
    %dma_start3A_192 = arith.constant 0 : i32
    %dma_start3A_193 = tpu.memref_slice %arg4[%add3A_188, %dma_start3A_192] : memref<1024x32768xf32, #tpu.memory_space<hbm>> -> memref<1x16384xf32, #tpu.memory_space<hbm>>
    %dma_start3A_194 = tpu.memref_squeeze %dma_start3A_193 : memref<1x16384xf32, #tpu.memory_space<hbm>> -> memref<16384xf32, #tpu.memory_space<hbm>>
    tpu.enqueue_dma source(%arg8 : memref<16384xf32, #tpu.memory_space<vmem>>) target(%dma_start3A_194 : memref<16384xf32, #tpu.memory_space<hbm>>) target_semaphore(%arg12 : memref<!tpu.dma_semaphore, #tpu.memory_space<semaphore_mem>>)
    %add3A_195 = arith.constant 30 : i32
    %add3A_196 = arith.addi %mul3A_2, %add3A_195 : i32
    %dma_wait3A_197 = arith.constant 16384 : i32
    %dma_wait3A_198 = tpu.memref_slice %arg4[%add3A_196, %dma_wait3A_197] : memref<1024x32768xf32, #tpu.memory_space<hbm>> -> memref<1x16384xf32, #tpu.memory_space<hbm>>
    %dma_wait3A_199 = tpu.memref_squeeze %dma_wait3A_198 : memref<1x16384xf32, #tpu.memory_space<hbm>> -> memref<16384xf32, #tpu.memory_space<hbm>>
    %dma_wait3A_200 = arith.constant 16384 : i32
    %dma_wait3A_201 = tpu.memref_slice %arg4[%add3A_196, %dma_wait3A_200] : memref<1024x32768xf32, #tpu.memory_space<hbm>> -> memref<1x16384xf32, #tpu.memory_space<hbm>>
    %dma_wait3A_202 = tpu.memref_squeeze %dma_wait3A_201 : memref<1x16384xf32, #tpu.memory_space<hbm>> -> memref<16384xf32, #tpu.memory_space<hbm>>
    tpu.wait_dma2 semaphore(%arg13 : memref<!tpu.dma_semaphore, #tpu.memory_space<semaphore_mem>>) src(%arg9 : memref<16384xf32, #tpu.memory_space<vmem>>) dst(%dma_wait3A_202 : memref<16384xf32, #tpu.memory_space<hbm>>)
    %scan3A_203 = arith.constant 0 : i32
    %scan3A_204 = arith.constant 0 : i32
    %scan3A_205 = arith.constant 32 : i32
    %scan3A_206 = arith.addi %scan3A_204, %scan3A_205 : i32
    %scan3A_207 = arith.constant 1 : i32
    %scan3A_208 = scf.for %scan3A_234 = %scan3A_204 to %scan3A_206 step %scan3A_207 iter_args(%scan3A_235 = %scan3A_203) -> (i32)  : i32 {
      %mul3A_236 = arith.constant 2 : i32
      %mul3A_237 = arith.muli %scan3A_234, %mul3A_236 : i32
      %add3A_238 = arith.constant 0 : i32
      %add3A_239 = arith.addi %mul3A_237, %add3A_238 : i32
      %add3A_240 = arith.constant 64 : i32
      %add3A_241 = arith.addi %add3A_240, %add3A_239 : i32
      %mul3A_242 = arith.constant 16 : i32
      %mul3A_243 = arith.muli %add3A_241, %mul3A_242 : i32
      %get3A = arith.index_cast %mul3A_243 : i32 to index
      %get3A_244 = tpu.vector_load %arg7[%get3A] {strides = array<i32>} : memref<2048xi32, #tpu.memory_space<vmem>>, vector<16xi32>,
      %mul3A_245 = arith.constant 256 : i32
      %mul3A_246 = arith.muli %add3A_239, %mul3A_245 : i32
      %add3A_247 = vector.broadcast %mul3A_246 : i32 to vector<16xi32>
      %add3A_248 = arith.addi %mul3A_16, %add3A_247 : vector<16xi32>
      %add3A_249 = arith.addi %get3A_244, %and3A_21 : vector<16xi32>
      %gather3A = tpu.vector_load_idx %arg5[%add3A_249] : memref<65536xf32, #tpu.memory_space<vmem>>[vector<16xi32>], vector<16xf32>,
      %add3A_250 = arith.addi %get3A_244, %and3A_27 : vector<16xi32>
      %gather3A_251 = tpu.vector_load_idx %arg5[%add3A_250] : memref<65536xf32, #tpu.memory_space<vmem>>[vector<16xi32>], vector<16xf32>,
      %add3A_252 = arith.addi %get3A_244, %and3A_33 : vector<16xi32>
      %gather3A_253 = tpu.vector_load_idx %arg5[%add3A_252] : memref<65536xf32, #tpu.memory_space<vmem>>[vector<16xi32>], vector<16xf32>,
      %add3A_254 = arith.addi %get3A_244, %and3A_39 : vector<16xi32>
      %gather3A_255 = tpu.vector_load_idx %arg5[%add3A_254] : memref<65536xf32, #tpu.memory_space<vmem>>[vector<16xi32>], vector<16xf32>,
      %add3A_256 = arith.addi %get3A_244, %and3A_45 : vector<16xi32>
      %gather3A_257 = tpu.vector_load_idx %arg5[%add3A_256] : memref<65536xf32, #tpu.memory_space<vmem>>[vector<16xi32>], vector<16xf32>,
      %add3A_258 = arith.addi %get3A_244, %and3A_51 : vector<16xi32>
      %gather3A_259 = tpu.vector_load_idx %arg5[%add3A_258] : memref<65536xf32, #tpu.memory_space<vmem>>[vector<16xi32>], vector<16xf32>,
      %add3A_260 = arith.addi %get3A_244, %and3A_57 : vector<16xi32>
      %gather3A_261 = tpu.vector_load_idx %arg5[%add3A_260] : memref<65536xf32, #tpu.memory_space<vmem>>[vector<16xi32>], vector<16xf32>,
      %add3A_262 = arith.addi %get3A_244, %and3A_63 : vector<16xi32>
      %gather3A_263 = tpu.vector_load_idx %arg5[%add3A_262] : memref<65536xf32, #tpu.memory_space<vmem>>[vector<16xi32>], vector<16xf32>,
      %add3A_264 = arith.addi %get3A_244, %and3A_69 : vector<16xi32>
      %gather3A_265 = tpu.vector_load_idx %arg5[%add3A_264] : memref<65536xf32, #tpu.memory_space<vmem>>[vector<16xi32>], vector<16xf32>,
      %add3A_266 = arith.addi %get3A_244, %and3A_75 : vector<16xi32>
      %gather3A_267 = tpu.vector_load_idx %arg5[%add3A_266] : memref<65536xf32, #tpu.memory_space<vmem>>[vector<16xi32>], vector<16xf32>,
      %add3A_268 = arith.addi %get3A_244, %and3A_81 : vector<16xi32>
      %gather3A_269 = tpu.vector_load_idx %arg5[%add3A_268] : memref<65536xf32, #tpu.memory_space<vmem>>[vector<16xi32>], vector<16xf32>,
      %add3A_270 = arith.addi %get3A_244, %and3A_87 : vector<16xi32>
      %gather3A_271 = tpu.vector_load_idx %arg5[%add3A_270] : memref<65536xf32, #tpu.memory_space<vmem>>[vector<16xi32>], vector<16xf32>,
      %add3A_272 = arith.addi %get3A_244, %and3A_93 : vector<16xi32>
      %gather3A_273 = tpu.vector_load_idx %arg5[%add3A_272] : memref<65536xf32, #tpu.memory_space<vmem>>[vector<16xi32>], vector<16xf32>,
      %add3A_274 = arith.addi %get3A_244, %and3A_99 : vector<16xi32>
      %gather3A_275 = tpu.vector_load_idx %arg5[%add3A_274] : memref<65536xf32, #tpu.memory_space<vmem>>[vector<16xi32>], vector<16xf32>,
      %add3A_276 = arith.addi %get3A_244, %and3A_105 : vector<16xi32>
      %gather3A_277 = tpu.vector_load_idx %arg5[%add3A_276] : memref<65536xf32, #tpu.memory_space<vmem>>[vector<16xi32>], vector<16xf32>,
      %add3A_278 = arith.addi %get3A_244, %and3A_111 : vector<16xi32>
      %gather3A_279 = tpu.vector_load_idx %arg5[%add3A_278] : memref<65536xf32, #tpu.memory_space<vmem>>[vector<16xi32>], vector<16xf32>,
      %add3A_280 = arith.addi %add3A_248, %and3A_21 : vector<16xi32>
      tpu.vector_store_idx %arg9[%add3A_280], %gather3A : memref<16384xf32, #tpu.memory_space<vmem>>[vector<16xi32>], vector<16xf32>,
      %add3A_281 = arith.addi %add3A_248, %and3A_27 : vector<16xi32>
      tpu.vector_store_idx %arg9[%add3A_281], %gather3A_251 : memref<16384xf32, #tpu.memory_space<vmem>>[vector<16xi32>], vector<16xf32>,
      %add3A_282 = arith.addi %add3A_248, %and3A_33 : vector<16xi32>
      tpu.vector_store_idx %arg9[%add3A_282], %gather3A_253 : memref<16384xf32, #tpu.memory_space<vmem>>[vector<16xi32>], vector<16xf32>,
      %add3A_283 = arith.addi %add3A_248, %and3A_39 : vector<16xi32>
      tpu.vector_store_idx %arg9[%add3A_283], %gather3A_255 : memref<16384xf32, #tpu.memory_space<vmem>>[vector<16xi32>], vector<16xf32>,
      %add3A_284 = arith.addi %add3A_248, %and3A_45 : vector<16xi32>
      tpu.vector_store_idx %arg9[%add3A_284], %gather3A_257 : memref<16384xf32, #tpu.memory_space<vmem>>[vector<16xi32>], vector<16xf32>,
      %add3A_285 = arith.addi %add3A_248, %and3A_51 : vector<16xi32>
      tpu.vector_store_idx %arg9[%add3A_285], %gather3A_259 : memref<16384xf32, #tpu.memory_space<vmem>>[vector<16xi32>], vector<16xf32>,
      %add3A_286 = arith.addi %add3A_248, %and3A_57 : vector<16xi32>
      tpu.vector_store_idx %arg9[%add3A_286], %gather3A_261 : memref<16384xf32, #tpu.memory_space<vmem>>[vector<16xi32>], vector<16xf32>,
      %add3A_287 = arith.addi %add3A_248, %and3A_63 : vector<16xi32>
      tpu.vector_store_idx %arg9[%add3A_287], %gather3A_263 : memref<16384xf32, #tpu.memory_space<vmem>>[vector<16xi32>], vector<16xf32>,
      %add3A_288 = arith.addi %add3A_248, %and3A_69 : vector<16xi32>
      tpu.vector_store_idx %arg9[%add3A_288], %gather3A_265 : memref<16384xf32, #tpu.memory_space<vmem>>[vector<16xi32>], vector<16xf32>,
      %add3A_289 = arith.addi %add3A_248, %and3A_75 : vector<16xi32>
      tpu.vector_store_idx %arg9[%add3A_289], %gather3A_267 : memref<16384xf32, #tpu.memory_space<vmem>>[vector<16xi32>], vector<16xf32>,
      %add3A_290 = arith.addi %add3A_248, %and3A_81 : vector<16xi32>
      tpu.vector_store_idx %arg9[%add3A_290], %gather3A_269 : memref<16384xf32, #tpu.memory_space<vmem>>[vector<16xi32>], vector<16xf32>,
      %add3A_291 = arith.addi %add3A_248, %and3A_87 : vector<16xi32>
      tpu.vector_store_idx %arg9[%add3A_291], %gather3A_271 : memref<16384xf32, #tpu.memory_space<vmem>>[vector<16xi32>], vector<16xf32>,
      %add3A_292 = arith.addi %add3A_248, %and3A_93 : vector<16xi32>
      tpu.vector_store_idx %arg9[%add3A_292], %gather3A_273 : memref<16384xf32, #tpu.memory_space<vmem>>[vector<16xi32>], vector<16xf32>,
      %add3A_293 = arith.addi %add3A_248, %and3A_99 : vector<16xi32>
      tpu.vector_store_idx %arg9[%add3A_293], %gather3A_275 : memref<16384xf32, #tpu.memory_space<vmem>>[vector<16xi32>], vector<16xf32>,
      %add3A_294 = arith.addi %add3A_248, %and3A_105 : vector<16xi32>
      tpu.vector_store_idx %arg9[%add3A_294], %gather3A_277 : memref<16384xf32, #tpu.memory_space<vmem>>[vector<16xi32>], vector<16xf32>,
      %add3A_295 = arith.addi %add3A_248, %and3A_111 : vector<16xi32>
      tpu.vector_store_idx %arg9[%add3A_295], %gather3A_279 : memref<16384xf32, #tpu.memory_space<vmem>>[vector<16xi32>], vector<16xf32>,
      %mul3A_296 = arith.constant 2 : i32
      %mul3A_297 = arith.muli %scan3A_234, %mul3A_296 : i32
      %add3A_298 = arith.constant 1 : i32
      %add3A_299 = arith.addi %mul3A_297, %add3A_298 : i32
      %add3A_300 = arith.constant 64 : i32
      %add3A_301 = arith.addi %add3A_300, %add3A_299 : i32
      %mul3A_302 = arith.constant 16 : i32
      %mul3A_303 = arith.muli %add3A_301, %mul3A_302 : i32
      %get3A_304 = arith.index_cast %mul3A_303 : i32 to index
      %get3A_305 = tpu.vector_load %arg7[%get3A_304] {strides = array<i32>} : memref<2048xi32, #tpu.memory_space<vmem>>, vector<16xi32>,
      %mul3A_306 = arith.constant 256 : i32
      %mul3A_307 = arith.muli %add3A_299, %mul3A_306 : i32
      %add3A_308 = vector.broadcast %mul3A_307 : i32 to vector<16xi32>
      %add3A_309 = arith.addi %mul3A_16, %add3A_308 : vector<16xi32>
      %add3A_310 = arith.addi %get3A_305, %and3A_21 : vector<16xi32>
      %gather3A_311 = tpu.vector_load_idx %arg5[%add3A_310] : memref<65536xf32, #tpu.memory_space<vmem>>[vector<16xi32>], vector<16xf32>,
      %add3A_312 = arith.addi %get3A_305, %and3A_27 : vector<16xi32>
      %gather3A_313 = tpu.vector_load_idx %arg5[%add3A_312] : memref<65536xf32, #tpu.memory_space<vmem>>[vector<16xi32>], vector<16xf32>,
      %add3A_314 = arith.addi %get3A_305, %and3A_33 : vector<16xi32>
      %gather3A_315 = tpu.vector_load_idx %arg5[%add3A_314] : memref<65536xf32, #tpu.memory_space<vmem>>[vector<16xi32>], vector<16xf32>,
      %add3A_316 = arith.addi %get3A_305, %and3A_39 : vector<16xi32>
      %gather3A_317 = tpu.vector_load_idx %arg5[%add3A_316] : memref<65536xf32, #tpu.memory_space<vmem>>[vector<16xi32>], vector<16xf32>,
      %add3A_318 = arith.addi %get3A_305, %and3A_45 : vector<16xi32>
      %gather3A_319 = tpu.vector_load_idx %arg5[%add3A_318] : memref<65536xf32, #tpu.memory_space<vmem>>[vector<16xi32>], vector<16xf32>,
      %add3A_320 = arith.addi %get3A_305, %and3A_51 : vector<16xi32>
      %gather3A_321 = tpu.vector_load_idx %arg5[%add3A_320] : memref<65536xf32, #tpu.memory_space<vmem>>[vector<16xi32>], vector<16xf32>,
      %add3A_322 = arith.addi %get3A_305, %and3A_57 : vector<16xi32>
      %gather3A_323 = tpu.vector_load_idx %arg5[%add3A_322] : memref<65536xf32, #tpu.memory_space<vmem>>[vector<16xi32>], vector<16xf32>,
      %add3A_324 = arith.addi %get3A_305, %and3A_63 : vector<16xi32>
      %gather3A_325 = tpu.vector_load_idx %arg5[%add3A_324] : memref<65536xf32, #tpu.memory_space<vmem>>[vector<16xi32>], vector<16xf32>,
      %add3A_326 = arith.addi %get3A_305, %and3A_69 : vector<16xi32>
      %gather3A_327 = tpu.vector_load_idx %arg5[%add3A_326] : memref<65536xf32, #tpu.memory_space<vmem>>[vector<16xi32>], vector<16xf32>,
      %add3A_328 = arith.addi %get3A_305, %and3A_75 : vector<16xi32>
      %gather3A_329 = tpu.vector_load_idx %arg5[%add3A_328] : memref<65536xf32, #tpu.memory_space<vmem>>[vector<16xi32>], vector<16xf32>,
      %add3A_330 = arith.addi %get3A_305, %and3A_81 : vector<16xi32>
      %gather3A_331 = tpu.vector_load_idx %arg5[%add3A_330] : memref<65536xf32, #tpu.memory_space<vmem>>[vector<16xi32>], vector<16xf32>,
      %add3A_332 = arith.addi %get3A_305, %and3A_87 : vector<16xi32>
      %gather3A_333 = tpu.vector_load_idx %arg5[%add3A_332] : memref<65536xf32, #tpu.memory_space<vmem>>[vector<16xi32>], vector<16xf32>,
      %add3A_334 = arith.addi %get3A_305, %and3A_93 : vector<16xi32>
      %gather3A_335 = tpu.vector_load_idx %arg5[%add3A_334] : memref<65536xf32, #tpu.memory_space<vmem>>[vector<16xi32>], vector<16xf32>,
      %add3A_336 = arith.addi %get3A_305, %and3A_99 : vector<16xi32>
      %gather3A_337 = tpu.vector_load_idx %arg5[%add3A_336] : memref<65536xf32, #tpu.memory_space<vmem>>[vector<16xi32>], vector<16xf32>,
      %add3A_338 = arith.addi %get3A_305, %and3A_105 : vector<16xi32>
      %gather3A_339 = tpu.vector_load_idx %arg5[%add3A_338] : memref<65536xf32, #tpu.memory_space<vmem>>[vector<16xi32>], vector<16xf32>,
      %add3A_340 = arith.addi %get3A_305, %and3A_111 : vector<16xi32>
      %gather3A_341 = tpu.vector_load_idx %arg5[%add3A_340] : memref<65536xf32, #tpu.memory_space<vmem>>[vector<16xi32>], vector<16xf32>,
      %add3A_342 = arith.addi %add3A_309, %and3A_21 : vector<16xi32>
      tpu.vector_store_idx %arg9[%add3A_342], %gather3A_311 : memref<16384xf32, #tpu.memory_space<vmem>>[vector<16xi32>], vector<16xf32>,
      %add3A_343 = arith.addi %add3A_309, %and3A_27 : vector<16xi32>
      tpu.vector_store_idx %arg9[%add3A_343], %gather3A_313 : memref<16384xf32, #tpu.memory_space<vmem>>[vector<16xi32>], vector<16xf32>,
      %add3A_344 = arith.addi %add3A_309, %and3A_33 : vector<16xi32>
      tpu.vector_store_idx %arg9[%add3A_344], %gather3A_315 : memref<16384xf32, #tpu.memory_space<vmem>>[vector<16xi32>], vector<16xf32>,
      %add3A_345 = arith.addi %add3A_309, %and3A_39 : vector<16xi32>
      tpu.vector_store_idx %arg9[%add3A_345], %gather3A_317 : memref<16384xf32, #tpu.memory_space<vmem>>[vector<16xi32>], vector<16xf32>,
      %add3A_346 = arith.addi %add3A_309, %and3A_45 : vector<16xi32>
      tpu.vector_store_idx %arg9[%add3A_346], %gather3A_319 : memref<16384xf32, #tpu.memory_space<vmem>>[vector<16xi32>], vector<16xf32>,
      %add3A_347 = arith.addi %add3A_309, %and3A_51 : vector<16xi32>
      tpu.vector_store_idx %arg9[%add3A_347], %gather3A_321 : memref<16384xf32, #tpu.memory_space<vmem>>[vector<16xi32>], vector<16xf32>,
      %add3A_348 = arith.addi %add3A_309, %and3A_57 : vector<16xi32>
      tpu.vector_store_idx %arg9[%add3A_348], %gather3A_323 : memref<16384xf32, #tpu.memory_space<vmem>>[vector<16xi32>], vector<16xf32>,
      %add3A_349 = arith.addi %add3A_309, %and3A_63 : vector<16xi32>
      tpu.vector_store_idx %arg9[%add3A_349], %gather3A_325 : memref<16384xf32, #tpu.memory_space<vmem>>[vector<16xi32>], vector<16xf32>,
      %add3A_350 = arith.addi %add3A_309, %and3A_69 : vector<16xi32>
      tpu.vector_store_idx %arg9[%add3A_350], %gather3A_327 : memref<16384xf32, #tpu.memory_space<vmem>>[vector<16xi32>], vector<16xf32>,
      %add3A_351 = arith.addi %add3A_309, %and3A_75 : vector<16xi32>
      tpu.vector_store_idx %arg9[%add3A_351], %gather3A_329 : memref<16384xf32, #tpu.memory_space<vmem>>[vector<16xi32>], vector<16xf32>,
      %add3A_352 = arith.addi %add3A_309, %and3A_81 : vector<16xi32>
      tpu.vector_store_idx %arg9[%add3A_352], %gather3A_331 : memref<16384xf32, #tpu.memory_space<vmem>>[vector<16xi32>], vector<16xf32>,
      %add3A_353 = arith.addi %add3A_309, %and3A_87 : vector<16xi32>
      tpu.vector_store_idx %arg9[%add3A_353], %gather3A_333 : memref<16384xf32, #tpu.memory_space<vmem>>[vector<16xi32>], vector<16xf32>,
      %add3A_354 = arith.addi %add3A_309, %and3A_93 : vector<16xi32>
      tpu.vector_store_idx %arg9[%add3A_354], %gather3A_335 : memref<16384xf32, #tpu.memory_space<vmem>>[vector<16xi32>], vector<16xf32>,
      %add3A_355 = arith.addi %add3A_309, %and3A_99 : vector<16xi32>
      tpu.vector_store_idx %arg9[%add3A_355], %gather3A_337 : memref<16384xf32, #tpu.memory_space<vmem>>[vector<16xi32>], vector<16xf32>,
      %add3A_356 = arith.addi %add3A_309, %and3A_105 : vector<16xi32>
      tpu.vector_store_idx %arg9[%add3A_356], %gather3A_339 : memref<16384xf32, #tpu.memory_space<vmem>>[vector<16xi32>], vector<16xf32>,
      %add3A_357 = arith.addi %add3A_309, %and3A_111 : vector<16xi32>
      tpu.vector_store_idx %arg9[%add3A_357], %gather3A_341 : memref<16384xf32, #tpu.memory_space<vmem>>[vector<16xi32>], vector<16xf32>,
      %scan3A_358 = arith.constant 0 : i32
      scf.yield %scan3A_358 : i32
    }
    %scan3A_209 = arith.constant 32 : i32
    %add3A_210 = arith.constant 31 : i32
    %add3A_211 = arith.addi %mul3A_2, %add3A_210 : i32
    %dma_start3A_212 = arith.constant 16384 : i32
    %dma_start3A_213 = tpu.memref_slice %arg4[%add3A_211, %dma_start3A_212] : memref<1024x32768xf32, #tpu.memory_space<hbm>> -> memref<1x16384xf32, #tpu.memory_space<hbm>>
    %dma_start3A_214 = tpu.memref_squeeze %dma_start3A_213 : memref<1x16384xf32, #tpu.memory_space<hbm>> -> memref<16384xf32, #tpu.memory_space<hbm>>
    %dma_start3A_215 = arith.constant 16384 : i32
    %dma_start3A_216 = tpu.memref_slice %arg4[%add3A_211, %dma_start3A_215] : memref<1024x32768xf32, #tpu.memory_space<hbm>> -> memref<1x16384xf32, #tpu.memory_space<hbm>>
    %dma_start3A_217 = tpu.memref_squeeze %dma_start3A_216 : memref<1x16384xf32, #tpu.memory_space<hbm>> -> memref<16384xf32, #tpu.memory_space<hbm>>
    tpu.enqueue_dma source(%arg9 : memref<16384xf32, #tpu.memory_space<vmem>>) target(%dma_start3A_217 : memref<16384xf32, #tpu.memory_space<hbm>>) target_semaphore(%arg13 : memref<!tpu.dma_semaphore, #tpu.memory_space<semaphore_mem>>)
    %add3A_218 = arith.constant 31 : i32
    %add3A_219 = arith.addi %mul3A_2, %add3A_218 : i32
    %dma_wait3A_220 = arith.constant 0 : i32
    %dma_wait3A_221 = tpu.memref_slice %arg4[%add3A_219, %dma_wait3A_220] : memref<1024x32768xf32, #tpu.memory_space<hbm>> -> memref<1x16384xf32, #tpu.memory_space<hbm>>
    %dma_wait3A_222 = tpu.memref_squeeze %dma_wait3A_221 : memref<1x16384xf32, #tpu.memory_space<hbm>> -> memref<16384xf32, #tpu.memory_space<hbm>>
    %dma_wait3A_223 = arith.constant 0 : i32
    %dma_wait3A_224 = tpu.memref_slice %arg4[%add3A_219, %dma_wait3A_223] : memref<1024x32768xf32, #tpu.memory_space<hbm>> -> memref<1x16384xf32, #tpu.memory_space<hbm>>
    %dma_wait3A_225 = tpu.memref_squeeze %dma_wait3A_224 : memref<1x16384xf32, #tpu.memory_space<hbm>> -> memref<16384xf32, #tpu.memory_space<hbm>>
    tpu.wait_dma2 semaphore(%arg12 : memref<!tpu.dma_semaphore, #tpu.memory_space<semaphore_mem>>) src(%arg8 : memref<16384xf32, #tpu.memory_space<vmem>>) dst(%dma_wait3A_225 : memref<16384xf32, #tpu.memory_space<hbm>>)
    %add3A_226 = arith.constant 31 : i32
    %add3A_227 = arith.addi %mul3A_2, %add3A_226 : i32
    %dma_wait3A_228 = arith.constant 16384 : i32
    %dma_wait3A_229 = tpu.memref_slice %arg4[%add3A_227, %dma_wait3A_228] : memref<1024x32768xf32, #tpu.memory_space<hbm>> -> memref<1x16384xf32, #tpu.memory_space<hbm>>
    %dma_wait3A_230 = tpu.memref_squeeze %dma_wait3A_229 : memref<1x16384xf32, #tpu.memory_space<hbm>> -> memref<16384xf32, #tpu.memory_space<hbm>>
    %dma_wait3A_231 = arith.constant 16384 : i32
    %dma_wait3A_232 = tpu.memref_slice %arg4[%add3A_227, %dma_wait3A_231] : memref<1024x32768xf32, #tpu.memory_space<hbm>> -> memref<1x16384xf32, #tpu.memory_space<hbm>>
    %dma_wait3A_233 = tpu.memref_squeeze %dma_wait3A_232 : memref<1x16384xf32, #tpu.memory_space<hbm>> -> memref<16384xf32, #tpu.memory_space<hbm>>
    tpu.wait_dma2 semaphore(%arg13 : memref<!tpu.dma_semaphore, #tpu.memory_space<semaphore_mem>>) src(%arg9 : memref<16384xf32, #tpu.memory_space<vmem>>) dst(%dma_wait3A_233 : memref<16384xf32, #tpu.memory_space<hbm>>)
    return
  }
}

</mosaic_0001>

<sc_bundles>
// kernel: kernel.3.cloned.1.call-start
scs
__scs_entry_jumppad:
0x0: {  	(pc) =	sbr.rel $0x88, $3  }
0x1: {  	(tag) =	ssettag $0x0;
	lr =	simm.s32 $0x1  }
0x2: {  	[smem:$0x3F9F] =	sst lr;
	_ =	strace $0xD0000000  }
0x3: {  	_ = 	snop  }
0x4: {  	_ = 	snop  }
0x5: {  	_ = 	snop  }
0x6: {  	_ = 	snop  }
0x7: {  	_ = 	snop  }
__scs_overlays_trampoline_lowered:
0x8: {  	[smem:$0x3FAE] =	sst s0  }
0x9: {  	[smem:$0x3FAF] =	sst s1  }
0xa: {  	[smem:$0x3FB0] =	sst s2  }
0xb: {  	[smem:$0x3FB1] =	sst s3  }
0xc: {  	[smem:$0x3FB2] =	sst s4  }
0xd: {  	[smem:$0x3FB3] =	sst s5  }
0xe: {  	[smem:$0x3FB4] =	sst s6  }
0xf: {  	[smem:$0x3FB5] =	sst s7  }
0x10: {  	[smem:$0x3FB6] =	sst s8  }
0x11: {  	[smem:$0x3FB7] =	sst s9;
	s0 =	simm.s32 @!p0 $0x0  }
0x12: {  	s1 =	sld [smem:$0x3F9D];
	s0 =	simm.s32 @p0 $0x1  }
0x13: {  	[smem:$0x3FB8] =	sst s0;
	s0 =	simm.s32 @!p1 $0x0  }
0x14: {  	s2 =	sld [smem:$0x3F9C];
	s0 =	simm.s32 @p1 $0x1  }
0x15: {  	[smem:$0x3FB9] =	sst s0;
	s0 =	simm.s32 @!p2 $0x0  }
0x16: {  	s3 =	sld [smem:$0x3FDB];
	s0 =	simm.s32 @p2 $0x1  }
0x17: {  	s4 =	simm.s32 $0x1BF5;
	[smem:$0x3FBB] =	sst s0  }
0x18: {  	s0 =	sld [smem:$0x3F9E];
	_ =	swait.ge [sflag:s4], $0x0  }
0x19: {  	s7 =	sld [smem:$0x3F9F]  }
0x1a: {  	s8 =	sadd.s32 $0xFFFFE003, lr  }
0x1b: {  	s9 =	sadd.s32 $0xFFFFFEF7, lr;
	s5 =	simm.s32 $0xFFFFFFFF;
	p2 =	slt.u32 s8, $0xFFFFF086  }
0x1c: {  	p1 =	slt.u32 s9, $0xF7A;
	s5 =	simm.s32 @!p2 $0x0  }
0x1d: {  	s5 =	simm.s32 @p1 $0x1;
	p0 =	seq.s32 s7, s2  }
0x1e: {  	s7 =	smul.u32 @!p0 $0xF7A, s2;
	p2 =	seq.s32 @!p0 s5, $0x0  }
0x1f: {  	s9 =	smul.u32 $0xF7A, s1;
	s8 =	simm.s32 @!p0 $0x1BF5;
	p2 =	por !p2, p0  }
0x20: {  	[sflag:s8] =	ssyncset.s32 @!p0 $0xFFFFF086;
	s6 =	sadd.s32 @!p0 s3, s7;
	s7 =	simm.s32 @!p0 $0x108  }
0x21: {  	s3 =	sadd.s32 s3, s9;
	s6 =	sadd.s32 @!p0 $0x88, s6;
	s7 =	simm.s32 @p2 $0x1082  }
0x22: {  	[simem:s7], [sflag:s8] =	dma.local @!p0 [hbm:s6], $0xF7A  }
0x23: {  	s9 =	sor.u32 $0xD0000000, s2;
	s6 =	simm.s32 $0x108;
	_ =	swait.ge @!p0 [sflag:s8], $0x0  }
0x24: {  	s3 =	sadd.s32 $0x88, s3;
	s6 =	simm.s32 @!p1 $0x1082;
	[sflag:s4] =	ssyncset.s32 $0xFFFFF086  }
0x25: {  	[simem:s6], [sflag:s4] =	dma.local [hbm:s3], $0xF7A  }
0x26: {  	[smem:$0x3F9F] =	sst s1;
	(tag) =	ssettag s2;
	_ =	strace s9  }
0x27: {  	s1 =	sld [smem:$0x3FAF]  }
0x28: {  	s2 =	sld [smem:$0x3FB0]  }
0x29: {  	s4 =	sld [smem:$0x3FB2]  }
0x2a: {  	p0 =	seq.s32 s5, $0x0;
	s5 =	sld [smem:$0x3FB3]  }
0x2b: {  	s6 =	sld [smem:$0x3FB4]  }
0x2c: {  	s7 =	sld [smem:$0x3FB5]  }
0x2d: {  	s3 =	simm.s32 $0x108;
	s8 =	sld [smem:$0x3FB6]  }
0x2e: {  	s3 =	simm.s32 @!p0 $0x1082;
	s9 =	sld [smem:$0x3FB7]  }
0x2f: {  	lr =	sadd.s32 s0, s3;
	s0 =	sld [smem:$0x3FAE]  }
0x30: {  	s3 =	sld [smem:$0x3FB1]  }
0x31: {  	[smem:$0x3FBA] =	sst s10  }
0x32: {  	s10 =	sld [smem:$0x3FB8];
	_ =	sdelay $0x3  }
0x33: {  	p0 =	seq.s32 s10, $0x1;
	s10 =	sld [smem:$0x3FBA];
	_ =	sdelay $0x3  }
0x34: {  	[smem:$0x3FBA] =	sst s10  }
0x35: {  	s10 =	sld [smem:$0x3FB9];
	_ =	sdelay $0x3  }
0x36: {  	p1 =	seq.s32 s10, $0x1;
	s10 =	sld [smem:$0x3FBA];
	_ =	sdelay $0x3  }
0x37: {  	[smem:$0x3FBA] =	sst s10  }
0x38: {  	s10 =	sld [smem:$0x3FBB]  }
0x39: {  	_ = 	snop;
	(pc) =	sbr.ind lr, $3  }
0x3a: {  	_ = 	snop  }
0x3b: {  	_ = 	snop  }
0x3c: {  	p2 =	seq.s32 s10, $0x1;
	s10 =	sld [smem:$0x3FBA]  }
0x3d: {  	_ =	shalt  }
0x3e: {  	_ =	shalt  }
0x3f: {  	_ =	shalt  }
0x40: {  	_ =	shalt  }
0x41: {  	_ =	shalt  }
0x42: {  	_ =	shalt  }
0x43: {  	_ =	shalt  }
0x44: {  	_ =	shalt  }
0x45: {  	_ =	shalt  }
0x46: {  	_ =	shalt  }
0x47: {  	_ =	shalt  }
0x48: {  	_ =	shalt  }
0x49: {  	_ =	shalt  }
0x4a: {  	_ =	shalt  }
0x4b: {  	_ =	shalt  }
0x4c: {  	_ =	shalt  }
0x4d: {  	_ =	shalt  }
0x4e: {  	_ =	shalt  }
0x4f: {  	_ =	shalt  }
0x50: {  	_ =	shalt  }
0x51: {  	_ =	shalt  }
0x52: {  	_ =	shalt  }
0x53: {  	_ =	shalt  }
0x54: {  	_ =	shalt  }
0x55: {  	_ =	shalt  }
0x56: {  	_ =	shalt  }
0x57: {  	_ =	shalt  }
0x58: {  	_ =	shalt  }
0x59: {  	_ =	shalt  }
0x5a: {  	_ =	shalt  }
0x5b: {  	_ =	shalt  }
0x5c: {  	_ =	shalt  }
0x5d: {  	_ =	shalt  }
0x5e: {  	_ =	shalt  }
0x5f: {  	_ =	shalt  }
0x60: {  	_ =	shalt  }
0x61: {  	_ =	shalt  }
0x62: {  	_ =	shalt  }
0x63: {  	_ =	shalt  }
0x64: {  	_ =	shalt  }
0x65: {  	_ =	shalt  }
0x66: {  	_ =	shalt  }
0x67: {  	_ =	shalt  }
0x68: {  	_ =	shalt  }
0x69: {  	_ =	shalt  }
0x6a: {  	_ =	shalt  }
0x6b: {  	_ =	shalt  }
0x6c: {  	_ =	shalt  }
0x6d: {  	_ =	shalt  }
0x6e: {  	_ =	shalt  }
0x6f: {  	_ =	shalt  }
0x70: {  	_ =	shalt  }
0x71: {  	_ =	shalt  }
0x72: {  	_ =	shalt  }
0x73: {  	_ =	shalt  }
0x74: {  	_ =	shalt  }
0x75: {  	_ =	shalt  }
0x76: {  	_ =	shalt  }
0x77: {  	_ =	shalt  }
0x78: {  	_ =	shalt  }
0x79: {  	_ =	shalt  }
0x7a: {  	_ =	shalt  }
0x7b: {  	_ =	shalt  }
0x7c: {  	_ =	shalt  }
0x7d: {  	_ =	shalt  }
0x7e: {  	_ =	shalt  }
0x7f: {  	_ =	shalt  }
0x80: {  	_ =	shalt  }
0x81: {  	_ =	shalt  }
0x82: {  	_ =	shalt  }
0x83: {  	_ =	shalt  }
0x84: {  	_ =	shalt  }
0x85: {  	_ =	shalt  }
0x86: {  	_ =	shalt  }
0x87: {  	_ =	shalt  }
.Lfunc_end0:
.L_simem_size_0:
called_computation.1_lowered:
.L_overlay_start_0:
0x88: {  	s2 =	sld [smem:$0x3FD9]  }
0x89: {  	s3 =	sld [smem:$0x3FFE];
	_ =	sdelay $0x1  }
0x8a: {  	s1 =	srdreg.scid  }
0x8b: {  	s0 =	sand.u32 $0x1, s1  }
0x8c: {  	s17 =	sshll.u32 s0, $0xA;
	s2 =	sadd.s32 s3, s2  }
0x8d: {  	s2 =	sadd.s32 s2, s17  }
0x8e: {  	[smem:$0x3FC6] =	sst s2  }
0x8f: {  	_ = 	snop  }
0x90: {  	s2 =	sld [smem:$0x3FC8]  }
0x91: {  	s18 =	sld [smem:$0x3FD0];
	(tm) =	ssettm $0x1  }
0x92: {  	s4 =	sld [smem:$0x3FFB];
	_ =	sdelay $0x3  }
0x93: {  	_ =	strace s4  }
0x94: {  	s4 =	sld [smem:$0x3FFC];
	_ =	sdelay $0x3  }
0x95: {  	_ =	strace s4  }
0x96: {  	s4 =	sld [smem:$0x3FFD];
	_ =	sdelay $0x3  }
0x97: {  	_ =	strace s4  }
0x98: {  	_ =	strace $0x8FFFFFFF  }
0x99: {  	s19 =	sld [smem:$0x3FDB];
	_ =	sdelay $0x1  }
0x9a: {  	s5 =	simm.s32 $_scs_section_size  }
0x9b: {  	s6 =	simm.s32 $_size__tile_overlayer_lowered;
	s7 =	simm.s32 $_tile_overlayer_lowered  }
0x9c: {  	s22 =	simm.s32 $0x1BFF;
	s21 =	sshll.u32 s7, $0x1;
	s4 =	sadd.s32 s5, s19  }
0x9d: {  	s8 =	simm.s32 $0x0;
	s20 =	sshll.u32 s6, $0x1;
	s6 =	sadd.s32 s21, s4  }
0x9e: {  	[timem:s8], [sflag:s22] =	dma.local [hbm:s6], s20  }
0x9f: {  	_ =	swait.ge [sflag:s22], s20  }
0xa0: {  	s5 =	ssub.s32 $0x0, s20;
	[sflag:s22] =	ssyncset.done $0x0  }
0xa1: {  	[sflag:s22] =	ssyncadd.s32 s5;
	_ =	sdelay $0x1  }
0xa2: {  	s23 =	simm.s32 $0x1B8B  }
0xa3: {  	_ =	swait.ge [sflag:s23], $0x1  }
0xa4: {  	[sflag:s23] =	ssyncset.done $0x0  }
0xa5: {  	s25 =	simm.s32 $0x1B8E;
	s24 =	sld [smem:$0x3FFE];
	[sflag:s23] =	ssyncadd.s32 $0xFFFFFFFF  }
0xa6: {  	s26 =	simm.s32 $execute0_lowered;
	[smem:$0x3FD2] =	sst s25  }
0xa7: {  	s6 =	sshll.u32 s26, $0x1;
	_ =	strace $0x80000046;
	[dreg:$0x1] =	wrdreg $0xFFFFFFFF  }
0xa8: {  	s28 =	simm.s32 $_size_execute0_lowered;
	s4 =	sadd.s32 s4, s6;
	[dreg:$0x0] =	wrdreg $0x0  }
0xa9: {  	s6 =	sshll.u32 s28, $0x1;
	[dreg:$0x2] =	wrdreg s4  }
0xaa: {  	[dreg:$0x3] =	wrdreg s6  }
0xab: {  	[dreg:$0x4] =	wrdreg $0xC0  }
0xac: {  	_ =	task [dreg:s8], $0x5FFFF  }
0xad: {  	[dreg:$0x1] =	wrdreg $0xFFFFFFFF  }
0xae: {  	[dreg:$0x0] =	wrdreg $0x60  }
0xaf: {  	[dreg:$0x2] =	wrdreg s24  }
0xb0: {  	[dreg:$0x3] =	wrdreg s2  }
0xb1: {  	[dreg:$0x4] =	wrdreg s18  }
0xb2: {  	[dreg:$0x5] =	wrdreg $0x9  }
0xb3: {  	_ =	task.clear_ibuf [dreg:s8], $0x6FFFF;
	_ =	strace $0x90000046  }
0xb4: {  	s29 =	simm.s32 $0x9;
	_ =	strace $0x80000048  }
0xb5: {  	_ =	swait.ge [sflag:s29], $0x1  }
0xb6: {  	[sflag:s29] =	ssyncadd.s32 $0xFFFFFFFF  }
0xb7: {  	_ =	strace $0x90000048  }
0xb8: {  	_ =	sfence  }
0xb9: {  	s30 =	sld [smem:$0x0];
	_ =	sdelay $0x2  }
0xba: {  	s31 =	sshll.u32 s1, $0xD;
	s1 =	sshrl.u32 s1, $0x2  }
0xbb: {  	s3 =	sand.u32 $0x4000, s31;
	s1 =	sadd.s32 s1, s30  }
0xbc: {  	s0 =	sor.u32 s3, s0;
	s1 =	sshll.u32 s1, $0x11  }
0xbd: {  	s0 =	sor.u32 s1, s0  }
0xbe: {  	s0 =	sadd.s32 $0x8F2B, s0  }
0xbf: {  	[sflag:s0] =	ssyncadd.remote.s32 $0x1  }
0xc0: {  	_ =	sfence.sel $0xFFFF  }
0xc1: {  	[dreg:$0x0] =	wrdreg $0xFFFFFFFF;
	(pc) =	sbr.abs _section_cstart, $3  }
0xc2: {  	[dreg:$0x1] =	wrdreg $0xFFFFFFFF  }
0xc3: {  	_ =	task.clear_ibuf [dreg:s8], $0x2FFFF;
	_ =	strace $0x9FFFFFFF  }
0xc4: {  	(tm) =	ssettm $0x7FFFFFFF  }
0xc5: {  	_ =	shalt  }
tec
execute0_lowered:
.L_overlay_start_1:
0x0: {  	(tag) =	ssettag $0x1  }
0x1: {  	v0 =	vimm.s32 $0xFEDCBA9;
	v1 =	vimm.s32 $0x87654321;
	v5 =	vimm.s32 $0x210FEDCB  }
0x2: {  	v6 =	vimm.s32 $0xA9876543;
	v7 =	vimm.s32 $0x43210FED;
	v8 =	vimm.s32 $0xCBA98765  }
0x3: {  	v18 =	vimm.s32 $0xFEDCBA98;
	v19 =	vimm.s32 $0x76543210;
	vm0 =	vcmask $0x1F10  }
0x4: {  	v25 =	vimm.s32 $0xF3E2D1C0;
	v27 =	vimm.s32 $0x7E6D5C4B;
	v28 =	vimm.s32 $0xB3A29180  }
0x5: {  	v29 =	vimm.s32 $0xF7E6D5C4;
	v30 =	vimm.s32 $0x3E2D1C0B;
	v31 =	vimm.s32 $0x7261504F  }
0x6: {  	v32 =	vimm.s32 $0xB7A69584;
	v33 =	vimm.s32 $0xFBEAD9C8;
	v56 =	vimm.s32 $0x302F1E0D  }
0x7: {  	v57 =	vimm.s32 $0x74635241;
	v59 =	vimm.s32 $0xFDECDBCA;
	v62 =	vimm.s32 $0xFEEDDCCB  }
0x8: {  	v63 =	vimm.s32 $0x76655443;
	v0 =	vunpack.c.l.s4.s8 v0;
	v1 =	vunpack.c.l.s4.s8 v1  }
0x9: {  	v5 =	vunpack.c.l.s4.s8 v5;
	v6 =	vunpack.c.l.s4.s8 v6;
	v7 =	vunpack.c.l.s4.s8 v7  }
0xa: {  	v8 =	vunpack.c.l.s4.s8 v8;
	v18 =	vunpack.c.l.s4.s8 v18;
	v25 =	vunpack.c.0.s8.s32 v25  }
0xb: {  	v27 =	vunpack.c.0.s8.s32 v27;
	v28 =	vunpack.c.0.s8.s32 v28;
	v29 =	vunpack.c.0.s8.s32 v29  }
0xc: {  	v30 =	vunpack.c.0.s8.s32 v30;
	v31 =	vunpack.c.0.s8.s32 v31;
	v3 =	vunpack.c.0.s8.s32 v0  }
0xd: {  	v0 =	vimm.s32 $0x10FEDCBA;
	v4 =	vunpack.c.0.s8.s32 v1;
	v5 =	vunpack.c.0.s8.s32 v5  }
0xe: {  	v6 =	vunpack.c.0.s8.s32 v6;
	v16 =	vunpack.c.0.s8.s32 v7;
	v17 =	vunpack.c.0.s8.s32 v8  }
0xf: {  	v7 =	vimm.s32 $0x6543210F;
	v1 =	vunpack.c.l.s4.s8 v0;
	v0 =	vimm.s32 $0x98765432  }
0x10: {  	v8 =	vimm.s32 $0xEDCBA987;
	v7 =	vunpack.c.l.s4.s8 v7;
	v2 =	vunpack.c.l.s4.s8 v0  }
0x11: {  	v8 =	vunpack.c.l.s4.s8 v8;
	v9 =	vcombine.low v4, v3;
	v15 =	vcombine.low v6, v5  }
0x12: {  	v10 =	vunpack.c.0.s8.s32 v1;
	v1 =	vimm.s32 $0x3210FEDC;
	v11 =	vunpack.c.0.s8.s32 v2  }
0x13: {  	v24 =	vcombine.low v17, v16;
	v1 =	vunpack.c.l.s4.s8 v1;
	v2 =	vimm.s32 $0xBA987654  }
0x14: {  	v22 =	vunpack.c.0.s8.s32 v8;
	v2 =	vunpack.c.l.s4.s8 v2;
	v12 =	vcombine.low v11, v10  }
0x15: {  	v13 =	vunpack.c.0.s8.s32 v1;
	v1 =	vimm.s32 $0x543210FE;
	v10 =	vcombine.low v10, v11  }
0x16: {  	v11 =	vcombine.low v5, v6;
	v5 =	vimm.s32 $0xF0EFDECD;
	v6 =	vimm.s32 $0x34231201  }
0x17: {  	v14 =	vunpack.c.0.s8.s32 v2;
	v2 =	vimm.s32 $0xDCBA9876;
	v1 =	vunpack.c.l.s4.s8 v1  }
0x18: {  	v5 =	vunpack.c.0.s8.s32 v5;
	v6 =	vunpack.c.0.s8.s32 v6;
	v2 =	vunpack.c.l.s4.s8 v2  }
0x19: {  	v20 =	vunpack.c.0.s8.s32 v1;
	v1 =	vunpack.c.l.s4.s8 v19;
	v19 =	vunpack.c.0.s8.s32 v7  }
0x1a: {  	v23 =	vcombine.low v14, v13;
	v21 =	vunpack.c.0.s8.s32 v2;
	v2 =	vunpack.c.0.s8.s32 v18  }
0x1b: {  	v18 =	vunpack.c.0.s8.s32 v1;
	v8 =	vcombine.low v22, v19;
	v1 =	vand.u32 $0xF, v9  }
0x1c: {  	v9 =	vcombine.low v3, v4;
	v3 =	vand.u32 $0xF, v12;
	v12 =	vcombine.low v13, v14  }
0x1d: {  	v13 =	vcombine.low v16, v17;
	v4 =	vimm.s32 $0xBCAB9A89;
	v16 =	vimm.s32 $0x78675645  }
0x1e: {  	v17 =	vimm.s32 $0xF1E0DFCE;
	v7 =	vcombine.low v21, v20;
	v2 =	vand.u32 $0xF, v2  }
0x1f: {  	v14 =	vcombine.low v20, v21;
	v4 =	vunpack.c.0.s8.s32 v4;
	v16 =	vunpack.c.0.s8.s32 v16  }
0x20: {  	v20 =	vimm.s32 $0x36251403;
	v2 =	vcombine.low v2, v18;
	v18 =	vunpack.c.0.s8.s32 v17  }
0x21: {  	v5 =	vsel vm0, v5, v4;
	v4 =	vimm.s32 $0xBDAC9B8A;
	v6 =	vsel vm0, v16, v6  }
0x22: {  	v16 =	vunpack.c.0.s8.s32 v4;
	v17 =	vcombine.low v6, v5;
	v6 =	vimm.s32 $0x35241302  }
0x23: {  	v4 =	vand.u32 $0xF, v15;
	v15 =	vcombine.low v19, v22;
	v6 =	vunpack.c.0.s8.s32 v6  }
0x24: {  	v5 =	vsel vm0, v18, v16;
	v16 =	vimm.s32 $0x79685746;
	v18 =	vimm.s32 $0xBEAD9C8B  }
0x25: {  	v16 =	vunpack.c.0.s8.s32 v16;
	v19 =	vunpack.c.0.s8.s32 v18;
	v18 =	vimm.s32 $0xF2E1D0CF  }
0x26: {  	v20 =	vunpack.c.0.s8.s32 v20;
	v21 =	vunpack.c.0.s8.s32 v18;
	v18 =	vimm.s32 $0x7A695847  }
0x27: {  	v22 =	vunpack.c.0.s8.s32 v18;
	v18 =	vimm.s32 $0xBFAE9D8C;
	v6 =	vsel vm0, v16, v6  }
0x28: {  	v55 =	vunpack.c.0.s8.s32 v33;
	v16 =	vunpack.c.0.s8.s32 v18;
	v18 =	vcombine.low v6, v5  }
0x29: {  	v5 =	vsel vm0, v21, v19;
	v21 =	vimm.s32 $0xF4E3D2C1;
	v6 =	vsel vm0, v22, v20  }
0x2a: {  	v20 =	vimm.s32 $0xB0AF9E8D;
	v21 =	vunpack.c.0.s8.s32 v21;
	v19 =	vcombine.low v6, v5  }
0x2b: {  	v6 =	vsel vm0, v25, v16;
	v5 =	vimm.s32 $0x37261504;
	v16 =	vimm.s32 $0x7B6A5948  }
0x2c: {  	v20 =	vunpack.c.0.s8.s32 v20;
	v5 =	vunpack.c.0.s8.s32 v5;
	v16 =	vunpack.c.0.s8.s32 v16  }
0x2d: {  	v58 =	vunpack.c.0.s8.s32 v57;
	v22 =	vimm.s32 $0x38271605;
	v25 =	vimm.s32 $0x7C6B5A49  }
0x2e: {  	v21 =	vsel vm0, v21, v20;
	v20 =	vimm.s32 $0xB1A09F8E;
	v16 =	vsel vm0, v16, v5  }
0x2f: {  	v5 =	vunpack.c.0.s8.s32 v22;
	v22 =	vunpack.c.0.s8.s32 v25;
	v25 =	vimm.s32 $0xF5E4D3C2  }
0x30: {  	v60 =	vunpack.c.0.s8.s32 v59;
	v26 =	vunpack.c.0.s8.s32 v20;
	v25 =	vunpack.c.0.s8.s32 v25  }
0x31: {  	v20 =	vcombine.low v16, v6;
	v16 =	vimm.s32 $0x39281706;
	v22 =	vsel vm0, v22, v5  }
0x32: {  	v5 =	vand.u32 $0xF, v23;
	v16 =	vunpack.c.0.s8.s32 v16;
	v23 =	vimm.s32 $0xB2A1908F  }
0x33: {  	v21 =	vcombine.low v22, v21;
	v6 =	vsel vm0, v25, v26;
	v22 =	vimm.s32 $0x7D6C5B4A  }
0x34: {  	v25 =	vimm.s32 $0xF6E5D4C3;
	v26 =	vimm.s32 $0x3A291807;
	v22 =	vunpack.c.0.s8.s32 v22  }
0x35: {  	v23 =	vunpack.c.0.s8.s32 v23;
	v25 =	vunpack.c.0.s8.s32 v25;
	v26 =	vunpack.c.0.s8.s32 v26  }
0x36: {  	v0 =	vlaneseq.u32;
	v10 =	vand.u32 $0xF, v10;
	v16 =	vsel vm0, v22, v16  }
0x37: {  	v22 =	vcombine.low v16, v6;
	v6 =	vsel vm0, v25, v23;
	v16 =	vsel vm0, v27, v26  }
0x38: {  	v25 =	vimm.s32 $0x7F6E5D4C;
	v26 =	vimm.s32 $0xB4A39281;
	v27 =	vimm.s32 $0xF8E7D6C5  }
0x39: {  	v23 =	vcombine.low v16, v6;
	v6 =	vimm.s32 $0x3B2A1908;
	v25 =	vunpack.c.0.s8.s32 v25  }
0x3a: {  	v26 =	vunpack.c.0.s8.s32 v26;
	v27 =	vunpack.c.0.s8.s32 v27;
	v6 =	vunpack.c.0.s8.s32 v6  }
0x3b: {  	v16 =	vsel vm0, v29, v28;
	v28 =	vimm.s32 $0x3C2B1A09;
	v29 =	vimm.s32 $0x706F5E4D  }
0x3c: {  	v26 =	vsel vm0, v27, v26;
	v27 =	vimm.s32 $0xB5A49382;
	v25 =	vsel vm0, v25, v6  }
0x3d: {  	v6 =	vunpack.c.0.s8.s32 v28;
	v28 =	vunpack.c.0.s8.s32 v29;
	v29 =	vimm.s32 $0xF9E8D7C6  }
0x3e: {  	v11 =	vand.u32 $0xF, v11;
	v27 =	vunpack.c.0.s8.s32 v27;
	v29 =	vunpack.c.0.s8.s32 v29  }
0x3f: {  	v8 =	vand.u32 $0xF, v8;
	v28 =	vsel vm0, v28, v6;
	v6 =	vand.u32 $0xF, v24  }
0x40: {  	v24 =	vcombine.low v25, v16;
	v25 =	vcombine.low v28, v26;
	v16 =	vsel vm0, v29, v27  }
0x41: {  	v26 =	vimm.s32 $0x3D2C1B0A;
	v27 =	vimm.s32 $0x71605F4E;
	v28 =	vimm.s32 $0xB6A59483  }
0x42: {  	v29 =	vimm.s32 $0xFAE9D8C7;
	v26 =	vunpack.c.0.s8.s32 v26;
	v27 =	vunpack.c.0.s8.s32 v27  }
0x43: {  	v9 =	vand.u32 $0xF, v9;
	v28 =	vunpack.c.0.s8.s32 v28;
	v29 =	vunpack.c.0.s8.s32 v29  }
0x44: {  	v12 =	vand.u32 $0xF, v12;
	v13 =	vand.u32 $0xF, v13;
	v26 =	vsel vm0, v27, v26  }
0x45: {  	v27 =	vunpack.c.0.s8.s32 v32;
	v26 =	vcombine.low v26, v16;
	v16 =	vsel vm0, v29, v28  }
0x46: {  	v28 =	vsel vm0, v31, v30;
	v29 =	vimm.s32 $0x73625140;
	v30 =	vimm.s32 $0xB8A79685  }
0x47: {  	v31 =	vimm.s32 $0xFCEBDAC9;
	v28 =	vcombine.low v28, v16;
	v16 =	vsel vm0, v55, v27  }
0x48: {  	v27 =	vimm.s32 $0x3F2E1D0C;
	v30 =	vunpack.c.0.s8.s32 v30;
	v31 =	vunpack.c.0.s8.s32 v31  }
0x49: {  	v7 =	vand.u32 $0xF, v7;
	v29 =	vunpack.c.0.s8.s32 v29;
	v27 =	vunpack.c.0.s8.s32 v27  }
0x4a: {  	s5 =	rddreg [dreg:$0x0];
	v14 =	vand.u32 $0xF, v14;
	v15 =	vand.u32 $0xF, v15;
	v30 =	vsel vm0, v31, v30  }
0x4b: {  	s0 =	rddreg [dreg:$0x1];
	v31 =	vimm.s32 $0xB9A89786;
	v27 =	vsel vm0, v29, v27;
	v29 =	vunpack.c.0.s8.s32 v56  }
0x4c: {  	s2 =	rddreg [dreg:$0x2];
	v17 =	vand.u32 $0xFF, v17;
	v18 =	vand.u32 $0xFF, v18;
	v31 =	vunpack.c.0.s8.s32 v31  }
0x4d: {  	s3 =	simm.s32 $0x0;
	s6 =	srdreg.scid;
	s4 =	stileid.u32;
	v61 =	vcombine.low v27, v16;
	v16 =	vimm.s32 $0x31201F0E;
	v29 =	vsel vm0, v58, v29  }
0x4e: {  	s15 =	simm.s32 $0x80;
	s16 =	simm.s32 $0x400;
	s17 =	simm.s32 $0x10000;
	v27 =	vsel vm0, v60, v31;
	v29 =	vcombine.low v29, v30;
	v30 =	vimm.s32 $0x75645342  }
0x4f: {  	s18 =	simm.s32 $0x1;
	s19 =	simm.s32 $0x2;
	s20 =	simm.s32 $0x11000;
	v16 =	vunpack.c.0.s8.s32 v16;
	v31 =	vimm.s32 $0xBAA99887;
	v30 =	vunpack.c.0.s8.s32 v30  }
0x50: {  	s21 =	simm.s32 $0x15000;
	s22 =	simm.s32 $0x3;
	s23 =	simm.s32 $0x4;
	v19 =	vand.u32 $0xFF, v19;
	v32 =	vunpack.c.0.s8.s32 v62;
	v31 =	vunpack.c.0.s8.s32 v31  }
0x51: {  	s24 =	simm.s32 $0x0;
	[smem:$0x7FF] =	sst s3;
	s6 =	sand.u32 $0x1, s6;
	v20 =	vand.u32 $0xFF, v20;
	v30 =	vsel vm0, v30, v16;
	v16 =	vimm.s32 $0x3221100F  }
0x52: {  	s8 =	sshll.u32 s4, $0x6;
	s7 =	ssub.s32 $0x2, s6;
	s6 =	sshll.u32 s6, $0x5;
	v31 =	vsel vm0, v32, v31;
	v32 =	vunpack.c.0.s8.s32 v63;
	v16 =	vunpack.c.0.s8.s32 v16  }
0x53: {  	s5 =	sadd.s32 $0x800800, s5;
	s9 =	sshrl.u32 s7, $0x1;
	s6 =	sor.u32 s6, s8;
	v21 =	vand.u32 $0xFF, v21;
	v22 =	vand.u32 $0xFF, v22;
	v23 =	vand.u32 $0xFF, v23  }
0x54: {  	_ =	strace $0x80000047;
	s14 =	ssub.s32 s7, s9;
	s31 =	sshll.u32 s6, $0xD;
	v24 =	vand.u32 $0xFF, v24;
	v25 =	vand.u32 $0xFF, v25;
	v32 =	vsel vm0, v32, v16  }
0x55: {  	s10 =	sshll.u32 s6, $0xC;
	s9 =	sadd.s32 $0x4000, s2;
	s7 =	sadd.s32 s5, s31;
	v26 =	vand.u32 $0xFF, v26;
	v30 =	vcombine.low v30, v27;
	v31 =	vcombine.low v32, v31  }
0x56: {  	s8 =	sadd.s32 s2, s10;
	s10 =	sadd.s32 s10, s9;
	s14 =	smax.u32 s14, $0x1;
	v29 =	vand.u32 $0xFF, v29;
	v27 =	vand.u32 $0xFF, v28;
	v28 =	vand.u32 $0xFF, v61  }
0x57: {  	s11 =	sadd.s32 $0x10, s7;
	s12 =	sadd.s32 $0x18070, s8;
	s13 =	sadd.s32 $0x1C070, s8;
	v16 =	vmul.u32 $0x11, v0;
	v30 =	vand.u32 $0xFF, v30;
	v31 =	vand.u32 $0xFF, v31  }
.LBB2_1:
0x58: {  	[tilespmem:s3], [sflag:$0x2] =	stream.strided.gather [hbm4b:s7+s15], $0x10000, s16, s15, $0x38;
	[tilespmem:$0x19000] =	vst v63  }
0x59: {  	_ = 	snop  }
0x5a: {  	[tilespmem:s17], [sflag:$0x1] =	stream.linear.gather [hbm4b:s0+s3], $0x800, $0x38;
	[tilespmem:$0x19000] =	vst v63  }
0x5b: {  	_ =	swait.ge [sflag:s18], $0x800  }
0x5c: {  	[sflag:s18] =	ssyncset.done $0x0  }
0x5d: {  	s25 =	simm.s32 $0x0;
	[sflag:s18] =	ssyncadd.s32 $0xFFFFF800  }
0x5e: {  	s26 =	simm.s32 $0x40;
	v32 =	vld [tilespmem:s25+$0x10000]  }
.LBB2_2:
0x5f: {  	p0 =	sne.s32 s26, $0x1FC0  }
.Ltmp0:
0x60: {  	_ = 	snop;
	(pc) =	sbr.rel @p0 .LBB2_2-.Ltmp0, $3  }
0x61: {  	_ =	sdelay $0x1  }
0x62: {  	s28 =	sshra.s32 s26, $0x2;
	s26 =	sadd.s32 $0x40, s26;
	v33 =	vshll.u32 v32, $0x4  }
0x63: {  	v32 =	vld [tilespmem:s28+$0x10000];
	[tilespmem:s25+$0x10800] =	vst v33;
	s25 =	smov.u32 s28  }
0x64: {  	_ =	sdelay $0x3  }
0x65: {  	v32 =	vshll.u32 v32, $0x4  }
0x66: {  	[tilespmem:s25+$0x10800] =	vst v32  }
0x67: {  	_ =	swait.ge [sflag:s19], $0x10000  }
0x68: {  	[sflag:s19] =	ssyncset.done $0x0  }
0x69: {  	s26 =	simm.s32 $0x10810;
	s25 =	simm.s32 $0x0;
	[sflag:s19] =	ssyncadd.s32 $0xFFFF0000  }
.LBB2_4:
0x6a: {  	v32 =	vld [tilespmem:s26+$0xFFFFFFF0];
	_ =	sdelay $0x4  }
0x6b: {  	v33 =	vadd.s32 v0, v32  }
0x6c: {  	v34 =	vadd.s32 v1, v32  }
0x6d: {  	v35 =	vadd.s32 v3, v32  }
0x6e: {  	v36 =	vadd.s32 v4, v32  }
0x6f: {  	v37 =	vadd.s32 v5, v32  }
0x70: {  	v38 =	vadd.s32 v6, v32;
	v33 =	vld.idx.msk [tilespmem:v33+s3+$0x0], $0xffff  }
0x71: {  	v39 =	vadd.s32 v7, v32;
	v34 =	vld.idx.msk [tilespmem:v34+s3+$0x0], $0xffff  }
0x72: {  	v40 =	vadd.s32 v8, v32;
	v35 =	vld.idx.msk [tilespmem:v35+s3+$0x0], $0xffff  }
0x73: {  	v41 =	vadd.s32 v2, v32;
	v36 =	vld.idx.msk [tilespmem:v36+s3+$0x0], $0xffff  }
0x74: {  	v42 =	vadd.s32 v9, v32;
	v37 =	vld.idx.msk [tilespmem:v37+s3+$0x0], $0xffff  }
0x75: {  	v43 =	vadd.s32 v10, v32;
	v38 =	vld.idx.msk [tilespmem:v38+s3+$0x0], $0xffff  }
0x76: {  	v44 =	vadd.s32 v11, v32;
	v39 =	vld.idx.msk [tilespmem:v39+s3+$0x0], $0xffff  }
0x77: {  	v45 =	vadd.s32 v12, v32;
	v40 =	vld.idx.msk [tilespmem:v40+s3+$0x0], $0xffff  }
0x78: {  	v46 =	vadd.s32 v13, v32;
	v41 =	vld.idx.msk [tilespmem:v41+s3+$0x0], $0xffff  }
0x79: {  	v47 =	vadd.s32 v14, v32;
	v42 =	vld.idx.msk [tilespmem:v42+s3+$0x0], $0xffff  }
0x7a: {  	v48 =	vor.u32 s25, v16;
	v32 =	vadd.s32 v15, v32;
	v43 =	vld.idx.msk [tilespmem:v43+s3+$0x0], $0xffff  }
0x7b: {  	v49 =	vor.u32 s25, v17;
	v44 =	vld.idx.msk [tilespmem:v44+s3+$0x0], $0xffff  }
0x7c: {  	v50 =	vor.u32 s25, v18;
	v45 =	vld.idx.msk [tilespmem:v45+s3+$0x0], $0xffff  }
0x7d: {  	v51 =	vor.u32 s25, v19;
	v46 =	vld.idx.msk [tilespmem:v46+s3+$0x0], $0xffff  }
0x7e: {  	v52 =	vor.u32 s25, v20;
	v47 =	vld.idx.msk [tilespmem:v47+s3+$0x0], $0xffff  }
0x7f: {  	v57 =	vor.u32 s25, v21;
	v32 =	vld.idx.msk [tilespmem:v32+s3+$0x0], $0xffff;
	[tilespmem:v48+s20+$0x0] =	vst.idx.msk $0xffff, v33  }
0x80: {  	v58 =	vor.u32 s25, v22;
	[tilespmem:v49+s20+$0x0] =	vst.idx.msk $0xffff, v34  }
0x81: {  	v59 =	vor.u32 s25, v23;
	[tilespmem:v50+s20+$0x0] =	vst.idx.msk $0xffff, v35  }
0x82: {  	v60 =	vor.u32 s25, v24;
	[tilespmem:v51+s20+$0x0] =	vst.idx.msk $0xffff, v36  }
0x83: {  	v61 =	vor.u32 s25, v25;
	[tilespmem:v52+s20+$0x0] =	vst.idx.msk $0xffff, v37  }
0x84: {  	v62 =	vor.u32 s25, v26;
	[tilespmem:v57+s20+$0x0] =	vst.idx.msk $0xffff, v38  }
0x85: {  	v63 =	vor.u32 s25, v27;
	[tilespmem:v58+s20+$0x0] =	vst.idx.msk $0xffff, v39  }
0x86: {  	[tilespmem:v59+s20+$0x0] =	vst.idx.msk $0xffff, v40;
	v40 =	vor.u32 s25, v28  }
0x87: {  	[tilespmem:v60+s20+$0x0] =	vst.idx.msk $0xffff, v41;
	v41 =	vor.u32 s25, v29  }
0x88: {  	[tilespmem:v61+s20+$0x0] =	vst.idx.msk $0xffff, v42;
	v42 =	vor.u32 s25, v30  }
0x89: {  	[tilespmem:v62+s20+$0x0] =	vst.idx.msk $0xffff, v43;
	v43 =	vor.u32 s25, v31  }
0x8a: {  	[tilespmem:v63+s20+$0x0] =	vst.idx.msk $0xffff, v44  }
0x8b: {  	[tilespmem:v40+s20+$0x0] =	vst.idx.msk $0xffff, v45  }
0x8c: {  	[tilespmem:v41+s20+$0x0] =	vst.idx.msk $0xffff, v46  }
0x8d: {  	[tilespmem:v42+s20+$0x0] =	vst.idx.msk $0xffff, v47  }
0x8e: {  	[tilespmem:v43+s20+$0x0] =	vst.idx.msk $0xffff, v32  }
0x8f: {  	v32 =	vld [tilespmem:s26+$0x0];
	_ =	sdelay $0x4  }
0x90: {  	v44 =	vadd.s32 v0, v32  }
0x91: {  	v45 =	vadd.s32 v1, v32  }
0x92: {  	v46 =	vadd.s32 v3, v32  }
0x93: {  	v47 =	vadd.s32 v4, v32  }
0x94: {  	v48 =	vadd.s32 v5, v32  }
0x95: {  	v49 =	vadd.s32 v6, v32;
	v33 =	vld.idx.msk [tilespmem:v44+s3+$0x0], $0xffff  }
0x96: {  	v50 =	vadd.s32 v7, v32;
	v34 =	vld.idx.msk [tilespmem:v45+s3+$0x0], $0xffff  }
0x97: {  	v51 =	vadd.s32 v8, v32;
	v35 =	vld.idx.msk [tilespmem:v46+s3+$0x0], $0xffff  }
0x98: {  	v52 =	vadd.s32 v2, v32;
	v36 =	vld.idx.msk [tilespmem:v47+s3+$0x0], $0xffff  }
0x99: {  	v53 =	vadd.s32 v9, v32;
	v37 =	vld.idx.msk [tilespmem:v48+s3+$0x0], $0xffff  }
0x9a: {  	v54 =	vadd.s32 v10, v32;
	v38 =	vld.idx.msk [tilespmem:v49+s3+$0x0], $0xffff  }
0x9b: {  	v55 =	vadd.s32 v11, v32;
	v39 =	vld.idx.msk [tilespmem:v50+s3+$0x0], $0xffff  }
0x9c: {  	v56 =	vadd.s32 v12, v32;
	v40 =	vld.idx.msk [tilespmem:v51+s3+$0x0], $0xffff  }
0x9d: {  	v57 =	vadd.s32 v13, v32;
	v41 =	vld.idx.msk [tilespmem:v52+s3+$0x0], $0xffff  }
0x9e: {  	s28 =	sadd.s32 $0x100, s25;
	v58 =	vadd.s32 v14, v32;
	v42 =	vld.idx.msk [tilespmem:v53+s3+$0x0], $0xffff  }
0x9f: {  	v59 =	vor.u32 s28, v16;
	v32 =	vadd.s32 v15, v32;
	v43 =	vld.idx.msk [tilespmem:v54+s3+$0x0], $0xffff  }
0xa0: {  	v60 =	vor.u32 s28, v17;
	v44 =	vld.idx.msk [tilespmem:v55+s3+$0x0], $0xffff  }
0xa1: {  	v61 =	vor.u32 s28, v18;
	v45 =	vld.idx.msk [tilespmem:v56+s3+$0x0], $0xffff  }
0xa2: {  	v62 =	vor.u32 s28, v19;
	v46 =	vld.idx.msk [tilespmem:v57+s3+$0x0], $0xffff  }
0xa3: {  	v63 =	vor.u32 s28, v20;
	v47 =	vld.idx.msk [tilespmem:v58+s3+$0x0], $0xffff  }
0xa4: {  	v32 =	vld.idx.msk [tilespmem:v32+s3+$0x0], $0xffff;
	v53 =	vor.u32 s28, v21;
	[tilespmem:v59+s20+$0x0] =	vst.idx.msk $0xffff, v33  }
0xa5: {  	v54 =	vor.u32 s28, v22;
	[tilespmem:v60+s20+$0x0] =	vst.idx.msk $0xffff, v34  }
0xa6: {  	v55 =	vor.u32 s28, v23;
	[tilespmem:v61+s20+$0x0] =	vst.idx.msk $0xffff, v35  }
0xa7: {  	v56 =	vor.u32 s28, v24;
	[tilespmem:v62+s20+$0x0] =	vst.idx.msk $0xffff, v36  }
0xa8: {  	v57 =	vor.u32 s28, v25;
	[tilespmem:v63+s20+$0x0] =	vst.idx.msk $0xffff, v37  }
0xa9: {  	v58 =	vor.u32 s28, v26;
	[tilespmem:v53+s20+$0x0] =	vst.idx.msk $0xffff, v38  }
0xaa: {  	v59 =	vor.u32 s28, v27;
	[tilespmem:v54+s20+$0x0] =	vst.idx.msk $0xffff, v39  }
0xab: {  	v60 =	vor.u32 s28, v28;
	[tilespmem:v55+s20+$0x0] =	vst.idx.msk $0xffff, v40  }
0xac: {  	v61 =	vor.u32 s28, v29;
	[tilespmem:v56+s20+$0x0] =	vst.idx.msk $0xffff, v41  }
0xad: {  	v62 =	vor.u32 s28, v30;
	[tilespmem:v57+s20+$0x0] =	vst.idx.msk $0xffff, v42  }
0xae: {  	p0 =	sne.s32 s25, $0x3E00;
	v63 =	vor.u32 s28, v31;
	[tilespmem:v58+s20+$0x0] =	vst.idx.msk $0xffff, v43  }
.Ltmp1:
0xaf: {  	[tilespmem:v59+s20+$0x0] =	vst.idx.msk $0xffff, v44;
	(pc) =	sbr.rel @p0 .LBB2_4-.Ltmp1, $4  }
0xb0: {  	[tilespmem:v60+s20+$0x0] =	vst.idx.msk $0xffff, v45  }
0xb1: {  	[tilespmem:v61+s20+$0x0] =	vst.idx.msk $0xffff, v46  }
0xb2: {  	[tilespmem:v62+s20+$0x0] =	vst.idx.msk $0xffff, v47  }
0xb3: {  	s25 =	sadd.s32 $0x200, s25;
	s26 =	sadd.s32 $0x20, s26;
	[tilespmem:v63+s20+$0x0] =	vst.idx.msk $0xffff, v32  }
0xb4: {  	[hbm4b:s8+s15] =	stream.strided.scatter [tilespmem:s20], [sflag:$0x3], $0x4000, s16, s15, $0x38;
	[tilespmem:$0x19000] =	vst v63  }
0xb5: {  	s25 =	simm.s32 $0x10C10;
	s26 =	simm.s32 $0x0;
	s28 =	simm.s32 $0x0  }
.LBB2_6:
0xb6: {  	s29 =	sand.u32 $0x3E0, s26  }
0xb7: {  	v32 =	vld [tilespmem:s29+$0x10C00];
	_ =	sdelay $0x4  }
0xb8: {  	v33 =	vadd.s32 v0, v32  }
0xb9: {  	v34 =	vadd.s32 v1, v32  }
0xba: {  	v35 =	vadd.s32 v3, v32  }
0xbb: {  	v36 =	vadd.s32 v4, v32  }
0xbc: {  	v37 =	vadd.s32 v5, v32  }
0xbd: {  	v38 =	vadd.s32 v6, v32;
	v33 =	vld.idx.msk [tilespmem:v33+s3+$0x0], $0xffff  }
0xbe: {  	v39 =	vadd.s32 v7, v32;
	v34 =	vld.idx.msk [tilespmem:v34+s3+$0x0], $0xffff  }
0xbf: {  	v40 =	vadd.s32 v8, v32;
	v35 =	vld.idx.msk [tilespmem:v35+s3+$0x0], $0xffff  }
0xc0: {  	v41 =	vadd.s32 v2, v32;
	v36 =	vld.idx.msk [tilespmem:v36+s3+$0x0], $0xffff  }
0xc1: {  	v42 =	vadd.s32 v9, v32;
	v37 =	vld.idx.msk [tilespmem:v37+s3+$0x0], $0xffff  }
0xc2: {  	v43 =	vadd.s32 v10, v32;
	v38 =	vld.idx.msk [tilespmem:v38+s3+$0x0], $0xffff  }
0xc3: {  	v44 =	vadd.s32 v11, v32;
	v39 =	vld.idx.msk [tilespmem:v39+s3+$0x0], $0xffff  }
0xc4: {  	v45 =	vadd.s32 v12, v32;
	v40 =	vld.idx.msk [tilespmem:v40+s3+$0x0], $0xffff  }
0xc5: {  	v46 =	vadd.s32 v13, v32;
	v41 =	vld.idx.msk [tilespmem:v41+s3+$0x0], $0xffff  }
0xc6: {  	v47 =	vadd.s32 v14, v32;
	v42 =	vld.idx.msk [tilespmem:v42+s3+$0x0], $0xffff  }
0xc7: {  	v48 =	vor.u32 s28, v16;
	v32 =	vadd.s32 v15, v32;
	v43 =	vld.idx.msk [tilespmem:v43+s3+$0x0], $0xffff  }
0xc8: {  	v49 =	vor.u32 s28, v17;
	v44 =	vld.idx.msk [tilespmem:v44+s3+$0x0], $0xffff  }
0xc9: {  	v50 =	vor.u32 s28, v18;
	v45 =	vld.idx.msk [tilespmem:v45+s3+$0x0], $0xffff  }
0xca: {  	v51 =	vor.u32 s28, v19;
	v46 =	vld.idx.msk [tilespmem:v46+s3+$0x0], $0xffff  }
0xcb: {  	v52 =	vor.u32 s28, v20;
	v47 =	vld.idx.msk [tilespmem:v47+s3+$0x0], $0xffff  }
0xcc: {  	v57 =	vor.u32 s28, v21;
	v32 =	vld.idx.msk [tilespmem:v32+s3+$0x0], $0xffff;
	[tilespmem:v48+s21+$0x0] =	vst.idx.msk $0xffff, v33  }
0xcd: {  	v58 =	vor.u32 s28, v22;
	[tilespmem:v49+s21+$0x0] =	vst.idx.msk $0xffff, v34  }
0xce: {  	v59 =	vor.u32 s28, v23;
	[tilespmem:v50+s21+$0x0] =	vst.idx.msk $0xffff, v35  }
0xcf: {  	v60 =	vor.u32 s28, v24;
	[tilespmem:v51+s21+$0x0] =	vst.idx.msk $0xffff, v36  }
0xd0: {  	v61 =	vor.u32 s28, v25;
	[tilespmem:v52+s21+$0x0] =	vst.idx.msk $0xffff, v37  }
0xd1: {  	v62 =	vor.u32 s28, v26;
	[tilespmem:v57+s21+$0x0] =	vst.idx.msk $0xffff, v38  }
0xd2: {  	v63 =	vor.u32 s28, v27;
	[tilespmem:v58+s21+$0x0] =	vst.idx.msk $0xffff, v39  }
0xd3: {  	[tilespmem:v59+s21+$0x0] =	vst.idx.msk $0xffff, v40;
	v40 =	vor.u32 s28, v28  }
0xd4: {  	[tilespmem:v60+s21+$0x0] =	vst.idx.msk $0xffff, v41;
	v41 =	vor.u32 s28, v29  }
0xd5: {  	[tilespmem:v61+s21+$0x0] =	vst.idx.msk $0xffff, v42;
	v42 =	vor.u32 s28, v30  }
0xd6: {  	[tilespmem:v62+s21+$0x0] =	vst.idx.msk $0xffff, v43;
	v43 =	vor.u32 s28, v31  }
0xd7: {  	[tilespmem:v63+s21+$0x0] =	vst.idx.msk $0xffff, v44  }
0xd8: {  	[tilespmem:v40+s21+$0x0] =	vst.idx.msk $0xffff, v45  }
0xd9: {  	[tilespmem:v41+s21+$0x0] =	vst.idx.msk $0xffff, v46  }
0xda: {  	[tilespmem:v42+s21+$0x0] =	vst.idx.msk $0xffff, v47  }
0xdb: {  	[tilespmem:v43+s21+$0x0] =	vst.idx.msk $0xffff, v32  }
0xdc: {  	v32 =	vld [tilespmem:s25+$0x0];
	_ =	sdelay $0x4  }
0xdd: {  	v44 =	vadd.s32 v0, v32  }
0xde: {  	v45 =	vadd.s32 v1, v32  }
0xdf: {  	v46 =	vadd.s32 v3, v32  }
0xe0: {  	v47 =	vadd.s32 v4, v32  }
0xe1: {  	v48 =	vadd.s32 v5, v32  }
0xe2: {  	v49 =	vadd.s32 v6, v32;
	v33 =	vld.idx.msk [tilespmem:v44+s3+$0x0], $0xffff  }
0xe3: {  	v50 =	vadd.s32 v7, v32;
	v34 =	vld.idx.msk [tilespmem:v45+s3+$0x0], $0xffff  }
0xe4: {  	v51 =	vadd.s32 v8, v32;
	v35 =	vld.idx.msk [tilespmem:v46+s3+$0x0], $0xffff  }
0xe5: {  	v52 =	vadd.s32 v2, v32;
	v36 =	vld.idx.msk [tilespmem:v47+s3+$0x0], $0xffff  }
0xe6: {  	v53 =	vadd.s32 v9, v32;
	v37 =	vld.idx.msk [tilespmem:v48+s3+$0x0], $0xffff  }
0xe7: {  	v54 =	vadd.s32 v10, v32;
	v38 =	vld.idx.msk [tilespmem:v49+s3+$0x0], $0xffff  }
0xe8: {  	v55 =	vadd.s32 v11, v32;
	v39 =	vld.idx.msk [tilespmem:v50+s3+$0x0], $0xffff  }
0xe9: {  	v56 =	vadd.s32 v12, v32;
	v40 =	vld.idx.msk [tilespmem:v51+s3+$0x0], $0xffff  }
0xea: {  	v57 =	vadd.s32 v13, v32;
	v41 =	vld.idx.msk [tilespmem:v52+s3+$0x0], $0xffff  }
0xeb: {  	s31 =	sadd.s32 $0x100, s28;
	v58 =	vadd.s32 v14, v32;
	v42 =	vld.idx.msk [tilespmem:v53+s3+$0x0], $0xffff  }
0xec: {  	v59 =	vor.u32 s31, v16;
	v32 =	vadd.s32 v15, v32;
	v43 =	vld.idx.msk [tilespmem:v54+s3+$0x0], $0xffff  }
0xed: {  	v60 =	vor.u32 s31, v17;
	v44 =	vld.idx.msk [tilespmem:v55+s3+$0x0], $0xffff  }
0xee: {  	v61 =	vor.u32 s31, v18;
	v45 =	vld.idx.msk [tilespmem:v56+s3+$0x0], $0xffff  }
0xef: {  	v62 =	vor.u32 s31, v19;
	v46 =	vld.idx.msk [tilespmem:v57+s3+$0x0], $0xffff  }
0xf0: {  	v63 =	vor.u32 s31, v20;
	v47 =	vld.idx.msk [tilespmem:v58+s3+$0x0], $0xffff  }
0xf1: {  	v32 =	vld.idx.msk [tilespmem:v32+s3+$0x0], $0xffff;
	v53 =	vor.u32 s31, v21;
	[tilespmem:v59+s21+$0x0] =	vst.idx.msk $0xffff, v33  }
0xf2: {  	v54 =	vor.u32 s31, v22;
	[tilespmem:v60+s21+$0x0] =	vst.idx.msk $0xffff, v34  }
0xf3: {  	v55 =	vor.u32 s31, v23;
	[tilespmem:v61+s21+$0x0] =	vst.idx.msk $0xffff, v35  }
0xf4: {  	v56 =	vor.u32 s31, v24;
	[tilespmem:v62+s21+$0x0] =	vst.idx.msk $0xffff, v36  }
0xf5: {  	v57 =	vor.u32 s31, v25;
	[tilespmem:v63+s21+$0x0] =	vst.idx.msk $0xffff, v37  }
0xf6: {  	v58 =	vor.u32 s31, v26;
	[tilespmem:v53+s21+$0x0] =	vst.idx.msk $0xffff, v38  }
0xf7: {  	v59 =	vor.u32 s31, v27;
	[tilespmem:v54+s21+$0x0] =	vst.idx.msk $0xffff, v39  }
0xf8: {  	v60 =	vor.u32 s31, v28;
	[tilespmem:v55+s21+$0x0] =	vst.idx.msk $0xffff, v40  }
0xf9: {  	v61 =	vor.u32 s31, v29;
	[tilespmem:v56+s21+$0x0] =	vst.idx.msk $0xffff, v41  }
0xfa: {  	v62 =	vor.u32 s31, v30;
	[tilespmem:v57+s21+$0x0] =	vst.idx.msk $0xffff, v42  }
0xfb: {  	p0 =	sne.s32 s28, $0x3E00;
	v63 =	vor.u32 s31, v31;
	[tilespmem:v58+s21+$0x0] =	vst.idx.msk $0xffff, v43  }
.Ltmp2:
0xfc: {  	[tilespmem:v59+s21+$0x0] =	vst.idx.msk $0xffff, v44;
	(pc) =	sbr.rel @p0 .LBB2_6-.Ltmp2, $4  }
0xfd: {  	[tilespmem:v60+s21+$0x0] =	vst.idx.msk $0xffff, v45  }
0xfe: {  	[tilespmem:v61+s21+$0x0] =	vst.idx.msk $0xffff, v46  }
0xff: {  	[tilespmem:v62+s21+$0x0] =	vst.idx.msk $0xffff, v47  }
0x100: {  	s26 =	sadd.s32 $0x20, s26;
	s28 =	sadd.s32 $0x200, s28;
	s25 =	sadd.s32 $0x20, s25;
	[tilespmem:v63+s21+$0x0] =	vst.idx.msk $0xffff, v32  }
0x101: {  	[hbm4b:s10+s15] =	stream.strided.scatter [tilespmem:s21], [sflag:$0x4], $0x4000, s16, s15, $0x38;
	[tilespmem:$0x19000] =	vst v63  }
0x102: {  	s25 =	simm.s32 $0x0  }
0x103: {  	[tilespmem:s25], [sflag:$0x2] =	stream.strided.gather [hbm4b:s11+s15], $0x10000, s16, s15, $0x38;
	[tilespmem:$0x19000] =	vst v63  }
.LBB2_8:
0x104: {  	_ =	swait.ge [sflag:s19], $0x10000  }
0x105: {  	[sflag:s19] =	ssyncset.done $0x0  }
0x106: {  	[sflag:s19] =	ssyncadd.s32 $0xFFFF0000  }
0x107: {  	_ =	swait.ge [sflag:s22], $0x4000  }
0x108: {  	[sflag:s22] =	ssyncset.done $0x0  }
0x109: {  	s26 =	simm.s32 $0x10810;
	s28 =	simm.s32 $0x0;
	[sflag:s22] =	ssyncadd.s32 $0xFFFFC000  }
.LBB2_9:
0x10a: {  	v32 =	vld [tilespmem:s26+$0xFFFFFFF0];
	_ =	sdelay $0x4  }
0x10b: {  	v33 =	vadd.s32 v0, v32  }
0x10c: {  	v34 =	vadd.s32 v1, v32  }
0x10d: {  	v35 =	vadd.s32 v3, v32  }
0x10e: {  	v36 =	vadd.s32 v4, v32  }
0x10f: {  	v37 =	vadd.s32 v5, v32  }
0x110: {  	v38 =	vadd.s32 v6, v32;
	v33 =	vld.idx.msk [tilespmem:v33+s3+$0x0], $0xffff  }
0x111: {  	v39 =	vadd.s32 v7, v32;
	v34 =	vld.idx.msk [tilespmem:v34+s3+$0x0], $0xffff  }
0x112: {  	v40 =	vadd.s32 v8, v32;
	v35 =	vld.idx.msk [tilespmem:v35+s3+$0x0], $0xffff  }
0x113: {  	v41 =	vadd.s32 v2, v32;
	v36 =	vld.idx.msk [tilespmem:v36+s3+$0x0], $0xffff  }
0x114: {  	v42 =	vadd.s32 v9, v32;
	v37 =	vld.idx.msk [tilespmem:v37+s3+$0x0], $0xffff  }
0x115: {  	v43 =	vadd.s32 v10, v32;
	v38 =	vld.idx.msk [tilespmem:v38+s3+$0x0], $0xffff  }
0x116: {  	v44 =	vadd.s32 v11, v32;
	v39 =	vld.idx.msk [tilespmem:v39+s3+$0x0], $0xffff  }
0x117: {  	v45 =	vadd.s32 v12, v32;
	v40 =	vld.idx.msk [tilespmem:v40+s3+$0x0], $0xffff  }
0x118: {  	v46 =	vadd.s32 v13, v32;
	v41 =	vld.idx.msk [tilespmem:v41+s3+$0x0], $0xffff  }
0x119: {  	v47 =	vadd.s32 v14, v32;
	v42 =	vld.idx.msk [tilespmem:v42+s3+$0x0], $0xffff  }
0x11a: {  	v48 =	vor.u32 s28, v16;
	v32 =	vadd.s32 v15, v32;
	v43 =	vld.idx.msk [tilespmem:v43+s3+$0x0], $0xffff  }
0x11b: {  	v49 =	vor.u32 s28, v17;
	v44 =	vld.idx.msk [tilespmem:v44+s3+$0x0], $0xffff  }
0x11c: {  	v50 =	vor.u32 s28, v18;
	v45 =	vld.idx.msk [tilespmem:v45+s3+$0x0], $0xffff  }
0x11d: {  	v51 =	vor.u32 s28, v19;
	v46 =	vld.idx.msk [tilespmem:v46+s3+$0x0], $0xffff  }
0x11e: {  	v52 =	vor.u32 s28, v20;
	v47 =	vld.idx.msk [tilespmem:v47+s3+$0x0], $0xffff  }
0x11f: {  	v57 =	vor.u32 s28, v21;
	v32 =	vld.idx.msk [tilespmem:v32+s3+$0x0], $0xffff;
	[tilespmem:v48+s20+$0x0] =	vst.idx.msk $0xffff, v33  }
0x120: {  	v58 =	vor.u32 s28, v22;
	[tilespmem:v49+s20+$0x0] =	vst.idx.msk $0xffff, v34  }
0x121: {  	v59 =	vor.u32 s28, v23;
	[tilespmem:v50+s20+$0x0] =	vst.idx.msk $0xffff, v35  }
0x122: {  	v60 =	vor.u32 s28, v24;
	[tilespmem:v51+s20+$0x0] =	vst.idx.msk $0xffff, v36  }
0x123: {  	v61 =	vor.u32 s28, v25;
	[tilespmem:v52+s20+$0x0] =	vst.idx.msk $0xffff, v37  }
0x124: {  	v62 =	vor.u32 s28, v26;
	[tilespmem:v57+s20+$0x0] =	vst.idx.msk $0xffff, v38  }
0x125: {  	v63 =	vor.u32 s28, v27;
	[tilespmem:v58+s20+$0x0] =	vst.idx.msk $0xffff, v39  }
0x126: {  	[tilespmem:v59+s20+$0x0] =	vst.idx.msk $0xffff, v40;
	v40 =	vor.u32 s28, v28  }
0x127: {  	[tilespmem:v60+s20+$0x0] =	vst.idx.msk $0xffff, v41;
	v41 =	vor.u32 s28, v29  }
0x128: {  	[tilespmem:v61+s20+$0x0] =	vst.idx.msk $0xffff, v42;
	v42 =	vor.u32 s28, v30  }
0x129: {  	[tilespmem:v62+s20+$0x0] =	vst.idx.msk $0xffff, v43;
	v43 =	vor.u32 s28, v31  }
0x12a: {  	[tilespmem:v63+s20+$0x0] =	vst.idx.msk $0xffff, v44  }
0x12b: {  	[tilespmem:v40+s20+$0x0] =	vst.idx.msk $0xffff, v45  }
0x12c: {  	[tilespmem:v41+s20+$0x0] =	vst.idx.msk $0xffff, v46  }
0x12d: {  	[tilespmem:v42+s20+$0x0] =	vst.idx.msk $0xffff, v47  }
0x12e: {  	[tilespmem:v43+s20+$0x0] =	vst.idx.msk $0xffff, v32  }
0x12f: {  	v32 =	vld [tilespmem:s26+$0x0];
	_ =	sdelay $0x4  }
0x130: {  	v44 =	vadd.s32 v0, v32  }
0x131: {  	v45 =	vadd.s32 v1, v32  }
0x132: {  	v46 =	vadd.s32 v3, v32  }
0x133: {  	v47 =	vadd.s32 v4, v32  }
0x134: {  	v48 =	vadd.s32 v5, v32  }
0x135: {  	v49 =	vadd.s32 v6, v32;
	v33 =	vld.idx.msk [tilespmem:v44+s3+$0x0], $0xffff  }
0x136: {  	v50 =	vadd.s32 v7, v32;
	v34 =	vld.idx.msk [tilespmem:v45+s3+$0x0], $0xffff  }
0x137: {  	v51 =	vadd.s32 v8, v32;
	v35 =	vld.idx.msk [tilespmem:v46+s3+$0x0], $0xffff  }
0x138: {  	v52 =	vadd.s32 v2, v32;
	v36 =	vld.idx.msk [tilespmem:v47+s3+$0x0], $0xffff  }
0x139: {  	v53 =	vadd.s32 v9, v32;
	v37 =	vld.idx.msk [tilespmem:v48+s3+$0x0], $0xffff  }
0x13a: {  	v54 =	vadd.s32 v10, v32;
	v38 =	vld.idx.msk [tilespmem:v49+s3+$0x0], $0xffff  }
0x13b: {  	v55 =	vadd.s32 v11, v32;
	v39 =	vld.idx.msk [tilespmem:v50+s3+$0x0], $0xffff  }
0x13c: {  	v56 =	vadd.s32 v12, v32;
	v40 =	vld.idx.msk [tilespmem:v51+s3+$0x0], $0xffff  }
0x13d: {  	v57 =	vadd.s32 v13, v32;
	v41 =	vld.idx.msk [tilespmem:v52+s3+$0x0], $0xffff  }
0x13e: {  	s29 =	sadd.s32 $0x100, s28;
	v58 =	vadd.s32 v14, v32;
	v42 =	vld.idx.msk [tilespmem:v53+s3+$0x0], $0xffff  }
0x13f: {  	v59 =	vor.u32 s29, v16;
	v32 =	vadd.s32 v15, v32;
	v43 =	vld.idx.msk [tilespmem:v54+s3+$0x0], $0xffff  }
0x140: {  	v60 =	vor.u32 s29, v17;
	v44 =	vld.idx.msk [tilespmem:v55+s3+$0x0], $0xffff  }
0x141: {  	v61 =	vor.u32 s29, v18;
	v45 =	vld.idx.msk [tilespmem:v56+s3+$0x0], $0xffff  }
0x142: {  	v62 =	vor.u32 s29, v19;
	v46 =	vld.idx.msk [tilespmem:v57+s3+$0x0], $0xffff  }
0x143: {  	v63 =	vor.u32 s29, v20;
	v47 =	vld.idx.msk [tilespmem:v58+s3+$0x0], $0xffff  }
0x144: {  	v32 =	vld.idx.msk [tilespmem:v32+s3+$0x0], $0xffff;
	v53 =	vor.u32 s29, v21;
	[tilespmem:v59+s20+$0x0] =	vst.idx.msk $0xffff, v33  }
0x145: {  	v54 =	vor.u32 s29, v22;
	[tilespmem:v60+s20+$0x0] =	vst.idx.msk $0xffff, v34  }
0x146: {  	v55 =	vor.u32 s29, v23;
	[tilespmem:v61+s20+$0x0] =	vst.idx.msk $0xffff, v35  }
0x147: {  	v56 =	vor.u32 s29, v24;
	[tilespmem:v62+s20+$0x0] =	vst.idx.msk $0xffff, v36  }
0x148: {  	v57 =	vor.u32 s29, v25;
	[tilespmem:v63+s20+$0x0] =	vst.idx.msk $0xffff, v37  }
0x149: {  	v58 =	vor.u32 s29, v26;
	[tilespmem:v53+s20+$0x0] =	vst.idx.msk $0xffff, v38  }
0x14a: {  	v59 =	vor.u32 s29, v27;
	[tilespmem:v54+s20+$0x0] =	vst.idx.msk $0xffff, v39  }
0x14b: {  	v60 =	vor.u32 s29, v28;
	[tilespmem:v55+s20+$0x0] =	vst.idx.msk $0xffff, v40  }
0x14c: {  	v61 =	vor.u32 s29, v29;
	[tilespmem:v56+s20+$0x0] =	vst.idx.msk $0xffff, v41  }
0x14d: {  	v62 =	vor.u32 s29, v30;
	[tilespmem:v57+s20+$0x0] =	vst.idx.msk $0xffff, v42  }
0x14e: {  	p0 =	sne.s32 s28, $0x3E00;
	v63 =	vor.u32 s29, v31;
	[tilespmem:v58+s20+$0x0] =	vst.idx.msk $0xffff, v43  }
.Ltmp3:
0x14f: {  	[tilespmem:v59+s20+$0x0] =	vst.idx.msk $0xffff, v44;
	(pc) =	sbr.rel @p0 .LBB2_9-.Ltmp3, $4  }
0x150: {  	[tilespmem:v60+s20+$0x0] =	vst.idx.msk $0xffff, v45  }
0x151: {  	[tilespmem:v61+s20+$0x0] =	vst.idx.msk $0xffff, v46  }
0x152: {  	[tilespmem:v62+s20+$0x0] =	vst.idx.msk $0xffff, v47  }
0x153: {  	s28 =	sadd.s32 $0x200, s28;
	s26 =	sadd.s32 $0x20, s26;
	[tilespmem:v63+s20+$0x0] =	vst.idx.msk $0xffff, v32  }
0x154: {  	s26 =	sadd.s32 $0x1, s25  }
0x155: {  	s28 =	sadd.s32 s6, s26  }
0x156: {  	s29 =	sshll.u32 s26, $0x4;
	s28 =	sshll.u32 s28, $0xC  }
0x157: {  	s29 =	sand.u32 $0x70, s29;
	s28 =	sand.u32 $0x7F8000, s28  }
0x158: {  	s28 =	sor.u32 s29, s28  }
0x159: {  	s29 =	sadd.s32 s2, s28  }
0x15a: {  	[hbm4b:s29+s15] =	stream.strided.scatter [tilespmem:s20], [sflag:$0x3], $0x4000, s16, s15, $0x38;
	[tilespmem:$0x19000] =	vst v63  }
0x15b: {  	_ =	swait.ge [sflag:s23], $0x4000  }
0x15c: {  	s30 =	simm.s32 $0x0;
	[sflag:s23] =	ssyncset.done $0x0  }
0x15d: {  	s31 =	simm.s32 $0x0;
	s29 =	simm.s32 $0x10C10;
	[sflag:s23] =	ssyncadd.s32 $0xFFFFC000  }
.LBB2_11:
0x15e: {  	s1 =	sand.u32 $0x3E0, s30  }
0x15f: {  	v32 =	vld [tilespmem:s1+$0x10C00];
	_ =	sdelay $0x4  }
0x160: {  	v33 =	vadd.s32 v0, v32  }
0x161: {  	v34 =	vadd.s32 v1, v32  }
0x162: {  	v35 =	vadd.s32 v3, v32  }
0x163: {  	v36 =	vadd.s32 v4, v32  }
0x164: {  	v37 =	vadd.s32 v5, v32  }
0x165: {  	v38 =	vadd.s32 v6, v32;
	v33 =	vld.idx.msk [tilespmem:v33+s3+$0x0], $0xffff  }
0x166: {  	v39 =	vadd.s32 v7, v32;
	v34 =	vld.idx.msk [tilespmem:v34+s3+$0x0], $0xffff  }
0x167: {  	v40 =	vadd.s32 v8, v32;
	v35 =	vld.idx.msk [tilespmem:v35+s3+$0x0], $0xffff  }
0x168: {  	v41 =	vadd.s32 v2, v32;
	v36 =	vld.idx.msk [tilespmem:v36+s3+$0x0], $0xffff  }
0x169: {  	v42 =	vadd.s32 v9, v32;
	v37 =	vld.idx.msk [tilespmem:v37+s3+$0x0], $0xffff  }
0x16a: {  	v43 =	vadd.s32 v10, v32;
	v38 =	vld.idx.msk [tilespmem:v38+s3+$0x0], $0xffff  }
0x16b: {  	v44 =	vadd.s32 v11, v32;
	v39 =	vld.idx.msk [tilespmem:v39+s3+$0x0], $0xffff  }
0x16c: {  	v45 =	vadd.s32 v12, v32;
	v40 =	vld.idx.msk [tilespmem:v40+s3+$0x0], $0xffff  }
0x16d: {  	v46 =	vadd.s32 v13, v32;
	v41 =	vld.idx.msk [tilespmem:v41+s3+$0x0], $0xffff  }
0x16e: {  	v47 =	vadd.s32 v14, v32;
	v42 =	vld.idx.msk [tilespmem:v42+s3+$0x0], $0xffff  }
0x16f: {  	v48 =	vor.u32 s31, v16;
	v32 =	vadd.s32 v15, v32;
	v43 =	vld.idx.msk [tilespmem:v43+s3+$0x0], $0xffff  }
0x170: {  	v49 =	vor.u32 s31, v17;
	v44 =	vld.idx.msk [tilespmem:v44+s3+$0x0], $0xffff  }
0x171: {  	v50 =	vor.u32 s31, v18;
	v45 =	vld.idx.msk [tilespmem:v45+s3+$0x0], $0xffff  }
0x172: {  	v51 =	vor.u32 s31, v19;
	v46 =	vld.idx.msk [tilespmem:v46+s3+$0x0], $0xffff  }
0x173: {  	v52 =	vor.u32 s31, v20;
	v47 =	vld.idx.msk [tilespmem:v47+s3+$0x0], $0xffff  }
0x174: {  	v57 =	vor.u32 s31, v21;
	v32 =	vld.idx.msk [tilespmem:v32+s3+$0x0], $0xffff;
	[tilespmem:v48+s21+$0x0] =	vst.idx.msk $0xffff, v33  }
0x175: {  	v58 =	vor.u32 s31, v22;
	[tilespmem:v49+s21+$0x0] =	vst.idx.msk $0xffff, v34  }
0x176: {  	v59 =	vor.u32 s31, v23;
	[tilespmem:v50+s21+$0x0] =	vst.idx.msk $0xffff, v35  }
0x177: {  	v60 =	vor.u32 s31, v24;
	[tilespmem:v51+s21+$0x0] =	vst.idx.msk $0xffff, v36  }
0x178: {  	v61 =	vor.u32 s31, v25;
	[tilespmem:v52+s21+$0x0] =	vst.idx.msk $0xffff, v37  }
0x179: {  	v62 =	vor.u32 s31, v26;
	[tilespmem:v57+s21+$0x0] =	vst.idx.msk $0xffff, v38  }
0x17a: {  	v63 =	vor.u32 s31, v27;
	[tilespmem:v58+s21+$0x0] =	vst.idx.msk $0xffff, v39  }
0x17b: {  	[tilespmem:v59+s21+$0x0] =	vst.idx.msk $0xffff, v40;
	v40 =	vor.u32 s31, v28  }
0x17c: {  	[tilespmem:v60+s21+$0x0] =	vst.idx.msk $0xffff, v41;
	v41 =	vor.u32 s31, v29  }
0x17d: {  	[tilespmem:v61+s21+$0x0] =	vst.idx.msk $0xffff, v42;
	v42 =	vor.u32 s31, v30  }
0x17e: {  	[tilespmem:v62+s21+$0x0] =	vst.idx.msk $0xffff, v43;
	v43 =	vor.u32 s31, v31  }
0x17f: {  	[tilespmem:v63+s21+$0x0] =	vst.idx.msk $0xffff, v44  }
0x180: {  	[tilespmem:v40+s21+$0x0] =	vst.idx.msk $0xffff, v45  }
0x181: {  	[tilespmem:v41+s21+$0x0] =	vst.idx.msk $0xffff, v46  }
0x182: {  	[tilespmem:v42+s21+$0x0] =	vst.idx.msk $0xffff, v47  }
0x183: {  	[tilespmem:v43+s21+$0x0] =	vst.idx.msk $0xffff, v32  }
0x184: {  	v32 =	vld [tilespmem:s29+$0x0];
	_ =	sdelay $0x4  }
0x185: {  	v44 =	vadd.s32 v0, v32  }
0x186: {  	v45 =	vadd.s32 v1, v32  }
0x187: {  	v46 =	vadd.s32 v3, v32  }
0x188: {  	v47 =	vadd.s32 v4, v32  }
0x189: {  	v48 =	vadd.s32 v5, v32  }
0x18a: {  	v49 =	vadd.s32 v6, v32;
	v33 =	vld.idx.msk [tilespmem:v44+s3+$0x0], $0xffff  }
0x18b: {  	v50 =	vadd.s32 v7, v32;
	v34 =	vld.idx.msk [tilespmem:v45+s3+$0x0], $0xffff  }
0x18c: {  	v51 =	vadd.s32 v8, v32;
	v35 =	vld.idx.msk [tilespmem:v46+s3+$0x0], $0xffff  }
0x18d: {  	v52 =	vadd.s32 v2, v32;
	v36 =	vld.idx.msk [tilespmem:v47+s3+$0x0], $0xffff  }
0x18e: {  	v53 =	vadd.s32 v9, v32;
	v37 =	vld.idx.msk [tilespmem:v48+s3+$0x0], $0xffff  }
0x18f: {  	v54 =	vadd.s32 v10, v32;
	v38 =	vld.idx.msk [tilespmem:v49+s3+$0x0], $0xffff  }
0x190: {  	v55 =	vadd.s32 v11, v32;
	v39 =	vld.idx.msk [tilespmem:v50+s3+$0x0], $0xffff  }
0x191: {  	v56 =	vadd.s32 v12, v32;
	v40 =	vld.idx.msk [tilespmem:v51+s3+$0x0], $0xffff  }
0x192: {  	v57 =	vadd.s32 v13, v32;
	v41 =	vld.idx.msk [tilespmem:v52+s3+$0x0], $0xffff  }
0x193: {  	s1 =	sadd.s32 $0x100, s31;
	v58 =	vadd.s32 v14, v32;
	v42 =	vld.idx.msk [tilespmem:v53+s3+$0x0], $0xffff  }
0x194: {  	v59 =	vor.u32 s1, v16;
	v32 =	vadd.s32 v15, v32;
	v43 =	vld.idx.msk [tilespmem:v54+s3+$0x0], $0xffff  }
0x195: {  	v60 =	vor.u32 s1, v17;
	v44 =	vld.idx.msk [tilespmem:v55+s3+$0x0], $0xffff  }
0x196: {  	v61 =	vor.u32 s1, v18;
	v45 =	vld.idx.msk [tilespmem:v56+s3+$0x0], $0xffff  }
0x197: {  	v62 =	vor.u32 s1, v19;
	v46 =	vld.idx.msk [tilespmem:v57+s3+$0x0], $0xffff  }
0x198: {  	v63 =	vor.u32 s1, v20;
	v47 =	vld.idx.msk [tilespmem:v58+s3+$0x0], $0xffff  }
0x199: {  	v32 =	vld.idx.msk [tilespmem:v32+s3+$0x0], $0xffff;
	v53 =	vor.u32 s1, v21;
	[tilespmem:v59+s21+$0x0] =	vst.idx.msk $0xffff, v33  }
0x19a: {  	v54 =	vor.u32 s1, v22;
	[tilespmem:v60+s21+$0x0] =	vst.idx.msk $0xffff, v34  }
0x19b: {  	v55 =	vor.u32 s1, v23;
	[tilespmem:v61+s21+$0x0] =	vst.idx.msk $0xffff, v35  }
0x19c: {  	v56 =	vor.u32 s1, v24;
	[tilespmem:v62+s21+$0x0] =	vst.idx.msk $0xffff, v36  }
0x19d: {  	v57 =	vor.u32 s1, v25;
	[tilespmem:v63+s21+$0x0] =	vst.idx.msk $0xffff, v37  }
0x19e: {  	v58 =	vor.u32 s1, v26;
	[tilespmem:v53+s21+$0x0] =	vst.idx.msk $0xffff, v38  }
0x19f: {  	v59 =	vor.u32 s1, v27;
	[tilespmem:v54+s21+$0x0] =	vst.idx.msk $0xffff, v39  }
0x1a0: {  	v60 =	vor.u32 s1, v28;
	[tilespmem:v55+s21+$0x0] =	vst.idx.msk $0xffff, v40  }
0x1a1: {  	v61 =	vor.u32 s1, v29;
	[tilespmem:v56+s21+$0x0] =	vst.idx.msk $0xffff, v41  }
0x1a2: {  	v62 =	vor.u32 s1, v30;
	[tilespmem:v57+s21+$0x0] =	vst.idx.msk $0xffff, v42  }
0x1a3: {  	p0 =	sne.s32 s31, $0x3E00;
	v63 =	vor.u32 s1, v31;
	[tilespmem:v58+s21+$0x0] =	vst.idx.msk $0xffff, v43  }
.Ltmp4:
0x1a4: {  	[tilespmem:v59+s21+$0x0] =	vst.idx.msk $0xffff, v44;
	(pc) =	sbr.rel @p0 .LBB2_11-.Ltmp4, $4  }
0x1a5: {  	[tilespmem:v60+s21+$0x0] =	vst.idx.msk $0xffff, v45  }
0x1a6: {  	[tilespmem:v61+s21+$0x0] =	vst.idx.msk $0xffff, v46  }
0x1a7: {  	[tilespmem:v62+s21+$0x0] =	vst.idx.msk $0xffff, v47  }
0x1a8: {  	s30 =	sadd.s32 $0x20, s30;
	s31 =	sadd.s32 $0x200, s31;
	s29 =	sadd.s32 $0x20, s29;
	[tilespmem:v63+s21+$0x0] =	vst.idx.msk $0xffff, v32  }
0x1a9: {  	s1 =	sadd.s32 s28, s9;
	s31 =	sadd.s32 $0x2, s25;
	p0 =	sne.s32 s26, $0x1E  }
0x1aa: {  	[hbm4b:s1+s15] =	stream.strided.scatter [tilespmem:s21], [sflag:$0x4], $0x4000, s16, s15, $0x38;
	[tilespmem:$0x19000] =	vst v63  }
.Ltmp5:
0x1ab: {  	s25 =	sadd.s32 s6, s31;
	s1 =	sshll.u32 s31, $0x4;
	(pc) =	sbr.rel @p0 .LBB2_8-.Ltmp5, $4  }
0x1ac: {  	s25 =	sshll.u32 s25, $0xD;
	s1 =	sand.u32 $0x70, s1  }
0x1ad: {  	s25 =	sand.u32 $0xFF0000, s25;
	s1 =	sadd.s32 s5, s1  }
0x1ae: {  	s1 =	sadd.s32 s25, s1;
	s25 =	smov.u32 s26  }
0x1af: {  	[tilespmem:s3], [sflag:$0x2] =	stream.strided.gather [hbm4b:s1+s15], $0x10000, s16, s15, $0x38;
	[tilespmem:$0x19000] =	vst v63  }
0x1b0: {  	_ =	swait.ge [sflag:s19], $0x10000  }
0x1b1: {  	[sflag:s19] =	ssyncset.done $0x0  }
0x1b2: {  	[sflag:s19] =	ssyncadd.s32 $0xFFFF0000  }
0x1b3: {  	_ =	swait.ge [sflag:s22], $0x4000  }
0x1b4: {  	[sflag:s22] =	ssyncset.done $0x0  }
0x1b5: {  	s25 =	simm.s32 $0x0;
	s26 =	simm.s32 $0x10810;
	[sflag:s22] =	ssyncadd.s32 $0xFFFFC000  }
.LBB2_14:
0x1b6: {  	v32 =	vld [tilespmem:s26+$0xFFFFFFF0];
	_ =	sdelay $0x4  }
0x1b7: {  	v33 =	vadd.s32 v0, v32  }
0x1b8: {  	v34 =	vadd.s32 v1, v32  }
0x1b9: {  	v35 =	vadd.s32 v3, v32  }
0x1ba: {  	v36 =	vadd.s32 v4, v32  }
0x1bb: {  	v37 =	vadd.s32 v5, v32  }
0x1bc: {  	v38 =	vadd.s32 v6, v32;
	v33 =	vld.idx.msk [tilespmem:v33+s3+$0x0], $0xffff  }
0x1bd: {  	v39 =	vadd.s32 v7, v32;
	v34 =	vld.idx.msk [tilespmem:v34+s3+$0x0], $0xffff  }
0x1be: {  	v40 =	vadd.s32 v8, v32;
	v35 =	vld.idx.msk [tilespmem:v35+s3+$0x0], $0xffff  }
0x1bf: {  	v41 =	vadd.s32 v2, v32;
	v36 =	vld.idx.msk [tilespmem:v36+s3+$0x0], $0xffff  }
0x1c0: {  	v42 =	vadd.s32 v9, v32;
	v37 =	vld.idx.msk [tilespmem:v37+s3+$0x0], $0xffff  }
0x1c1: {  	v43 =	vadd.s32 v10, v32;
	v38 =	vld.idx.msk [tilespmem:v38+s3+$0x0], $0xffff  }
0x1c2: {  	v44 =	vadd.s32 v11, v32;
	v39 =	vld.idx.msk [tilespmem:v39+s3+$0x0], $0xffff  }
0x1c3: {  	v45 =	vadd.s32 v12, v32;
	v40 =	vld.idx.msk [tilespmem:v40+s3+$0x0], $0xffff  }
0x1c4: {  	v46 =	vadd.s32 v13, v32;
	v41 =	vld.idx.msk [tilespmem:v41+s3+$0x0], $0xffff  }
0x1c5: {  	v47 =	vadd.s32 v14, v32;
	v42 =	vld.idx.msk [tilespmem:v42+s3+$0x0], $0xffff  }
0x1c6: {  	v48 =	vor.u32 s25, v16;
	v32 =	vadd.s32 v15, v32;
	v43 =	vld.idx.msk [tilespmem:v43+s3+$0x0], $0xffff  }
0x1c7: {  	v49 =	vor.u32 s25, v17;
	v44 =	vld.idx.msk [tilespmem:v44+s3+$0x0], $0xffff  }
0x1c8: {  	v50 =	vor.u32 s25, v18;
	v45 =	vld.idx.msk [tilespmem:v45+s3+$0x0], $0xffff  }
0x1c9: {  	v51 =	vor.u32 s25, v19;
	v46 =	vld.idx.msk [tilespmem:v46+s3+$0x0], $0xffff  }
0x1ca: {  	v52 =	vor.u32 s25, v20;
	v47 =	vld.idx.msk [tilespmem:v47+s3+$0x0], $0xffff  }
0x1cb: {  	v57 =	vor.u32 s25, v21;
	v32 =	vld.idx.msk [tilespmem:v32+s3+$0x0], $0xffff;
	[tilespmem:v48+s20+$0x0] =	vst.idx.msk $0xffff, v33  }
0x1cc: {  	v58 =	vor.u32 s25, v22;
	[tilespmem:v49+s20+$0x0] =	vst.idx.msk $0xffff, v34  }
0x1cd: {  	v59 =	vor.u32 s25, v23;
	[tilespmem:v50+s20+$0x0] =	vst.idx.msk $0xffff, v35  }
0x1ce: {  	v60 =	vor.u32 s25, v24;
	[tilespmem:v51+s20+$0x0] =	vst.idx.msk $0xffff, v36  }
0x1cf: {  	v61 =	vor.u32 s25, v25;
	[tilespmem:v52+s20+$0x0] =	vst.idx.msk $0xffff, v37  }
0x1d0: {  	v62 =	vor.u32 s25, v26;
	[tilespmem:v57+s20+$0x0] =	vst.idx.msk $0xffff, v38  }
0x1d1: {  	v63 =	vor.u32 s25, v27;
	[tilespmem:v58+s20+$0x0] =	vst.idx.msk $0xffff, v39  }
0x1d2: {  	[tilespmem:v59+s20+$0x0] =	vst.idx.msk $0xffff, v40;
	v40 =	vor.u32 s25, v28  }
0x1d3: {  	[tilespmem:v60+s20+$0x0] =	vst.idx.msk $0xffff, v41;
	v41 =	vor.u32 s25, v29  }
0x1d4: {  	[tilespmem:v61+s20+$0x0] =	vst.idx.msk $0xffff, v42;
	v42 =	vor.u32 s25, v30  }
0x1d5: {  	[tilespmem:v62+s20+$0x0] =	vst.idx.msk $0xffff, v43;
	v43 =	vor.u32 s25, v31  }
0x1d6: {  	[tilespmem:v63+s20+$0x0] =	vst.idx.msk $0xffff, v44  }
0x1d7: {  	[tilespmem:v40+s20+$0x0] =	vst.idx.msk $0xffff, v45  }
0x1d8: {  	[tilespmem:v41+s20+$0x0] =	vst.idx.msk $0xffff, v46  }
0x1d9: {  	[tilespmem:v42+s20+$0x0] =	vst.idx.msk $0xffff, v47  }
0x1da: {  	[tilespmem:v43+s20+$0x0] =	vst.idx.msk $0xffff, v32  }
0x1db: {  	v32 =	vld [tilespmem:s26+$0x0];
	_ =	sdelay $0x4  }
0x1dc: {  	v44 =	vadd.s32 v0, v32  }
0x1dd: {  	v45 =	vadd.s32 v1, v32  }
0x1de: {  	v46 =	vadd.s32 v3, v32  }
0x1df: {  	v47 =	vadd.s32 v4, v32  }
0x1e0: {  	v48 =	vadd.s32 v5, v32  }
0x1e1: {  	v49 =	vadd.s32 v6, v32;
	v33 =	vld.idx.msk [tilespmem:v44+s3+$0x0], $0xffff  }
0x1e2: {  	v50 =	vadd.s32 v7, v32;
	v34 =	vld.idx.msk [tilespmem:v45+s3+$0x0], $0xffff  }
0x1e3: {  	v51 =	vadd.s32 v8, v32;
	v35 =	vld.idx.msk [tilespmem:v46+s3+$0x0], $0xffff  }
0x1e4: {  	v52 =	vadd.s32 v2, v32;
	v36 =	vld.idx.msk [tilespmem:v47+s3+$0x0], $0xffff  }
0x1e5: {  	v53 =	vadd.s32 v9, v32;
	v37 =	vld.idx.msk [tilespmem:v48+s3+$0x0], $0xffff  }
0x1e6: {  	v54 =	vadd.s32 v10, v32;
	v38 =	vld.idx.msk [tilespmem:v49+s3+$0x0], $0xffff  }
0x1e7: {  	v55 =	vadd.s32 v11, v32;
	v39 =	vld.idx.msk [tilespmem:v50+s3+$0x0], $0xffff  }
0x1e8: {  	v56 =	vadd.s32 v12, v32;
	v40 =	vld.idx.msk [tilespmem:v51+s3+$0x0], $0xffff  }
0x1e9: {  	v57 =	vadd.s32 v13, v32;
	v41 =	vld.idx.msk [tilespmem:v52+s3+$0x0], $0xffff  }
0x1ea: {  	s1 =	sadd.s32 $0x100, s25;
	v58 =	vadd.s32 v14, v32;
	v42 =	vld.idx.msk [tilespmem:v53+s3+$0x0], $0xffff  }
0x1eb: {  	v59 =	vor.u32 s1, v16;
	v32 =	vadd.s32 v15, v32;
	v43 =	vld.idx.msk [tilespmem:v54+s3+$0x0], $0xffff  }
0x1ec: {  	v60 =	vor.u32 s1, v17;
	v44 =	vld.idx.msk [tilespmem:v55+s3+$0x0], $0xffff  }
0x1ed: {  	v61 =	vor.u32 s1, v18;
	v45 =	vld.idx.msk [tilespmem:v56+s3+$0x0], $0xffff  }
0x1ee: {  	v62 =	vor.u32 s1, v19;
	v46 =	vld.idx.msk [tilespmem:v57+s3+$0x0], $0xffff  }
0x1ef: {  	v63 =	vor.u32 s1, v20;
	v47 =	vld.idx.msk [tilespmem:v58+s3+$0x0], $0xffff  }
0x1f0: {  	v32 =	vld.idx.msk [tilespmem:v32+s3+$0x0], $0xffff;
	v53 =	vor.u32 s1, v21;
	[tilespmem:v59+s20+$0x0] =	vst.idx.msk $0xffff, v33  }
0x1f1: {  	v54 =	vor.u32 s1, v22;
	[tilespmem:v60+s20+$0x0] =	vst.idx.msk $0xffff, v34  }
0x1f2: {  	v55 =	vor.u32 s1, v23;
	[tilespmem:v61+s20+$0x0] =	vst.idx.msk $0xffff, v35  }
0x1f3: {  	v56 =	vor.u32 s1, v24;
	[tilespmem:v62+s20+$0x0] =	vst.idx.msk $0xffff, v36  }
0x1f4: {  	v57 =	vor.u32 s1, v25;
	[tilespmem:v63+s20+$0x0] =	vst.idx.msk $0xffff, v37  }
0x1f5: {  	v58 =	vor.u32 s1, v26;
	[tilespmem:v53+s20+$0x0] =	vst.idx.msk $0xffff, v38  }
0x1f6: {  	v59 =	vor.u32 s1, v27;
	[tilespmem:v54+s20+$0x0] =	vst.idx.msk $0xffff, v39  }
0x1f7: {  	v60 =	vor.u32 s1, v28;
	[tilespmem:v55+s20+$0x0] =	vst.idx.msk $0xffff, v40  }
0x1f8: {  	v61 =	vor.u32 s1, v29;
	[tilespmem:v56+s20+$0x0] =	vst.idx.msk $0xffff, v41  }
0x1f9: {  	v62 =	vor.u32 s1, v30;
	[tilespmem:v57+s20+$0x0] =	vst.idx.msk $0xffff, v42  }
0x1fa: {  	p0 =	sne.s32 s25, $0x3E00;
	v63 =	vor.u32 s1, v31;
	[tilespmem:v58+s20+$0x0] =	vst.idx.msk $0xffff, v43  }
.Ltmp6:
0x1fb: {  	[tilespmem:v59+s20+$0x0] =	vst.idx.msk $0xffff, v44;
	(pc) =	sbr.rel @p0 .LBB2_14-.Ltmp6, $4  }
0x1fc: {  	[tilespmem:v60+s20+$0x0] =	vst.idx.msk $0xffff, v45  }
0x1fd: {  	[tilespmem:v61+s20+$0x0] =	vst.idx.msk $0xffff, v46  }
0x1fe: {  	[tilespmem:v62+s20+$0x0] =	vst.idx.msk $0xffff, v47  }
0x1ff: {  	s25 =	sadd.s32 $0x200, s25;
	s26 =	sadd.s32 $0x20, s26;
	[tilespmem:v63+s20+$0x0] =	vst.idx.msk $0xffff, v32  }
0x200: {  	[hbm4b:s12+s15] =	stream.strided.scatter [tilespmem:s20], [sflag:$0x3], $0x4000, s16, s15, $0x38;
	[tilespmem:$0x19000] =	vst v63  }
0x201: {  	_ =	swait.ge [sflag:s23], $0x4000  }
0x202: {  	s25 =	simm.s32 $0x10C10;
	[sflag:s23] =	ssyncset.done $0x0  }
0x203: {  	s26 =	simm.s32 $0x0;
	s28 =	simm.s32 $0x0;
	[sflag:s23] =	ssyncadd.s32 $0xFFFFC000  }
.LBB2_16:
0x204: {  	s1 =	sand.u32 $0x3E0, s26  }
0x205: {  	v32 =	vld [tilespmem:s1+$0x10C00];
	_ =	sdelay $0x4  }
0x206: {  	v33 =	vadd.s32 v0, v32  }
0x207: {  	v34 =	vadd.s32 v1, v32  }
0x208: {  	v35 =	vadd.s32 v3, v32  }
0x209: {  	v36 =	vadd.s32 v4, v32  }
0x20a: {  	v37 =	vadd.s32 v5, v32  }
0x20b: {  	v38 =	vadd.s32 v6, v32;
	v33 =	vld.idx.msk [tilespmem:v33+s3+$0x0], $0xffff  }
0x20c: {  	v39 =	vadd.s32 v7, v32;
	v34 =	vld.idx.msk [tilespmem:v34+s3+$0x0], $0xffff  }
0x20d: {  	v40 =	vadd.s32 v8, v32;
	v35 =	vld.idx.msk [tilespmem:v35+s3+$0x0], $0xffff  }
0x20e: {  	v41 =	vadd.s32 v2, v32;
	v36 =	vld.idx.msk [tilespmem:v36+s3+$0x0], $0xffff  }
0x20f: {  	v42 =	vadd.s32 v9, v32;
	v37 =	vld.idx.msk [tilespmem:v37+s3+$0x0], $0xffff  }
0x210: {  	v43 =	vadd.s32 v10, v32;
	v38 =	vld.idx.msk [tilespmem:v38+s3+$0x0], $0xffff  }
0x211: {  	v44 =	vadd.s32 v11, v32;
	v39 =	vld.idx.msk [tilespmem:v39+s3+$0x0], $0xffff  }
0x212: {  	v45 =	vadd.s32 v12, v32;
	v40 =	vld.idx.msk [tilespmem:v40+s3+$0x0], $0xffff  }
0x213: {  	v46 =	vadd.s32 v13, v32;
	v41 =	vld.idx.msk [tilespmem:v41+s3+$0x0], $0xffff  }
0x214: {  	v47 =	vadd.s32 v14, v32;
	v42 =	vld.idx.msk [tilespmem:v42+s3+$0x0], $0xffff  }
0x215: {  	v48 =	vor.u32 s28, v16;
	v32 =	vadd.s32 v15, v32;
	v43 =	vld.idx.msk [tilespmem:v43+s3+$0x0], $0xffff  }
0x216: {  	v49 =	vor.u32 s28, v17;
	v44 =	vld.idx.msk [tilespmem:v44+s3+$0x0], $0xffff  }
0x217: {  	v50 =	vor.u32 s28, v18;
	v45 =	vld.idx.msk [tilespmem:v45+s3+$0x0], $0xffff  }
0x218: {  	v51 =	vor.u32 s28, v19;
	v46 =	vld.idx.msk [tilespmem:v46+s3+$0x0], $0xffff  }
0x219: {  	v52 =	vor.u32 s28, v20;
	v47 =	vld.idx.msk [tilespmem:v47+s3+$0x0], $0xffff  }
0x21a: {  	v57 =	vor.u32 s28, v21;
	v32 =	vld.idx.msk [tilespmem:v32+s3+$0x0], $0xffff;
	[tilespmem:v48+s21+$0x0] =	vst.idx.msk $0xffff, v33  }
0x21b: {  	v58 =	vor.u32 s28, v22;
	[tilespmem:v49+s21+$0x0] =	vst.idx.msk $0xffff, v34  }
0x21c: {  	v59 =	vor.u32 s28, v23;
	[tilespmem:v50+s21+$0x0] =	vst.idx.msk $0xffff, v35  }
0x21d: {  	v60 =	vor.u32 s28, v24;
	[tilespmem:v51+s21+$0x0] =	vst.idx.msk $0xffff, v36  }
0x21e: {  	v61 =	vor.u32 s28, v25;
	[tilespmem:v52+s21+$0x0] =	vst.idx.msk $0xffff, v37  }
0x21f: {  	v62 =	vor.u32 s28, v26;
	[tilespmem:v57+s21+$0x0] =	vst.idx.msk $0xffff, v38  }
0x220: {  	v63 =	vor.u32 s28, v27;
	[tilespmem:v58+s21+$0x0] =	vst.idx.msk $0xffff, v39  }
0x221: {  	[tilespmem:v59+s21+$0x0] =	vst.idx.msk $0xffff, v40;
	v40 =	vor.u32 s28, v28  }
0x222: {  	[tilespmem:v60+s21+$0x0] =	vst.idx.msk $0xffff, v41;
	v41 =	vor.u32 s28, v29  }
0x223: {  	[tilespmem:v61+s21+$0x0] =	vst.idx.msk $0xffff, v42;
	v42 =	vor.u32 s28, v30  }
0x224: {  	[tilespmem:v62+s21+$0x0] =	vst.idx.msk $0xffff, v43;
	v43 =	vor.u32 s28, v31  }
0x225: {  	[tilespmem:v63+s21+$0x0] =	vst.idx.msk $0xffff, v44  }
0x226: {  	[tilespmem:v40+s21+$0x0] =	vst.idx.msk $0xffff, v45  }
0x227: {  	[tilespmem:v41+s21+$0x0] =	vst.idx.msk $0xffff, v46  }
0x228: {  	[tilespmem:v42+s21+$0x0] =	vst.idx.msk $0xffff, v47  }
0x229: {  	[tilespmem:v43+s21+$0x0] =	vst.idx.msk $0xffff, v32  }
0x22a: {  	v32 =	vld [tilespmem:s25+$0x0];
	_ =	sdelay $0x4  }
0x22b: {  	v44 =	vadd.s32 v0, v32  }
0x22c: {  	v45 =	vadd.s32 v1, v32  }
0x22d: {  	v46 =	vadd.s32 v3, v32  }
0x22e: {  	v47 =	vadd.s32 v4, v32  }
0x22f: {  	v48 =	vadd.s32 v5, v32  }
0x230: {  	v49 =	vadd.s32 v6, v32;
	v33 =	vld.idx.msk [tilespmem:v44+s3+$0x0], $0xffff  }
0x231: {  	v50 =	vadd.s32 v7, v32;
	v34 =	vld.idx.msk [tilespmem:v45+s3+$0x0], $0xffff  }
0x232: {  	v51 =	vadd.s32 v8, v32;
	v35 =	vld.idx.msk [tilespmem:v46+s3+$0x0], $0xffff  }
0x233: {  	v52 =	vadd.s32 v2, v32;
	v36 =	vld.idx.msk [tilespmem:v47+s3+$0x0], $0xffff  }
0x234: {  	v53 =	vadd.s32 v9, v32;
	v37 =	vld.idx.msk [tilespmem:v48+s3+$0x0], $0xffff  }
0x235: {  	v54 =	vadd.s32 v10, v32;
	v38 =	vld.idx.msk [tilespmem:v49+s3+$0x0], $0xffff  }
0x236: {  	v55 =	vadd.s32 v11, v32;
	v39 =	vld.idx.msk [tilespmem:v50+s3+$0x0], $0xffff  }
0x237: {  	v56 =	vadd.s32 v12, v32;
	v40 =	vld.idx.msk [tilespmem:v51+s3+$0x0], $0xffff  }
0x238: {  	v57 =	vadd.s32 v13, v32;
	v41 =	vld.idx.msk [tilespmem:v52+s3+$0x0], $0xffff  }
0x239: {  	s31 =	sadd.s32 $0x100, s28;
	v58 =	vadd.s32 v14, v32;
	v42 =	vld.idx.msk [tilespmem:v53+s3+$0x0], $0xffff  }
0x23a: {  	v59 =	vor.u32 s31, v16;
	v32 =	vadd.s32 v15, v32;
	v43 =	vld.idx.msk [tilespmem:v54+s3+$0x0], $0xffff  }
0x23b: {  	v60 =	vor.u32 s31, v17;
	v44 =	vld.idx.msk [tilespmem:v55+s3+$0x0], $0xffff  }
0x23c: {  	v61 =	vor.u32 s31, v18;
	v45 =	vld.idx.msk [tilespmem:v56+s3+$0x0], $0xffff  }
0x23d: {  	v62 =	vor.u32 s31, v19;
	v46 =	vld.idx.msk [tilespmem:v57+s3+$0x0], $0xffff  }
0x23e: {  	v63 =	vor.u32 s31, v20;
	v47 =	vld.idx.msk [tilespmem:v58+s3+$0x0], $0xffff  }
0x23f: {  	v32 =	vld.idx.msk [tilespmem:v32+s3+$0x0], $0xffff;
	v53 =	vor.u32 s31, v21;
	[tilespmem:v59+s21+$0x0] =	vst.idx.msk $0xffff, v33  }
0x240: {  	v54 =	vor.u32 s31, v22;
	[tilespmem:v60+s21+$0x0] =	vst.idx.msk $0xffff, v34  }
0x241: {  	v55 =	vor.u32 s31, v23;
	[tilespmem:v61+s21+$0x0] =	vst.idx.msk $0xffff, v35  }
0x242: {  	v56 =	vor.u32 s31, v24;
	[tilespmem:v62+s21+$0x0] =	vst.idx.msk $0xffff, v36  }
0x243: {  	v57 =	vor.u32 s31, v25;
	[tilespmem:v63+s21+$0x0] =	vst.idx.msk $0xffff, v37  }
0x244: {  	v58 =	vor.u32 s31, v26;
	[tilespmem:v53+s21+$0x0] =	vst.idx.msk $0xffff, v38  }
0x245: {  	v59 =	vor.u32 s31, v27;
	[tilespmem:v54+s21+$0x0] =	vst.idx.msk $0xffff, v39  }
0x246: {  	v60 =	vor.u32 s31, v28;
	[tilespmem:v55+s21+$0x0] =	vst.idx.msk $0xffff, v40  }
0x247: {  	v61 =	vor.u32 s31, v29;
	[tilespmem:v56+s21+$0x0] =	vst.idx.msk $0xffff, v41  }
0x248: {  	v62 =	vor.u32 s31, v30;
	[tilespmem:v57+s21+$0x0] =	vst.idx.msk $0xffff, v42  }
0x249: {  	p0 =	sne.s32 s28, $0x3E00;
	v63 =	vor.u32 s31, v31;
	[tilespmem:v58+s21+$0x0] =	vst.idx.msk $0xffff, v43  }
.Ltmp7:
0x24a: {  	[tilespmem:v59+s21+$0x0] =	vst.idx.msk $0xffff, v44;
	(pc) =	sbr.rel @p0 .LBB2_16-.Ltmp7, $4  }
0x24b: {  	[tilespmem:v60+s21+$0x0] =	vst.idx.msk $0xffff, v45  }
0x24c: {  	[tilespmem:v61+s21+$0x0] =	vst.idx.msk $0xffff, v46  }
0x24d: {  	[tilespmem:v62+s21+$0x0] =	vst.idx.msk $0xffff, v47  }
0x24e: {  	s26 =	sadd.s32 $0x20, s26;
	s28 =	sadd.s32 $0x200, s28;
	s25 =	sadd.s32 $0x20, s25;
	[tilespmem:v63+s21+$0x0] =	vst.idx.msk $0xffff, v32  }
0x24f: {  	[hbm4b:s13+s15] =	stream.strided.scatter [tilespmem:s21], [sflag:$0x4], $0x4000, s16, s15, $0x38;
	[tilespmem:$0x19000] =	vst v63  }
0x250: {  	s24 =	sadd.s32 $0x1, s24  }
0x251: {  	_ =	swait.ge [sflag:s22], $0x4000;
	p0 =	sne.s32 s24, s14  }
.Ltmp8:
0x252: {  	[sflag:s22] =	ssyncset.done $0x0;
	(pc) =	sbr.rel @p0 .LBB2_1-.Ltmp8, $4  }
0x253: {  	[sflag:s22] =	ssyncadd.s32 $0xFFFFC000  }
0x254: {  	_ =	swait.ge [sflag:s23], $0x4000  }
0x255: {  	[sflag:s23] =	ssyncset.done $0x0  }
0x256: {  	[sflag:s23] =	ssyncadd.s32 $0xFFFFC000  }
0x257: {  	_ =	sfence.sel $0x180000  }
0x258: {  	[bflag:$0x0] =	sbarrier.arrive $0xFFFF  }
0x259: {  	_ =	strace $0x90000047  }
0x25a: {  	[bflag:$0x2] =	sbarrier.arrive $0xFFFF  }
0x25b: {  	p0 =	sne.s32 s4, $0x0;
	s0 =	rddreg [dreg:$0x3]  }
0x25c: {  	s0 =	sadd.s32 @!p0 $0x100000, s0  }
0x25d: {  	[sflag:s0] =	ssyncadd.tile.s32 @!p0 $0x1;
	_ =	shalt  }
.Lfunc_end2:
_tile_overlayer_lowered:
.L_overlay_start_2:
0x25e: {  	(tag) =	ssettag $0x2  }
0x25f: {  	s0 =	rddreg [dreg:$0x0];
	s2 =	stileid.u32  }
0x260: {  	s1 =	rddreg [dreg:$0x1];
	p0 =	sne.s32 s2, $0x0  }
0x261: {  	s3 =	rddreg [dreg:$0x2];
	[bflag:$0x3] =	sbarrier.arrive $0xFFFF;
	s2 =	simm.s32 @!p0 $0x1C05  }
0x262: {  	[timem:s3], [sflag:s2] =	dma.local @!p0 [hbm:s0], s1  }
0x263: {  	s0 =	simm.s32 @!p0 $0x5  }
0x264: {  	_ =	swait.ge @!p0 [sflag:s0], s1  }
0x265: {  	s1 =	ssub.s32 @!p0 $0x0, s1;
	[sflag:s0] =	ssyncset.done @!p0 $0x0  }
0x266: {  	[sflag:s0] =	ssyncadd.s32 @!p0 s1  }
0x267: {  	[bflag:$0x3] =	sbarrier.arrive $0xFFFF  }
0x268: {  	_ =	shalt  }

// kernel: sparse-core-data-format-call.cloned.1.call-start
scs
called_computation_lowered:
.L_overlay_start_0:
0x0: {  	s2 =	sld [smem:$0x3FD9]  }
0x1: {  	s3 =	sld [smem:$0x3FFE];
	_ =	sdelay $0x1  }
0x2: {  	s1 =	srdreg.scid  }
0x3: {  	s0 =	sand.u32 $0x1, s1  }
0x4: {  	s18 =	sshll.u32 s0, $0xA;
	s2 =	sadd.s32 s3, s2  }
0x5: {  	s2 =	sadd.s32 s2, s18  }
0x6: {  	[smem:$0x3FC6] =	sst s2  }
0x7: {  	_ = 	snop  }
0x8: {  	s2 =	sld [smem:$0x3FD0];
	(tm) =	ssettm $0x1  }
0x9: {  	s19 =	sld [smem:$0x3FFB];
	_ =	sdelay $0x3  }
0xa: {  	_ =	strace s19  }
0xb: {  	s3 =	sld [smem:$0x3FFC];
	_ =	sdelay $0x3  }
0xc: {  	_ =	strace s3  }
0xd: {  	s3 =	sld [smem:$0x3FFD];
	_ =	sdelay $0x3  }
0xe: {  	_ =	strace s3  }
0xf: {  	_ =	strace $0x8FFFFFFF  }
0x10: {  	s20 =	sld [smem:$0x3FDB];
	_ =	sdelay $0x1  }
0x11: {  	s4 =	simm.s32 $_scs_section_size  }
0x12: {  	s5 =	simm.s32 $_size__tile_overlayer_lowered;
	s6 =	simm.s32 $_tile_overlayer_lowered  }
0x13: {  	s23 =	simm.s32 $0x1BFF;
	s22 =	sshll.u32 s6, $0x1;
	s3 =	sadd.s32 s4, s20  }
0x14: {  	s7 =	simm.s32 $0x0;
	s21 =	sshll.u32 s5, $0x1;
	s5 =	sadd.s32 s22, s3  }
0x15: {  	[timem:s7], [sflag:s23] =	dma.local [hbm:s5], s21  }
0x16: {  	_ =	swait.ge [sflag:s23], s21  }
0x17: {  	s4 =	ssub.s32 $0x0, s21;
	[sflag:s23] =	ssyncset.done $0x0  }
0x18: {  	[sflag:s23] =	ssyncadd.s32 s4;
	_ =	sdelay $0x1  }
0x19: {  	s24 =	simm.s32 $0x1B8B  }
0x1a: {  	_ =	swait.ge [sflag:s24], $0x1  }
0x1b: {  	[sflag:s24] =	ssyncset.done $0x0  }
0x1c: {  	s26 =	simm.s32 $0x1B8E;
	s25 =	sld [smem:$0x3FFE];
	[sflag:s24] =	ssyncadd.s32 $0xFFFFFFFF  }
0x1d: {  	s27 =	simm.s32 $execute0_lowered;
	[smem:$0x3FD2] =	sst s26  }
0x1e: {  	s5 =	sshll.u32 s27, $0x1;
	_ =	strace $0x80000049;
	[dreg:$0x1] =	wrdreg $0xFFFFFFFF  }
0x1f: {  	s28 =	simm.s32 $_size_execute0_lowered;
	s3 =	sadd.s32 s3, s5;
	[dreg:$0x0] =	wrdreg $0x0  }
0x20: {  	s5 =	sshll.u32 s28, $0x1;
	[dreg:$0x2] =	wrdreg s3  }
0x21: {  	[dreg:$0x3] =	wrdreg s5  }
0x22: {  	[dreg:$0x4] =	wrdreg $0xC0  }
0x23: {  	_ =	task [dreg:s7], $0x5FFFF  }
0x24: {  	[dreg:$0x1] =	wrdreg $0xFFFFFFFF  }
0x25: {  	[dreg:$0x0] =	wrdreg $0x60  }
0x26: {  	[dreg:$0x2] =	wrdreg s25  }
0x27: {  	[dreg:$0x3] =	wrdreg s2  }
0x28: {  	[dreg:$0x4] =	wrdreg $0x9  }
0x29: {  	_ =	task.clear_ibuf [dreg:s7], $0x5FFFF;
	_ =	strace $0x90000049  }
0x2a: {  	s29 =	simm.s32 $0x9;
	_ =	strace $0x8000004B  }
0x2b: {  	_ =	swait.ge [sflag:s29], $0x1  }
0x2c: {  	[sflag:s29] =	ssyncadd.s32 $0xFFFFFFFF  }
0x2d: {  	_ =	strace $0x9000004B  }
0x2e: {  	_ =	sfence  }
0x2f: {  	s30 =	sld [smem:$0x0];
	_ =	sdelay $0x2  }
0x30: {  	s31 =	sshll.u32 s1, $0xD;
	s1 =	sshrl.u32 s1, $0x2  }
0x31: {  	s3 =	sand.u32 $0x4000, s31;
	s1 =	sadd.s32 s1, s30  }
0x32: {  	s0 =	sor.u32 s3, s0;
	s1 =	sshll.u32 s1, $0x11  }
0x33: {  	s0 =	sor.u32 s1, s0  }
0x34: {  	s0 =	sadd.s32 $0x8F2B, s0  }
0x35: {  	[sflag:s0] =	ssyncadd.remote.s32 $0x1  }
0x36: {  	_ =	sfence.sel $0xFFFF  }
0x37: {  	[dreg:$0x0] =	wrdreg $0xFFFFFFFF;
	(pc) =	sbr.abs _section_cstart, $3  }
0x38: {  	[dreg:$0x1] =	wrdreg $0xFFFFFFFF  }
0x39: {  	_ =	task.clear_ibuf [dreg:s7], $0x2FFFF;
	_ =	strace $0x9FFFFFFF  }
0x3a: {  	(tm) =	ssettm $0x7FFFFFFF  }
0x3b: {  	_ =	shalt  }
tec
execute0_lowered:
.L_overlay_start_1:
0x0: {  	(tag) =	ssettag $0x1  }
0x1: {  	s0 =	stileid.u32  }
0x2: {  	s2 =	srdreg.scid;
	s5 =	rddreg [dreg:$0x0]  }
0x3: {  	s6 =	simm.s32 $0x1;
	s31 =	simm.s32 $0x2;
	s14 =	simm.s32 $0x0  }
0x4: {  	s9 =	simm.s32 $0x8000;
	s16 =	simm.s32 $0x0;
	s1 =	sshll.u32 s0, $0x7  }
0x5: {  	s15 =	simm.s32 $0x0;
	s10 =	simm.s32 $0x0;
	s3 =	ssub.s32 $0x800, s1  }
0x6: {  	s13 =	simm.s32 $0x0;
	s2 =	sand.u32 $0x1, s2;
	s4 =	sand.u32 $0x780, s3  }
0x7: {  	s5 =	sadd.s32 $0x800, s5;
	s7 =	ssub.s32 $0x10, s2;
	p0 =	sne.s32 s4, $0x0  }
0x8: {  	s3 =	sshrl.u32 s3, $0xB;
	s8 =	sshrl.u32 s7, $0x1;
	s6 =	simm.s32 @!p0 $0x0  }
.Ltmp0:
0x9: {  	s7 =	ssub.s32 s7, s8;
	s6 =	sadd.s32 s6, s3;
	(pc) =	sbr.rel .LBB1_1-.Ltmp0, $4  }
0xa: {  	s11 =	smov.u32 s2;
	s4 =	rddreg [dreg:$0x1];
	s7 =	smul.u32 s6, s7  }
0xb: {  	s3 =	rddreg [dreg:$0x2];
	_ =	strace $0x8000004A;
	s6 =	simm.s32 $0x1  }
0xc: {  	s12 =	smov.u32 s1;
	[sflag:s6] =	ssyncpa.u1 $0x0;
	s7 =	sshll.u32 s7, $0x3  }
0xd: {  	p0 =	por $0x0, $0x0;
	[sflag:s31] =	ssyncpa.u1 $0x0;
	s8 =	sor.u32 $0x1, s7  }
.LBB1_4:
0xe: {  	v5 =	vld [tilespmem:s19+$0xFFFFFFD0];
	[tilespmem:s20+$0x2040 ss:$0x81] =	vst.msk $0xffff, v1  }
0xf: {  	v58 =	vld [tilespmem:s19+$0xFFFFFFE0];
	[tilespmem:s20+$0x2850 ss:$0x81] =	vst.msk $0xffff, v2  }
0x10: {  	s21 =	sshra.s32 s21, $0x2;
	v59 =	vld [tilespmem:s19+$0xFFFFFFF0];
	[tilespmem:s20+$0x3060 ss:$0x81] =	vst.msk $0xffff, v3  }
0x11: {  	v60 =	vld [tilespmem:s19+$0x0];
	[tilespmem:s20+$0x0 ss:$0x81] =	vst.msk $0xffff, v0;
	s18 =	sadd.s32 s21, s18  }
0x12: {  	v61 =	vld [tilespmem:s19+$0x10];
	s26 =	sshll.u32 s16, $0xB;
	[tilespmem:s18+$0x3870 ss:$0x81] =	vst.msk $0xffff, v4  }
0x13: {  	v62 =	vld [tilespmem:s19+$0x20];
	s27 =	sand.u32 $0x78, s15;
	s22 =	sshll.u32 s15, $0x3;
	s29 =	sshll.u32 s16, $0x7;
	[tilespmem:s18+$0x810 ss:$0x81] =	vst.msk $0xffff, v5  }
0x14: {  	v63 =	vld [tilespmem:s19+$0xFFFFFFC0];
	s14 =	sshll.u32 s14, $0xC;
	s20 =	sand.u32 $0x4000, s26;
	s28 =	sand.u32 $0x7C00, s22;
	[tilespmem:s18+$0x1020 ss:$0x81] =	vst.msk $0xffff, v58  }
0x15: {  	s31 =	sand.u32 $0x7, s15;
	s22 =	sand.u32 $0x400, s22;
	s19 =	sadd.s32 s28, s20;
	[tilespmem:s18+$0x1830 ss:$0x81] =	vst.msk $0xffff, v59  }
0x16: {  	s16 =	sand.u32 $0x380, s29;
	s30 =	sor.u32 s27, s22;
	s19 =	sshrl.u32 s19, $0x3;
	[tilespmem:s18+$0x2040 ss:$0x81] =	vst.msk $0xffff, v60  }
0x17: {  	s14 =	sadd.s32 s4, s14;
	s16 =	sor.u32 s16, s30;
	s19 =	sand.u32 $0xF00, s19;
	[tilespmem:s18+$0x2850 ss:$0x81] =	vst.msk $0xffff, v61  }
0x18: {  	s15 =	sshll.u32 s31, $0x12;
	s16 =	sshrl.u32 s16, $0x3;
	[tilespmem:s18+$0x3060 ss:$0x81] =	vst.msk $0xffff, v62;
	s14 =	sadd.s32 s19, s14  }
0x19: {  	s15 =	sor.u32 $0x80, s15;
	[tilespmem:s18+$0x0 ss:$0x81] =	vst.msk $0xffff, v63;
	s14 =	sadd.s32 s16, s14  }
0x1a: {  	[hbm4b:s14+s15] =	stream.strided.scatter [tilespmem:s17], [sflag:$0x2], $0x4000, s9, s15, $0x20;
	[tilespmem:$0x10100] =	vst v63  }
.LBB1_5:
0x1b: {  	s17 =	sadd.s32 $0x80, s10  }
0x1c: {  	s14 =	sadd.s32 $0x2, s11;
	s18 =	smov.u32 s11;
	p2 =	sgt.s32 s17, $0x3FF  }
0x1d: {  	s18 =	smov.u32 @p2 s14  }
0x1e: {  	s20 =	smov.u32 s12;
	s14 =	sadd.s32 $0x800, s12;
	p3 =	sgt.s32 s18, $0xF  }
0x1f: {  	s20 =	smov.u32 @p3 s14  }
0x20: {  	s17 =	simm.s32 @p2 $0x0;
	p2 =	sgt.s32 s20, $0x7FF  }
0x21: {  	p1 =	slt.u32 s13, $0x2;
	s20 =	smov.u32 @p2 s1;
	p2 =	sne.s32 s13, s8  }
.Ltmp1:
0x22: {  	s19 =	simm.s32 @!p1 $0x2;
	(pc) =	sbr.rel @!p2 .LBB1_6-.Ltmp1, $4  }
0x23: {  	s16 =	smov.u32 s11;
	s15 =	smov.u32 s12;
	_ =	swait.ge @!p1 [sflag:s19], $0x4000  }
0x24: {  	p0 =	por !p0, !p0;
	[sflag:s19] =	ssyncset.done @!p1 $0x0;
	s18 =	smov.u32 @p3 s2  }
0x25: {  	s14 =	smov.u32 s10;
	[sflag:s19] =	ssyncadd.s32 @!p1 $0xFFFFC000;
	s10 =	smov.u32 s17  }
0x26: {  	s11 =	smov.u32 s18;
	s13 =	sadd.s32 $0x1, s13;
	s12 =	smov.u32 s20  }
.LBB1_1:
0x27: {  	p1 =	sge.u32 s13, s7  }
0x28: {  	s31 =	sadd.s32 $0xFFFFFFFF, s13;
	s17 =	sshll.u32 @!p1 s11, $0x7  }
0x29: {  	s18 =	sxor.u32 @!p1 $0xFFFFFFFF, s13;
	s19 =	sand.u32 @!p1 $0x78, s10;
	s20 =	sand.u32 @!p1 $0x380, s17  }
0x2a: {  	s18 =	sshll.u32 @!p1 s18, $0xE;
	s19 =	sor.u32 @!p1 s19, s20;
	s20 =	sshll.u32 @!p1 s12, $0xB  }
0x2b: {  	s17 =	sand.u32 @!p1 $0x400, s17;
	s19 =	sshrl.u32 @!p1 s19, $0x3;
	s20 =	sadd.s32 @!p1 s5, s20  }
0x2c: {  	s17 =	sadd.s32 @!p1 s10, s17;
	s19 =	sadd.s32 @!p1 s19, s20;
	s20 =	sand.u32 @!p1 $0x7, s10  }
0x2d: {  	s18 =	sand.u32 @!p1 $0x4000, s18;
	s17 =	sand.u32 @!p1 $0x780, s17;
	s20 =	sshll.u32 @!p1 s20, $0x12  }
0x2e: {  	s17 =	sadd.s32 @!p1 s17, s19;
	s19 =	sor.u32 @!p1 $0x80, s20;
	s20 =	simm.s32 @!p1 $0x4000  }
0x2f: {  	[tilespmem:s18], [sflag:$0x1] =	stream.strided.gather @!p1 [hbm4b:s17+s19], $0x4000, s20, s19, $0x38;
	[tilespmem:$0x10100] =	vst v63  }
0x30: {  	p1 =	sge.u32 s31, s7  }
.Ltmp2:
0x31: {  	_ = 	snop;
	(pc) =	sbr.rel @p1 .LBB1_5-.Ltmp2, $1  }
0x32: {  	_ =	sdelay $0x3  }
0x33: {  	s17 =	simm.s32 $0x1  }
0x34: {  	_ =	swait.ge [sflag:s6], $0x4000;
	s17 =	simm.s32 @!p0 $0x0  }
0x35: {  	[sflag:s6] =	ssyncset.done $0x0;
	s18 =	sshll.u32 s17, $0xE  }
0x36: {  	[sflag:s6] =	ssyncadd.s32 $0xFFFFC000;
	s19 =	sor.u32 $0x40, s18  }
0x37: {  	s17 =	smul.u32 $0x10200, s17;
	v0 =	vld [tilespmem:s19+$0x30]  }
0x38: {  	v3 =	vld [tilespmem:s19+$0xFFFFFFD0]  }
0x39: {  	s17 =	sshrl.u32 s17, $0x2;
	v4 =	vld [tilespmem:s19+$0xFFFFFFE0]  }
0x3a: {  	v5 =	vld [tilespmem:s19+$0xFFFFFFF0];
	s18 =	sor.u32 $0x8000, s17  }
0x3b: {  	s31 =	sand.u32 $0x1, s13;
	v1 =	vld [tilespmem:s19+$0x0];
	s20 =	sadd.s32 $0x0, s18  }
0x3c: {  	v2 =	vld [tilespmem:s19+$0x10];
	s17 =	smul.u32 $0x10200, s31;
	[tilespmem:s20+$0x3870 ss:$0x81] =	vst.msk $0xffff, v0  }
0x3d: {  	[tilespmem:s20+$0x810 ss:$0x81] =	vst.msk $0xffff, v3;
	v3 =	vld [tilespmem:s19+$0x20]  }
0x3e: {  	s17 =	sshrl.u32 s17, $0x2;
	v0 =	vld [tilespmem:s19+$0xFFFFFFC0];
	[tilespmem:s20+$0x1020 ss:$0x81] =	vst.msk $0xffff, v4;
	s19 =	sadd.s32 $0x80, s19  }
0x3f: {  	s21 =	simm.s32 $0x4;
	s22 =	simm.s32 $0x8;
	s17 =	sor.u32 $0x8000, s17;
	[tilespmem:s20+$0x1830 ss:$0x81] =	vst.msk $0xffff, v5;
	v4 =	vld [tilespmem:s19+$0x30]  }
.LBB1_3:
0x40: {  	p1 =	sne.s32 s22, $0x1FC;
	v5 =	vld [tilespmem:s19+$0xFFFFFFD0];
	[tilespmem:s20+$0x2040 ss:$0x81] =	vst.msk $0xffff, v1  }
0x41: {  	v6 =	vld [tilespmem:s19+$0xFFFFFFE0];
	[tilespmem:s20+$0x2850 ss:$0x81] =	vst.msk $0xffff, v2  }
0x42: {  	s23 =	sshra.s32 s21, $0x2;
	s21 =	smov.u32 s22;
	v7 =	vld [tilespmem:s19+$0xFFFFFFF0];
	[tilespmem:s20+$0x3060 ss:$0x81] =	vst.msk $0xffff, v3  }
.Ltmp3:
0x43: {  	v1 =	vld [tilespmem:s19+$0x0];
	[tilespmem:s20+$0x0 ss:$0x81] =	vst.msk $0xffff, v0;
	s20 =	sadd.s32 s23, s18;
	(pc) =	sbr.rel @p1 .LBB1_3-.Ltmp3, $4  }
0x44: {  	v2 =	vld [tilespmem:s19+$0x10];
	[tilespmem:s20+$0x3870 ss:$0x81] =	vst.msk $0xffff, v4  }
0x45: {  	[tilespmem:s20+$0x810 ss:$0x81] =	vst.msk $0xffff, v5;
	v3 =	vld [tilespmem:s19+$0x20]  }
0x46: {  	v0 =	vld [tilespmem:s19+$0xFFFFFFC0];
	[tilespmem:s20+$0x1020 ss:$0x81] =	vst.msk $0xffff, v6;
	s19 =	sadd.s32 $0x80, s19  }
0x47: {  	s22 =	sadd.s32 $0x4, s22;
	v4 =	vld [tilespmem:s19+$0x30];
	[tilespmem:s20+$0x1830 ss:$0x81] =	vst.msk $0xffff, v7  }
.Ltmp4:
0x48: {  	_ = 	snop;
	(pc) =	sbr.rel .LBB1_4-.Ltmp4, $1  }
0x49: {  	_ =	sdelay $0x3  }
.LBB1_6:
0x4a: {  	_ =	sfence.sel $0x180000  }
0x4b: {  	s1 =	simm.s32 $0x1;
	[bflag:$0x0] =	sbarrier.arrive $0xFFFF  }
0x4c: {  	s31 =	simm.s32 $0x2;
	[sflag:s1] =	ssyncpa.u1 $0x1  }
0x4d: {  	[sflag:s31] =	ssyncpa.u1 $0x1  }
0x4e: {  	p0 =	sne.s32 s0, $0x0;
	_ =	strace $0x9000004A  }
0x4f: {  	s0 =	sadd.s32 @!p0 $0x100000, s3;
	[bflag:$0x2] =	sbarrier.arrive $0xFFFF  }
0x50: {  	[sflag:s0] =	ssyncadd.tile.s32 @!p0 $0x1;
	_ =	shalt  }
.Lfunc_end1:
_tile_overlayer_lowered:
.L_overlay_start_2:
0x51: {  	(tag) =	ssettag $0x2  }
0x52: {  	s0 =	rddreg [dreg:$0x0];
	s2 =	stileid.u32  }
0x53: {  	s1 =	rddreg [dreg:$0x1];
	p0 =	sne.s32 s2, $0x0  }
0x54: {  	s3 =	rddreg [dreg:$0x2];
	[bflag:$0x3] =	sbarrier.arrive $0xFFFF;
	s2 =	simm.s32 @!p0 $0x1C01  }
0x55: {  	[timem:s3], [sflag:s2] =	dma.local @!p0 [hbm:s0], s1  }
0x56: {  	s0 =	simm.s32 @!p0 $0x1  }
0x57: {  	_ =	swait.ge @!p0 [sflag:s0], s1  }
0x58: {  	s1 =	ssub.s32 @!p0 $0x0, s1;
	[sflag:s0] =	ssyncset.done @!p0 $0x0  }
0x59: {  	[sflag:s0] =	ssyncadd.s32 @!p0 s1  }
0x5a: {  	[bflag:$0x3] =	sbarrier.arrive $0xFFFF  }
0x5b: {  	_ =	shalt  }

</sc_bundles>
